<compile_context>
chip_gen: v7x
topology: tpu7x:2x2x1
jax: 0.10.2.dev20260603
libtpu: 0.0.44.dev20260713+nightly
codegen_flags: <defaults>
</compile_context>

<pallas_src>
import jax
import jax.numpy as jnp
from jax import lax
from jax.experimental import pallas as pl
from jax.experimental.pallas import tpu as pltpu
from jax.experimental.pallas import tpu_sc as plsc

N = 10000
E = 320000
D = 128
H = 128
B = 64
OUT = 64

NC = 2
NS = 16
NW = NC * NS
K = 64
K2 = 128
NCHUNK = 160
EPW = NCHUNK * K
EPAD = NW * EPW
LAST_TRIPS = (E - (NW - 1) * EPW) // K
NACC2 = N + 16
ROWS_PT = 624
TAIL_OFF = ROWS_PT * NS
TAIL = N - TAIL_OFF

_HIGH = lax.Precision.HIGHEST


def _make_seg_body(ph, k, with_cnt):
    nchunk = EPW // k
    last_trips = (E - (NW - 1) * EPW) // k
    def body(*refs):
        if with_cnt:
            (table, src2, dst2, z128, z1, acc_out, cnt_out,
             srcv, dstv, r0, r1, cntp, sem0, sem1, acc) = refs
        else:
            (table, src2, dst2, z128, acc_out,
             srcv, dstv, r0, r1, sem0, sem1, acc) = refs
        c = lax.axis_index("c")
        s = lax.axis_index("s")
        wid = s * NC + c
        roff = s * ROWS_PT
        pltpu.sync_copy(z128.at[pl.ds(roff, ROWS_PT)],
                        acc.at[pl.ds(roff, ROWS_PT)])
        if with_cnt:
            pltpu.sync_copy(z1, cntp)
            ones = jnp.ones((16,), jnp.float32)

        @pl.when(s == NS - 1)
        def _():
            pltpu.sync_copy(z128.at[pl.ds(TAIL_OFF, TAIL)],
                            acc.at[pl.ds(TAIL_OFF, TAIL)])

        plsc.subcore_barrier()

        trips = jnp.where(wid == NW - 1, last_trips, nchunk)

        for p in range(nchunk // ph):
            pltpu.sync_copy(src2.at[wid, pl.ds(p * ph, ph)], srcv)
            pltpu.sync_copy(dst2.at[wid, pl.ds(p * ph, ph)], dstv)
            t_p = jnp.clip(trips - p * ph, 0, ph)

            @pl.when(t_p > 0)
            def _():
                pltpu.async_copy(table.at[srcv.at[0]], r0, sem0)

            def pair(i, carry):
                j0 = 2 * i
                cp1 = pltpu.async_copy(table.at[srcv.at[j0 + 1]], r1, sem1)
                pltpu.make_async_copy(table.at[srcv.at[j0]], r0, sem0).wait()
                pltpu.sync_copy(r0, acc.at[dstv.at[j0]], add=True)

                @pl.when(j0 + 2 < t_p)
                def _():
                    pltpu.async_copy(table.at[srcv.at[j0 + 2]], r0, sem0)

                if with_cnt:
                    for q in range(k // 16):
                        idx = dstv[j0, pl.ds(q * 16, 16)]
                        plsc.addupdate_scatter(cntp, [idx], ones)
                cp1.wait()
                pltpu.sync_copy(r1, acc.at[dstv.at[j0 + 1]], add=True)
                if with_cnt:
                    for q in range(k // 16):
                        idx = dstv[j0 + 1, pl.ds(q * 16, 16)]
                        plsc.addupdate_scatter(cntp, [idx], ones)
                return carry

            lax.fori_loop(0, t_p // 2, pair, 0)
        plsc.subcore_barrier()
        pltpu.sync_copy(acc.at[pl.ds(roff, ROWS_PT)],
                        acc_out.at[c, pl.ds(roff, ROWS_PT)])
        if with_cnt:
            pltpu.sync_copy(cntp, cnt_out.at[wid, 0])

        @pl.when(s == NS - 1)
        def _():
            pltpu.sync_copy(acc.at[pl.ds(TAIL_OFF, TAIL)],
                            acc_out.at[c, pl.ds(TAIL_OFF, TAIL)])

    return body


def _make_sc_kernels():
    mesh = plsc.VectorSubcoreMesh(
        core_axis_name="c", subcore_axis_name="s",
        num_cores=NC, num_subcores=NS,
    )
    ph1 = 80
    seg1 = pl.kernel(
        _make_seg_body(ph1, K, True),
        out_type=(jax.ShapeDtypeStruct((NC, N, D), jnp.float32),
                  jax.ShapeDtypeStruct((NW, 1, NACC2), jnp.float32)),
        mesh=mesh,
        compiler_params=pltpu.CompilerParams(needs_layout_passes=False),
        scratch_types=[
            pltpu.VMEM((ph1, K), jnp.int32),
            pltpu.VMEM((ph1, K), jnp.int32),
            pltpu.VMEM((K, D), jnp.float32),
            pltpu.VMEM((K, D), jnp.float32),
            pltpu.VMEM((NACC2,), jnp.float32),
            pltpu.SemaphoreType.DMA,
            pltpu.SemaphoreType.DMA,
            pltpu.VMEM_SHARED((N, D), jnp.float32),
        ],
        name="seg_cnt",
    )
    ph2 = 40
    seg2 = pl.kernel(
        _make_seg_body(ph2, K2, False),
        out_type=jax.ShapeDtypeStruct((NC, N, D), jnp.float32),
        mesh=mesh,
        scratch_types=[
            pltpu.VMEM((ph2, K2), jnp.int32),
            pltpu.VMEM((ph2, K2), jnp.int32),
            pltpu.VMEM((K2, D), jnp.float32),
            pltpu.VMEM((K2, D), jnp.float32),
            pltpu.SemaphoreType.DMA,
            pltpu.SemaphoreType.DMA,
            pltpu.VMEM_SHARED((N, D), jnp.float32),
        ],
        name="seg_sum",
    )
    return seg1, seg2


_sc_cache = []


def _sc_kernels():
    if not _sc_cache:
        _sc_cache.append(_make_sc_kernels())
    return _sc_cache[0]


_GRID = 10
_BN = N // _GRID


def _xr_body(x_ref, w_ref, b_ref, xr_ref):
    xr_ref[...] = lax.dot_general(x_ref[...], w_ref[...], (((1,), (1,)), ((), ())),
                                  precision=_HIGH) + b_ref[...]


def _mid_body(a_ref, c_ref, xr1_ref, w1l_ref, h1_ref):
    cnt = jnp.sum(c_ref[...], axis=1)
    inv = 1.0 / jnp.maximum(cnt, 1.0)
    mean = (a_ref[0] + a_ref[1]) * inv[:, None]
    h1 = lax.dot_general(mean, w1l_ref[...], (((1,), (1,)), ((), ())),
                         precision=_HIGH) + xr1_ref[...]
    h1_ref[...] = jnp.maximum(h1, 0.0)


def _tail_body(a_ref, c_ref, xr2_ref, w2l_ref, batch_ref, embed_ref,
               wa_ref, wb_ref, blin_ref, out_ref, pool_ref, cb_ref):
    i = pl.program_id(0)
    cnt = jnp.sum(c_ref[...], axis=1)
    inv = 1.0 / jnp.maximum(cnt, 1.0)
    mean = (a_ref[0] + a_ref[1]) * inv[:, None]
    h2 = lax.dot_general(mean, w2l_ref[...], (((1,), (1,)), ((), ())),
                         precision=_HIGH) + xr2_ref[...]
    h2 = jnp.maximum(h2, 0.0)
    ids = lax.broadcasted_iota(jnp.int32, (B, _BN), 0)
    oneh = (ids == batch_ref[0]).astype(jnp.float32)
    pool_p = lax.dot_general(oneh, h2, (((1,), (0,)), ((), ())),
                             precision=_HIGH)
    cb_p = jnp.sum(oneh, axis=1, keepdims=True)

    @pl.when(i == 0)
    def _():
        pool_ref[...] = jnp.zeros_like(pool_ref)
        cb_ref[...] = jnp.zeros_like(cb_ref)

    pool_ref[...] += pool_p
    cb_ref[...] += cb_p

    @pl.when(i == _GRID - 1)
    def _():
        pooled = pool_ref[...] / jnp.maximum(cb_ref[...], 1.0)
        out = lax.dot_general(pooled, wa_ref[...], (((1,), (1,)), ((), ())),
                              precision=_HIGH)
        out = out + lax.dot_general(embed_ref[...], wb_ref[...],
                                    (((1,), (1,)), ((), ())), precision=_HIGH)
        out_ref[...] = out + blin_ref[...]


def kernel(x, edge_index, batch, embed, W1l, b1l, W1r, W2l, b2l, W2r, Wlin, blin):
    npad = EPAD - E
    srcf = jnp.concatenate([edge_index[0], jnp.zeros((npad,), jnp.int32)])
    dstf = jnp.concatenate([edge_index[1], jnp.zeros((npad,), jnp.int32)])
    src2 = srcf.reshape(NW, NCHUNK, K)
    dst2 = dstf.reshape(NW, NCHUNK, K)
    src2b = srcf.reshape(NW, EPW // K2, K2)
    dst2b = dstf.reshape(NW, EPW // K2, K2)
    z128 = jnp.zeros((N, D), jnp.float32)
    z1 = jnp.zeros((NACC2,), jnp.float32)
    b1 = b1l.reshape(1, H)
    b2 = b2l.reshape(1, H)
    bl = blin.reshape(1, OUT)
    batch3 = batch.reshape(_GRID, 1, _BN)
    wa = Wlin[:, :H]
    wb = Wlin[:, H:]

    seg1, seg2 = _sc_kernels()

    blk_a = pl.BlockSpec((NC, _BN, D), lambda i: (0, i, 0))
    blk_c = pl.BlockSpec((_BN, NW), lambda i: (i, 0))
    blk_r = pl.BlockSpec((_BN, D), lambda i: (i, 0))
    blk_w = pl.BlockSpec((H, H), lambda i: (0, 0))
    blk_b = pl.BlockSpec((1, H), lambda i: (0, 0))

    def xr_call(inp, w, bias):
        return pl.pallas_call(
            _xr_body,
            grid=(_GRID,),
            in_specs=[blk_r, blk_w, blk_b],
            out_specs=blk_r,
            out_shape=jax.ShapeDtypeStruct((N, D), jnp.float32),
        )(inp, w, bias)

    a1, cntw3 = seg1(x, src2, dst2, z128, z1)
    xr1 = xr_call(x, W1r, b1)
    cntw = jnp.transpose(cntw3.reshape(NW, NACC2))

    h1 = pl.pallas_call(
        _mid_body,
        grid=(_GRID,),
        in_specs=[blk_a, blk_c, blk_r, blk_w],
        out_specs=blk_r,
        out_shape=jax.ShapeDtypeStruct((N, D), jnp.float32),
    )(a1, cntw, xr1, W1l)

    a2 = seg2(h1, src2b, dst2b, z128)
    xr2 = xr_call(h1, W2r, b2)

    out = pl.pallas_call(
        _tail_body,
        grid=(_GRID,),
        in_specs=[blk_a, blk_c, blk_r, blk_w,
                  pl.BlockSpec((1, 1, _BN), lambda i: (i, 0, 0)),
                  pl.BlockSpec((B, H), lambda i: (0, 0)),
                  pl.BlockSpec((OUT, H), lambda i: (0, 0)),
                  pl.BlockSpec((OUT, H), lambda i: (0, 0)),
                  pl.BlockSpec((1, OUT), lambda i: (0, 0))],
        out_specs=pl.BlockSpec((B, OUT), lambda i: (0, 0)),
        out_shape=jax.ShapeDtypeStruct((B, OUT), jnp.float32),
        scratch_shapes=[pltpu.VMEM((B, H), jnp.float32),
                        pltpu.VMEM((B, 1), jnp.float32)],
    )(a2, cntw, xr2, W2l, batch3, embed, wa, wb, bl)
    return out

# --- scband reference (transcript-rebuilt; emitter-appended) ---
"""Pipeline reference for scband-gnn-23424751632407 (READ-ONLY COPY).

The authoritative reference and input builder live on the scoring server;
editing this copy changes nothing except your own understanding.
"""

import jax, jax.numpy as jnp
import numpy as np

N = 10000
E = 320000
D = 128
H = 128
ED = 128
B = 64
OUT = 64


def setup_inputs(seed: int = 0) -> dict:
    key = jax.random.key(seed)
    ks = jax.random.split(key, 12)
    x = jax.random.normal(ks[0], (N, D), dtype=jnp.float32)
    edge_index = jax.random.randint(ks[1], (2, E), 0, N, dtype=jnp.int32)
    batch = jnp.sort(jax.random.randint(ks[2], (N,), 0, B, dtype=jnp.int32))
    embed = jax.random.normal(ks[3], (B, ED), dtype=jnp.float32)
    s1 = 1.0 / np.sqrt(D)
    s2 = 1.0 / np.sqrt(H)
    s3 = 1.0 / np.sqrt(H + ED)
    W1l = jax.random.normal(ks[4], (H, D), dtype=jnp.float32) * s1
    b1l = jnp.zeros((H,), dtype=jnp.float32)
    W1r = jax.random.normal(ks[5], (H, D), dtype=jnp.float32) * s1
    W2l = jax.random.normal(ks[6], (H, H), dtype=jnp.float32) * s2
    b2l = jnp.zeros((H,), dtype=jnp.float32)
    W2r = jax.random.normal(ks[7], (H, H), dtype=jnp.float32) * s2
    Wlin = jax.random.normal(ks[8], (OUT, H + ED), dtype=jnp.float32) * s3
    blin = jnp.zeros((OUT,), dtype=jnp.float32)
    return {"x": x, "edge_index": edge_index, "batch": batch, "embed": embed,
            "W1l": W1l, "b1l": b1l, "W1r": W1r,
            "W2l": W2l, "b2l": b2l, "W2r": W2r,
            "Wlin": Wlin, "blin": blin}


def _sage_conv(x, edge_index, Wl, bl, Wr):
    # PyG SAGEConv with mean aggregation:
    #   out = lin_l(mean_{j in N(i)} x_j) + lin_r(x_i)
    src = edge_index[0]
    dst = edge_index[1]
    msg = x[src]
    agg = jax.ops.segment_sum(msg, dst, num_segments=N)
    cnt = jax.ops.segment_sum(jnp.ones((msg.shape[0], 1), dtype=x.dtype), dst, num_segments=N)
    mean = agg / jnp.clip(cnt, 1.0)
    return mean @ Wl.T + bl + x @ Wr.T


def _global_mean_pool(h, batch, num_graphs):
    sums = jax.ops.segment_sum(h, batch, num_segments=num_graphs)
    cnts = jax.ops.segment_sum(jnp.ones((h.shape[0], 1), dtype=h.dtype), batch, num_segments=num_graphs)
    return sums / jnp.clip(cnts, 1.0)


def reference(x, edge_index, batch, embed, W1l, b1l, W1r, W2l, b2l, W2r, Wlin, blin):
    h = jax.nn.relu(_sage_conv(x, edge_index, W1l, b1l, W1r))
    h = jax.nn.relu(_sage_conv(h, edge_index, W2l, b2l, W2r))
    pooled = _global_mean_pool(h, batch, B)
    cat = jnp.concatenate([pooled, embed], axis=1)
    out = cat @ Wlin.T + blin
    return out

if __name__ == "__main__":
    import jax
    _d = setup_inputs()
    print(jax.jit(kernel)(*tuple(_d.values())))

</pallas_src>

<mosaic_0001>
#map = affine_map<(d0, d1) -> (0, 0)>
#map1 = affine_map<(d0, d1) -> (0, 0, 0)>
#map2 = affine_map<(d0, d1) -> (0)>
module attributes {stable_mosaic.version = 14 : i64} {
  func.func @seg_cnt(%arg0: i32, %arg1: i32, %arg2: memref<10000x128xf32, #tpu.memory_space<hbm>>, %arg3: memref<32x160x64xi32, #tpu.memory_space<hbm>>, %arg4: memref<32x160x64xi32, #tpu.memory_space<hbm>>, %arg5: memref<10000x128xf32, #tpu.memory_space<hbm>>, %arg6: memref<10016xf32, #tpu.memory_space<hbm>>, %arg7: memref<2x10000x128xf32, #tpu.memory_space<hbm>>, %arg8: memref<32x1x10016xf32, #tpu.memory_space<hbm>>, %arg9: memref<80x64xi32, #tpu.memory_space<vmem>>, %arg10: memref<80x64xi32, #tpu.memory_space<vmem>>, %arg11: memref<64x128xf32, #tpu.memory_space<vmem>>, %arg12: memref<64x128xf32, #tpu.memory_space<vmem>>, %arg13: memref<10016xf32, #tpu.memory_space<vmem>>, %arg14: memref<!tpu.dma_semaphore, #tpu.memory_space<semaphore_mem>>, %arg15: memref<!tpu.dma_semaphore, #tpu.memory_space<semaphore_mem>>, %arg16: memref<10000x128xf32, #tpu.memory_space<vmem_shared>>) attributes {dimension_semantics = [#tpu.dimension_semantics<core_parallel>, #tpu.dimension_semantics<subcore_parallel>], iteration_bounds = array<i64: 2, 16>, scalar_prefetch = 0 : i64, scratch_operands = 8 : i64, tpu.core_type = #tpu.core_type<sc_vector_subcore>, window_params = [{transform_indices = #map}, {transform_indices = #map1}, {transform_indices = #map1}, {transform_indices = #map}, {transform_indices = #map2}, {transform_indices = #map1}, {transform_indices = #map1}]} {
    %mul3A = arith.constant 2 : i32
    %mul3A_0 = arith.muli %arg1, %mul3A : i32
    %add3A = arith.addi %mul3A_0, %arg0 : i32
    %mul3A_1 = arith.constant 624 : i32
    %mul3A_2 = arith.muli %arg1, %mul3A_1 : i32
    "tpu.region"() ({
      %run_scoped3A_95 = tpu.sem_alloc : memref<!tpu.dma_semaphore, #tpu.memory_space<semaphore_mem>>
      %dma_start3A = arith.constant 0 : i32
      %dma_start3A_96 = tpu.memref_slice %arg16[%mul3A_2, %dma_start3A] : memref<10000x128xf32, #tpu.memory_space<vmem_shared>> -> memref<624x128xf32, #tpu.memory_space<vmem_shared>>
      %dma_start3A_97 = arith.constant 0 : i32
      %dma_start3A_98 = tpu.memref_slice %arg5[%mul3A_2, %dma_start3A_97] : memref<10000x128xf32, #tpu.memory_space<hbm>> -> memref<624x128xf32, #tpu.memory_space<hbm>>
      tpu.enqueue_dma source(%dma_start3A_98 : memref<624x128xf32, #tpu.memory_space<hbm>>) target(%dma_start3A_96 : memref<624x128xf32, #tpu.memory_space<vmem_shared>>) target_semaphore(%run_scoped3A_95 : memref<!tpu.dma_semaphore, #tpu.memory_space<semaphore_mem>>)
      %dma_wait3A = arith.constant 0 : i32
      %dma_wait3A_99 = tpu.memref_slice %arg16[%mul3A_2, %dma_wait3A] : memref<10000x128xf32, #tpu.memory_space<vmem_shared>> -> memref<624x128xf32, #tpu.memory_space<vmem_shared>>
      %dma_wait3A_100 = arith.constant 0 : i32
      %dma_wait3A_101 = tpu.memref_slice %arg5[%mul3A_2, %dma_wait3A_100] : memref<10000x128xf32, #tpu.memory_space<hbm>> -> memref<624x128xf32, #tpu.memory_space<hbm>>
      tpu.wait_dma2 semaphore(%run_scoped3A_95 : memref<!tpu.dma_semaphore, #tpu.memory_space<semaphore_mem>>) src(%dma_wait3A_101 : memref<624x128xf32, #tpu.memory_space<hbm>>) dst(%dma_wait3A_99 : memref<624x128xf32, #tpu.memory_space<vmem_shared>>)
      tpu.yield
    }) : () -> ()
    "tpu.region"() ({
      %run_scoped3A_95 = tpu.sem_alloc : memref<!tpu.dma_semaphore, #tpu.memory_space<semaphore_mem>>
      tpu.enqueue_dma source(%arg6 : memref<10016xf32, #tpu.memory_space<hbm>>) target(%arg13 : memref<10016xf32, #tpu.memory_space<vmem>>) target_semaphore(%run_scoped3A_95 : memref<!tpu.dma_semaphore, #tpu.memory_space<semaphore_mem>>)
      tpu.wait_dma2 semaphore(%run_scoped3A_95 : memref<!tpu.dma_semaphore, #tpu.memory_space<semaphore_mem>>) src(%arg6 : memref<10016xf32, #tpu.memory_space<hbm>>) dst(%arg13 : memref<10016xf32, #tpu.memory_space<vmem>>)
      tpu.yield
    }) : () -> ()
    %broadcast_in_dim3A = arith.constant 1.000000e+00 : f32
    %broadcast_in_dim3A_3 = vector.broadcast %broadcast_in_dim3A : f32 to vector<16xf32>
    %eq3A = arith.constant 15 : i32
    %eq3A_4 = arith.cmpi eq, %arg1, %eq3A : i32
    %convert_element_type3A = arith.extui %eq3A_4 : i1 to i32
    %cond3A = arith.constant 0 : i32
    %cond3A_5 = arith.cmpi ne, %convert_element_type3A, %cond3A : i32
    scf.if %cond3A_5 {
      "tpu.region"() ({
        %run_scoped3A_95 = tpu.sem_alloc : memref<!tpu.dma_semaphore, #tpu.memory_space<semaphore_mem>>
        %dma_start3A = arith.constant 9984 : i32
        %dma_start3A_96 = arith.constant 0 : i32
        %dma_start3A_97 = tpu.memref_slice %arg16[%dma_start3A, %dma_start3A_96] : memref<10000x128xf32, #tpu.memory_space<vmem_shared>> -> memref<16x128xf32, #tpu.memory_space<vmem_shared>>
        %dma_start3A_98 = arith.constant 9984 : i32
        %dma_start3A_99 = arith.constant 0 : i32
        %dma_start3A_100 = tpu.memref_slice %arg5[%dma_start3A_98, %dma_start3A_99] : memref<10000x128xf32, #tpu.memory_space<hbm>> -> memref<16x128xf32, #tpu.memory_space<hbm>>
        tpu.enqueue_dma source(%dma_start3A_100 : memref<16x128xf32, #tpu.memory_space<hbm>>) target(%dma_start3A_97 : memref<16x128xf32, #tpu.memory_space<vmem_shared>>) target_semaphore(%run_scoped3A_95 : memref<!tpu.dma_semaphore, #tpu.memory_space<semaphore_mem>>)
        %dma_wait3A = arith.constant 9984 : i32
        %dma_wait3A_101 = arith.constant 0 : i32
        %dma_wait3A_102 = tpu.memref_slice %arg16[%dma_wait3A, %dma_wait3A_101] : memref<10000x128xf32, #tpu.memory_space<vmem_shared>> -> memref<16x128xf32, #tpu.memory_space<vmem_shared>>
        %dma_wait3A_103 = arith.constant 9984 : i32
        %dma_wait3A_104 = arith.constant 0 : i32
        %dma_wait3A_105 = tpu.memref_slice %arg5[%dma_wait3A_103, %dma_wait3A_104] : memref<10000x128xf32, #tpu.memory_space<hbm>> -> memref<16x128xf32, #tpu.memory_space<hbm>>
        tpu.wait_dma2 semaphore(%run_scoped3A_95 : memref<!tpu.dma_semaphore, #tpu.memory_space<semaphore_mem>>) src(%dma_wait3A_105 : memref<16x128xf32, #tpu.memory_space<hbm>>) dst(%dma_wait3A_102 : memref<16x128xf32, #tpu.memory_space<vmem_shared>>)
        tpu.yield
      }) : () -> ()
    } else {
    }
    %barrier3A = arith.constant 0 : index
    tpu.barrier barrier_id(%barrier3A)
    %eq3A_6 = arith.constant 31 : i32
    %eq3A_7 = arith.cmpi eq, %add3A, %eq3A_6 : i32
    %jit3A = arith.constant 40 : i32
    %jit3A_8 = arith.constant 160 : i32
    %select_n3A = arith.select %eq3A_7, %jit3A, %jit3A_8 : i32
    "tpu.region"() ({
      %run_scoped3A_95 = tpu.sem_alloc : memref<!tpu.dma_semaphore, #tpu.memory_space<semaphore_mem>>
      %dma_start3A = arith.constant 0 : i32
      %dma_start3A_96 = arith.constant 0 : i32
      %dma_start3A_97 = tpu.memref_slice %arg3[%add3A, %dma_start3A, %dma_start3A_96] : memref<32x160x64xi32, #tpu.memory_space<hbm>> -> memref<1x80x64xi32, #tpu.memory_space<hbm>>
      %dma_start3A_98 = tpu.memref_squeeze %dma_start3A_97 : memref<1x80x64xi32, #tpu.memory_space<hbm>> -> memref<80x64xi32, #tpu.memory_space<hbm>>
      %dma_start3A_99 = arith.constant 0 : i32
      %dma_start3A_100 = arith.constant 0 : i32
      %dma_start3A_101 = tpu.memref_slice %arg3[%add3A, %dma_start3A_99, %dma_start3A_100] : memref<32x160x64xi32, #tpu.memory_space<hbm>> -> memref<1x80x64xi32, #tpu.memory_space<hbm>>
      %dma_start3A_102 = tpu.memref_squeeze %dma_start3A_101 : memref<1x80x64xi32, #tpu.memory_space<hbm>> -> memref<80x64xi32, #tpu.memory_space<hbm>>
      tpu.enqueue_dma source(%dma_start3A_102 : memref<80x64xi32, #tpu.memory_space<hbm>>) target(%arg9 : memref<80x64xi32, #tpu.memory_space<vmem>>) target_semaphore(%run_scoped3A_95 : memref<!tpu.dma_semaphore, #tpu.memory_space<semaphore_mem>>)
      %dma_wait3A = arith.constant 0 : i32
      %dma_wait3A_103 = arith.constant 0 : i32
      %dma_wait3A_104 = tpu.memref_slice %arg3[%add3A, %dma_wait3A, %dma_wait3A_103] : memref<32x160x64xi32, #tpu.memory_space<hbm>> -> memref<1x80x64xi32, #tpu.memory_space<hbm>>
      %dma_wait3A_105 = tpu.memref_squeeze %dma_wait3A_104 : memref<1x80x64xi32, #tpu.memory_space<hbm>> -> memref<80x64xi32, #tpu.memory_space<hbm>>
      %dma_wait3A_106 = arith.constant 0 : i32
      %dma_wait3A_107 = arith.constant 0 : i32
      %dma_wait3A_108 = tpu.memref_slice %arg3[%add3A, %dma_wait3A_106, %dma_wait3A_107] : memref<32x160x64xi32, #tpu.memory_space<hbm>> -> memref<1x80x64xi32, #tpu.memory_space<hbm>>
      %dma_wait3A_109 = tpu.memref_squeeze %dma_wait3A_108 : memref<1x80x64xi32, #tpu.memory_space<hbm>> -> memref<80x64xi32, #tpu.memory_space<hbm>>
      tpu.wait_dma2 semaphore(%run_scoped3A_95 : memref<!tpu.dma_semaphore, #tpu.memory_space<semaphore_mem>>) src(%dma_wait3A_109 : memref<80x64xi32, #tpu.memory_space<hbm>>) dst(%arg9 : memref<80x64xi32, #tpu.memory_space<vmem>>)
      tpu.yield
    }) : () -> ()
    "tpu.region"() ({
      %run_scoped3A_95 = tpu.sem_alloc : memref<!tpu.dma_semaphore, #tpu.memory_space<semaphore_mem>>
      %dma_start3A = arith.constant 0 : i32
      %dma_start3A_96 = arith.constant 0 : i32
      %dma_start3A_97 = tpu.memref_slice %arg4[%add3A, %dma_start3A, %dma_start3A_96] : memref<32x160x64xi32, #tpu.memory_space<hbm>> -> memref<1x80x64xi32, #tpu.memory_space<hbm>>
      %dma_start3A_98 = tpu.memref_squeeze %dma_start3A_97 : memref<1x80x64xi32, #tpu.memory_space<hbm>> -> memref<80x64xi32, #tpu.memory_space<hbm>>
      %dma_start3A_99 = arith.constant 0 : i32
      %dma_start3A_100 = arith.constant 0 : i32
      %dma_start3A_101 = tpu.memref_slice %arg4[%add3A, %dma_start3A_99, %dma_start3A_100] : memref<32x160x64xi32, #tpu.memory_space<hbm>> -> memref<1x80x64xi32, #tpu.memory_space<hbm>>
      %dma_start3A_102 = tpu.memref_squeeze %dma_start3A_101 : memref<1x80x64xi32, #tpu.memory_space<hbm>> -> memref<80x64xi32, #tpu.memory_space<hbm>>
      tpu.enqueue_dma source(%dma_start3A_102 : memref<80x64xi32, #tpu.memory_space<hbm>>) target(%arg10 : memref<80x64xi32, #tpu.memory_space<vmem>>) target_semaphore(%run_scoped3A_95 : memref<!tpu.dma_semaphore, #tpu.memory_space<semaphore_mem>>)
      %dma_wait3A = arith.constant 0 : i32
      %dma_wait3A_103 = arith.constant 0 : i32
      %dma_wait3A_104 = tpu.memref_slice %arg4[%add3A, %dma_wait3A, %dma_wait3A_103] : memref<32x160x64xi32, #tpu.memory_space<hbm>> -> memref<1x80x64xi32, #tpu.memory_space<hbm>>
      %dma_wait3A_105 = tpu.memref_squeeze %dma_wait3A_104 : memref<1x80x64xi32, #tpu.memory_space<hbm>> -> memref<80x64xi32, #tpu.memory_space<hbm>>
      %dma_wait3A_106 = arith.constant 0 : i32
      %dma_wait3A_107 = arith.constant 0 : i32
      %dma_wait3A_108 = tpu.memref_slice %arg4[%add3A, %dma_wait3A_106, %dma_wait3A_107] : memref<32x160x64xi32, #tpu.memory_space<hbm>> -> memref<1x80x64xi32, #tpu.memory_space<hbm>>
      %dma_wait3A_109 = tpu.memref_squeeze %dma_wait3A_108 : memref<1x80x64xi32, #tpu.memory_space<hbm>> -> memref<80x64xi32, #tpu.memory_space<hbm>>
      tpu.wait_dma2 semaphore(%run_scoped3A_95 : memref<!tpu.dma_semaphore, #tpu.memory_space<semaphore_mem>>) src(%dma_wait3A_109 : memref<80x64xi32, #tpu.memory_space<hbm>>) dst(%arg10 : memref<80x64xi32, #tpu.memory_space<vmem>>)
      tpu.yield
    }) : () -> ()
    %sub3A = arith.constant 0 : i32
    %sub3A_9 = arith.subi %select_n3A, %sub3A : i32
    %jit3A_10 = arith.constant 0 : i32
    %jit3A_11 = arith.constant 80 : i32
    %max3A = arith.maxsi %jit3A_10, %sub3A_9 : i32
    %min3A = arith.minsi %jit3A_11, %max3A : i32
    %gt3A = arith.constant 0 : i32
    %gt3A_12 = arith.cmpi sgt, %min3A, %gt3A : i32
    %convert_element_type3A_13 = arith.extui %gt3A_12 : i1 to i32
    %cond3A_14 = arith.constant 0 : i32
    %cond3A_15 = arith.cmpi ne, %convert_element_type3A_13, %cond3A_14 : i32
    scf.if %cond3A_15 {
      %dma_start3A = arith.constant 0 : i32
      %dma_start3A_95 = arith.constant 0 : i32
      %dma_start3A_96 = tpu.memref_slice %arg9[%dma_start3A, %dma_start3A_95] : memref<80x64xi32, #tpu.memory_space<vmem>> -> memref<1x64xi32, #tpu.memory_space<vmem>>
      %dma_start3A_97 = tpu.memref_squeeze %dma_start3A_96 : memref<1x64xi32, #tpu.memory_space<vmem>> -> memref<64xi32, #tpu.memory_space<vmem>>
      %dma_start3A_98 = arith.constant 0 : i32
      %dma_start3A_99 = arith.constant 0 : i32
      %dma_start3A_100 = tpu.memref_slice %arg2[%dma_start3A_98, %dma_start3A_99] : memref<10000x128xf32, #tpu.memory_space<hbm>> -> memref<10000x128xf32, #tpu.memory_space<hbm>>
      tpu.enqueue_indirect_dma source(%dma_start3A_100 : memref<10000x128xf32, #tpu.memory_space<hbm>>) target(%arg11 : memref<64x128xf32, #tpu.memory_space<vmem>>) offsets(%dma_start3A_97 : memref<64xi32, #tpu.memory_space<vmem>>) semaphore(%arg14 : memref<!tpu.dma_semaphore, #tpu.memory_space<semaphore_mem>>)
    } else {
    }
    %jit3A_16 = arith.constant 2 : i32
    %div3A = arith.divsi %min3A, %jit3A_16 : i32
    %sign3A = arith.constant 0 : i32
    %sign3A_17 = arith.cmpi sgt, %min3A, %sign3A : i32
    %sign3A_18 = arith.extui %sign3A_17 : i1 to i32
    %sign3A_19 = arith.constant 0 : i32
    %sign3A_20 = arith.cmpi slt, %min3A, %sign3A_19 : i32
    %sign3A_21 = arith.extui %sign3A_20 : i1 to i32
    %sign3A_22 = arith.subi %sign3A_18, %sign3A_21 : i32
    %sign3A_23 = arith.constant 0 : i32
    %sign3A_24 = arith.cmpi sgt, %jit3A_16, %sign3A_23 : i32
    %sign3A_25 = arith.extui %sign3A_24 : i1 to i32
    %sign3A_26 = arith.constant 0 : i32
    %sign3A_27 = arith.cmpi slt, %jit3A_16, %sign3A_26 : i32
    %sign3A_28 = arith.extui %sign3A_27 : i1 to i32
    %sign3A_29 = arith.subi %sign3A_25, %sign3A_28 : i32
    %ne3A = arith.cmpi ne, %sign3A_22, %sign3A_29 : i32
    %rem3A = arith.remsi %min3A, %jit3A_16 : i32
    %ne3A_30 = arith.constant 0 : i32
    %ne3A_31 = arith.cmpi ne, %rem3A, %ne3A_30 : i32
    %and3A = arith.andi %ne3A, %ne3A_31 : i1
    %sub3A_32 = arith.constant 1 : i32
    %sub3A_33 = arith.subi %div3A, %sub3A_32 : i32
    %select_n3A_34 = arith.select %and3A, %sub3A_33, %div3A : i32
    %while3A = arith.constant 0 : i32
    %while3A_35 = arith.constant 0 : i32
    %while3A_36 = arith.subi %select_n3A_34, %while3A_35 : i32
    %while3A_37 = arith.addi %while3A_35, %while3A_36 : i32
    %while3A_38 = arith.constant 1 : i32
    %while3A_39 = arith.divsi %while3A_36, %while3A_38 : i32
    %while3A_40 = arith.muli %while3A_39, %while3A_38 : i32
    %while3A_41 = arith.addi %while3A_35, %while3A_40 : i32
    %while3A_42 = arith.constant 1 : i32
    scf.for %while3A_95 = %while3A_35 to %while3A_41 step %while3A_42  : i32 {
      %mul3A_96 = arith.constant 2 : i32
      %mul3A_97 = arith.muli %mul3A_96, %while3A_95 : i32
      %add3A_98 = arith.constant 1 : i32
      %add3A_99 = arith.addi %mul3A_97, %add3A_98 : i32
      %dma_start3A = arith.constant 0 : i32
      %dma_start3A_100 = tpu.memref_slice %arg9[%add3A_99, %dma_start3A] : memref<80x64xi32, #tpu.memory_space<vmem>> -> memref<1x64xi32, #tpu.memory_space<vmem>>
      %dma_start3A_101 = tpu.memref_squeeze %dma_start3A_100 : memref<1x64xi32, #tpu.memory_space<vmem>> -> memref<64xi32, #tpu.memory_space<vmem>>
      %dma_start3A_102 = arith.constant 0 : i32
      %dma_start3A_103 = arith.constant 0 : i32
      %dma_start3A_104 = tpu.memref_slice %arg2[%dma_start3A_102, %dma_start3A_103] : memref<10000x128xf32, #tpu.memory_space<hbm>> -> memref<10000x128xf32, #tpu.memory_space<hbm>>
      tpu.enqueue_indirect_dma source(%dma_start3A_104 : memref<10000x128xf32, #tpu.memory_space<hbm>>) target(%arg12 : memref<64x128xf32, #tpu.memory_space<vmem>>) offsets(%dma_start3A_101 : memref<64xi32, #tpu.memory_space<vmem>>) semaphore(%arg15 : memref<!tpu.dma_semaphore, #tpu.memory_space<semaphore_mem>>)
      %dma_wait3A = arith.constant 0 : i32
      %dma_wait3A_105 = tpu.memref_slice %arg9[%mul3A_97, %dma_wait3A] : memref<80x64xi32, #tpu.memory_space<vmem>> -> memref<1x64xi32, #tpu.memory_space<vmem>>
      %dma_wait3A_106 = tpu.memref_squeeze %dma_wait3A_105 : memref<1x64xi32, #tpu.memory_space<vmem>> -> memref<64xi32, #tpu.memory_space<vmem>>
      %dma_wait3A_107 = arith.constant 0 : i32
      %dma_wait3A_108 = arith.constant 0 : i32
      %dma_wait3A_109 = tpu.memref_slice %arg2[%dma_wait3A_107, %dma_wait3A_108] : memref<10000x128xf32, #tpu.memory_space<hbm>> -> memref<10000x128xf32, #tpu.memory_space<hbm>>
      tpu.wait_indirect_dma semaphore(%arg14 : memref<!tpu.dma_semaphore, #tpu.memory_space<semaphore_mem>>) src(%dma_wait3A_109 : memref<10000x128xf32, #tpu.memory_space<hbm>>) dst(%arg11 : memref<64x128xf32, #tpu.memory_space<vmem>>)
      "tpu.region"() ({
        %run_scoped3A_154 = tpu.sem_alloc : memref<!tpu.dma_semaphore, #tpu.memory_space<semaphore_mem>>
        %dma_start3A_155 = arith.constant 0 : i32
        %dma_start3A_156 = tpu.memref_slice %arg10[%mul3A_97, %dma_start3A_155] : memref<80x64xi32, #tpu.memory_space<vmem>> -> memref<1x64xi32, #tpu.memory_space<vmem>>
        %dma_start3A_157 = tpu.memref_squeeze %dma_start3A_156 : memref<1x64xi32, #tpu.memory_space<vmem>> -> memref<64xi32, #tpu.memory_space<vmem>>
        %dma_start3A_158 = arith.constant 0 : i32
        %dma_start3A_159 = arith.constant 0 : i32
        %dma_start3A_160 = tpu.memref_slice %arg16[%dma_start3A_158, %dma_start3A_159] : memref<10000x128xf32, #tpu.memory_space<vmem_shared>> -> memref<10000x128xf32, #tpu.memory_space<vmem_shared>>
        tpu.enqueue_indirect_dma source(%arg11 : memref<64x128xf32, #tpu.memory_space<vmem>>) target(%dma_start3A_160 : memref<10000x128xf32, #tpu.memory_space<vmem_shared>>) offsets(%dma_start3A_157 : memref<64xi32, #tpu.memory_space<vmem>>) semaphore(%run_scoped3A_154 : memref<!tpu.dma_semaphore, #tpu.memory_space<semaphore_mem>>) {add = true}
        %dma_wait3A_161 = arith.constant 0 : i32
        %dma_wait3A_162 = tpu.memref_slice %arg10[%mul3A_97, %dma_wait3A_161] : memref<80x64xi32, #tpu.memory_space<vmem>> -> memref<1x64xi32, #tpu.memory_space<vmem>>
        %dma_wait3A_163 = tpu.memref_squeeze %dma_wait3A_162 : memref<1x64xi32, #tpu.memory_space<vmem>> -> memref<64xi32, #tpu.memory_space<vmem>>
        %dma_wait3A_164 = arith.constant 0 : i32
        %dma_wait3A_165 = arith.constant 0 : i32
        %dma_wait3A_166 = tpu.memref_slice %arg16[%dma_wait3A_164, %dma_wait3A_165] : memref<10000x128xf32, #tpu.memory_space<vmem_shared>> -> memref<10000x128xf32, #tpu.memory_space<vmem_shared>>
        tpu.wait_indirect_dma semaphore(%run_scoped3A_154 : memref<!tpu.dma_semaphore, #tpu.memory_space<semaphore_mem>>) src(%arg11 : memref<64x128xf32, #tpu.memory_space<vmem>>) dst(%dma_wait3A_166 : memref<10000x128xf32, #tpu.memory_space<vmem_shared>>)
        tpu.yield
      }) : () -> ()
      %add3A_110 = arith.constant 2 : i32
      %add3A_111 = arith.addi %mul3A_97, %add3A_110 : i32
      %lt3A = arith.cmpi slt, %add3A_111, %min3A : i32
      %convert_element_type3A_112 = arith.extui %lt3A : i1 to i32
      %cond3A_113 = arith.constant 0 : i32
      %cond3A_114 = arith.cmpi ne, %convert_element_type3A_112, %cond3A_113 : i32
      scf.if %cond3A_114 {
        %add3A_154 = arith.constant 2 : i32
        %add3A_155 = arith.addi %mul3A_97, %add3A_154 : i32
        %dma_start3A_156 = arith.constant 0 : i32
        %dma_start3A_157 = tpu.memref_slice %arg9[%add3A_155, %dma_start3A_156] : memref<80x64xi32, #tpu.memory_space<vmem>> -> memref<1x64xi32, #tpu.memory_space<vmem>>
        %dma_start3A_158 = tpu.memref_squeeze %dma_start3A_157 : memref<1x64xi32, #tpu.memory_space<vmem>> -> memref<64xi32, #tpu.memory_space<vmem>>
        %dma_start3A_159 = arith.constant 0 : i32
        %dma_start3A_160 = arith.constant 0 : i32
        %dma_start3A_161 = tpu.memref_slice %arg2[%dma_start3A_159, %dma_start3A_160] : memref<10000x128xf32, #tpu.memory_space<hbm>> -> memref<10000x128xf32, #tpu.memory_space<hbm>>
        tpu.enqueue_indirect_dma source(%dma_start3A_161 : memref<10000x128xf32, #tpu.memory_space<hbm>>) target(%arg11 : memref<64x128xf32, #tpu.memory_space<vmem>>) offsets(%dma_start3A_158 : memref<64xi32, #tpu.memory_space<vmem>>) semaphore(%arg14 : memref<!tpu.dma_semaphore, #tpu.memory_space<semaphore_mem>>)
      } else {
      }
      %get3A = arith.index_cast %mul3A_97 : i32 to index
      %get3A_115 = arith.constant 0 : index
      %get3A_116 = tpu.vector_load %arg10[%get3A, %get3A_115] {strides = array<i32>} : memref<80x64xi32, #tpu.memory_space<vmem>>, vector<16xi32>,
      tpu.vector_store_idx %arg13[%get3A_116], %broadcast_in_dim3A_3 {add = true} : memref<10016xf32, #tpu.memory_space<vmem>>[vector<16xi32>], vector<16xf32>,
      %get3A_117 = arith.index_cast %mul3A_97 : i32 to index
      %get3A_118 = arith.constant 16 : index
      %get3A_119 = tpu.vector_load %arg10[%get3A_117, %get3A_118] {strides = array<i32>} : memref<80x64xi32, #tpu.memory_space<vmem>>, vector<16xi32>,
      tpu.vector_store_idx %arg13[%get3A_119], %broadcast_in_dim3A_3 {add = true} : memref<10016xf32, #tpu.memory_space<vmem>>[vector<16xi32>], vector<16xf32>,
      %get3A_120 = arith.index_cast %mul3A_97 : i32 to index
      %get3A_121 = arith.constant 32 : index
      %get3A_122 = tpu.vector_load %arg10[%get3A_120, %get3A_121] {strides = array<i32>} : memref<80x64xi32, #tpu.memory_space<vmem>>, vector<16xi32>,
      tpu.vector_store_idx %arg13[%get3A_122], %broadcast_in_dim3A_3 {add = true} : memref<10016xf32, #tpu.memory_space<vmem>>[vector<16xi32>], vector<16xf32>,
      %get3A_123 = arith.index_cast %mul3A_97 : i32 to index
      %get3A_124 = arith.constant 48 : index
      %get3A_125 = tpu.vector_load %arg10[%get3A_123, %get3A_124] {strides = array<i32>} : memref<80x64xi32, #tpu.memory_space<vmem>>, vector<16xi32>,
      tpu.vector_store_idx %arg13[%get3A_125], %broadcast_in_dim3A_3 {add = true} : memref<10016xf32, #tpu.memory_space<vmem>>[vector<16xi32>], vector<16xf32>,
      %dma_wait3A_126 = arith.constant 0 : i32
      %dma_wait3A_127 = tpu.memref_slice %arg9[%add3A_99, %dma_wait3A_126] : memref<80x64xi32, #tpu.memory_space<vmem>> -> memref<1x64xi32, #tpu.memory_space<vmem>>
      %dma_wait3A_128 = tpu.memref_squeeze %dma_wait3A_127 : memref<1x64xi32, #tpu.memory_space<vmem>> -> memref<64xi32, #tpu.memory_space<vmem>>
      %dma_wait3A_129 = arith.constant 0 : i32
      %dma_wait3A_130 = arith.constant 0 : i32
      %dma_wait3A_131 = tpu.memref_slice %arg2[%dma_wait3A_129, %dma_wait3A_130] : memref<10000x128xf32, #tpu.memory_space<hbm>> -> memref<10000x128xf32, #tpu.memory_space<hbm>>
      tpu.wait_indirect_dma semaphore(%arg15 : memref<!tpu.dma_semaphore, #tpu.memory_space<semaphore_mem>>) src(%dma_wait3A_131 : memref<10000x128xf32, #tpu.memory_space<hbm>>) dst(%arg12 : memref<64x128xf32, #tpu.memory_space<vmem>>)
      %add3A_132 = arith.constant 1 : i32
      %add3A_133 = arith.addi %mul3A_97, %add3A_132 : i32
      "tpu.region"() ({
        %run_scoped3A_154 = tpu.sem_alloc : memref<!tpu.dma_semaphore, #tpu.memory_space<semaphore_mem>>
        %dma_start3A_155 = arith.constant 0 : i32
        %dma_start3A_156 = tpu.memref_slice %arg10[%add3A_133, %dma_start3A_155] : memref<80x64xi32, #tpu.memory_space<vmem>> -> memref<1x64xi32, #tpu.memory_space<vmem>>
        %dma_start3A_157 = tpu.memref_squeeze %dma_start3A_156 : memref<1x64xi32, #tpu.memory_space<vmem>> -> memref<64xi32, #tpu.memory_space<vmem>>
        %dma_start3A_158 = arith.constant 0 : i32
        %dma_start3A_159 = arith.constant 0 : i32
        %dma_start3A_160 = tpu.memref_slice %arg16[%dma_start3A_158, %dma_start3A_159] : memref<10000x128xf32, #tpu.memory_space<vmem_shared>> -> memref<10000x128xf32, #tpu.memory_space<vmem_shared>>
        tpu.enqueue_indirect_dma source(%arg12 : memref<64x128xf32, #tpu.memory_space<vmem>>) target(%dma_start3A_160 : memref<10000x128xf32, #tpu.memory_space<vmem_shared>>) offsets(%dma_start3A_157 : memref<64xi32, #tpu.memory_space<vmem>>) semaphore(%run_scoped3A_154 : memref<!tpu.dma_semaphore, #tpu.memory_space<semaphore_mem>>) {add = true}
        %dma_wait3A_161 = arith.constant 0 : i32
        %dma_wait3A_162 = tpu.memref_slice %arg10[%add3A_133, %dma_wait3A_161] : memref<80x64xi32, #tpu.memory_space<vmem>> -> memref<1x64xi32, #tpu.memory_space<vmem>>
        %dma_wait3A_163 = tpu.memref_squeeze %dma_wait3A_162 : memref<1x64xi32, #tpu.memory_space<vmem>> -> memref<64xi32, #tpu.memory_space<vmem>>
        %dma_wait3A_164 = arith.constant 0 : i32
        %dma_wait3A_165 = arith.constant 0 : i32
        %dma_wait3A_166 = tpu.memref_slice %arg16[%dma_wait3A_164, %dma_wait3A_165] : memref<10000x128xf32, #tpu.memory_space<vmem_shared>> -> memref<10000x128xf32, #tpu.memory_space<vmem_shared>>
        tpu.wait_indirect_dma semaphore(%run_scoped3A_154 : memref<!tpu.dma_semaphore, #tpu.memory_space<semaphore_mem>>) src(%arg12 : memref<64x128xf32, #tpu.memory_space<vmem>>) dst(%dma_wait3A_166 : memref<10000x128xf32, #tpu.memory_space<vmem_shared>>)
        tpu.yield
      }) : () -> ()
      %add3A_134 = arith.constant 1 : i32
      %add3A_135 = arith.addi %mul3A_97, %add3A_134 : i32
      %get3A_136 = arith.index_cast %add3A_135 : i32 to index
      %get3A_137 = arith.constant 0 : index
      %get3A_138 = tpu.vector_load %arg10[%get3A_136, %get3A_137] {strides = array<i32>} : memref<80x64xi32, #tpu.memory_space<vmem>>, vector<16xi32>,
      tpu.vector_store_idx %arg13[%get3A_138], %broadcast_in_dim3A_3 {add = true} : memref<10016xf32, #tpu.memory_space<vmem>>[vector<16xi32>], vector<16xf32>,
      %add3A_139 = arith.constant 1 : i32
      %add3A_140 = arith.addi %mul3A_97, %add3A_139 : i32
      %get3A_141 = arith.index_cast %add3A_140 : i32 to index
      %get3A_142 = arith.constant 16 : index
      %get3A_143 = tpu.vector_load %arg10[%get3A_141, %get3A_142] {strides = array<i32>} : memref<80x64xi32, #tpu.memory_space<vmem>>, vector<16xi32>,
      tpu.vector_store_idx %arg13[%get3A_143], %broadcast_in_dim3A_3 {add = true} : memref<10016xf32, #tpu.memory_space<vmem>>[vector<16xi32>], vector<16xf32>,
      %add3A_144 = arith.constant 1 : i32
      %add3A_145 = arith.addi %mul3A_97, %add3A_144 : i32
      %get3A_146 = arith.index_cast %add3A_145 : i32 to index
      %get3A_147 = arith.constant 32 : index
      %get3A_148 = tpu.vector_load %arg10[%get3A_146, %get3A_147] {strides = array<i32>} : memref<80x64xi32, #tpu.memory_space<vmem>>, vector<16xi32>,
      tpu.vector_store_idx %arg13[%get3A_148], %broadcast_in_dim3A_3 {add = true} : memref<10016xf32, #tpu.memory_space<vmem>>[vector<16xi32>], vector<16xf32>,
      %add3A_149 = arith.constant 1 : i32
      %add3A_150 = arith.addi %mul3A_97, %add3A_149 : i32
      %get3A_151 = arith.index_cast %add3A_150 : i32 to index
      %get3A_152 = arith.constant 48 : index
      %get3A_153 = tpu.vector_load %arg10[%get3A_151, %get3A_152] {strides = array<i32>} : memref<80x64xi32, #tpu.memory_space<vmem>>, vector<16xi32>,
      tpu.vector_store_idx %arg13[%get3A_153], %broadcast_in_dim3A_3 {add = true} : memref<10016xf32, #tpu.memory_space<vmem>>[vector<16xi32>], vector<16xf32>,
    }
    %while3A_43 = arith.constant 1 : i32
    scf.for %while3A_95 = %while3A_41 to %while3A_37 step %while3A_43  : i32 {
      %mul3A_96 = arith.constant 2 : i32
      %mul3A_97 = arith.muli %mul3A_96, %while3A_95 : i32
      %add3A_98 = arith.constant 1 : i32
      %add3A_99 = arith.addi %mul3A_97, %add3A_98 : i32
      %dma_start3A = arith.constant 0 : i32
      %dma_start3A_100 = tpu.memref_slice %arg9[%add3A_99, %dma_start3A] : memref<80x64xi32, #tpu.memory_space<vmem>> -> memref<1x64xi32, #tpu.memory_space<vmem>>
      %dma_start3A_101 = tpu.memref_squeeze %dma_start3A_100 : memref<1x64xi32, #tpu.memory_space<vmem>> -> memref<64xi32, #tpu.memory_space<vmem>>
      %dma_start3A_102 = arith.constant 0 : i32
      %dma_start3A_103 = arith.constant 0 : i32
      %dma_start3A_104 = tpu.memref_slice %arg2[%dma_start3A_102, %dma_start3A_103] : memref<10000x128xf32, #tpu.memory_space<hbm>> -> memref<10000x128xf32, #tpu.memory_space<hbm>>
      tpu.enqueue_indirect_dma source(%dma_start3A_104 : memref<10000x128xf32, #tpu.memory_space<hbm>>) target(%arg12 : memref<64x128xf32, #tpu.memory_space<vmem>>) offsets(%dma_start3A_101 : memref<64xi32, #tpu.memory_space<vmem>>) semaphore(%arg15 : memref<!tpu.dma_semaphore, #tpu.memory_space<semaphore_mem>>)
      %dma_wait3A = arith.constant 0 : i32
      %dma_wait3A_105 = tpu.memref_slice %arg9[%mul3A_97, %dma_wait3A] : memref<80x64xi32, #tpu.memory_space<vmem>> -> memref<1x64xi32, #tpu.memory_space<vmem>>
      %dma_wait3A_106 = tpu.memref_squeeze %dma_wait3A_105 : memref<1x64xi32, #tpu.memory_space<vmem>> -> memref<64xi32, #tpu.memory_space<vmem>>
      %dma_wait3A_107 = arith.constant 0 : i32
      %dma_wait3A_108 = arith.constant 0 : i32
      %dma_wait3A_109 = tpu.memref_slice %arg2[%dma_wait3A_107, %dma_wait3A_108] : memref<10000x128xf32, #tpu.memory_space<hbm>> -> memref<10000x128xf32, #tpu.memory_space<hbm>>
      tpu.wait_indirect_dma semaphore(%arg14 : memref<!tpu.dma_semaphore, #tpu.memory_space<semaphore_mem>>) src(%dma_wait3A_109 : memref<10000x128xf32, #tpu.memory_space<hbm>>) dst(%arg11 : memref<64x128xf32, #tpu.memory_space<vmem>>)
      "tpu.region"() ({
        %run_scoped3A_154 = tpu.sem_alloc : memref<!tpu.dma_semaphore, #tpu.memory_space<semaphore_mem>>
        %dma_start3A_155 = arith.constant 0 : i32
        %dma_start3A_156 = tpu.memref_slice %arg10[%mul3A_97, %dma_start3A_155] : memref<80x64xi32, #tpu.memory_space<vmem>> -> memref<1x64xi32, #tpu.memory_space<vmem>>
        %dma_start3A_157 = tpu.memref_squeeze %dma_start3A_156 : memref<1x64xi32, #tpu.memory_space<vmem>> -> memref<64xi32, #tpu.memory_space<vmem>>
        %dma_start3A_158 = arith.constant 0 : i32
        %dma_start3A_159 = arith.constant 0 : i32
        %dma_start3A_160 = tpu.memref_slice %arg16[%dma_start3A_158, %dma_start3A_159] : memref<10000x128xf32, #tpu.memory_space<vmem_shared>> -> memref<10000x128xf32, #tpu.memory_space<vmem_shared>>
        tpu.enqueue_indirect_dma source(%arg11 : memref<64x128xf32, #tpu.memory_space<vmem>>) target(%dma_start3A_160 : memref<10000x128xf32, #tpu.memory_space<vmem_shared>>) offsets(%dma_start3A_157 : memref<64xi32, #tpu.memory_space<vmem>>) semaphore(%run_scoped3A_154 : memref<!tpu.dma_semaphore, #tpu.memory_space<semaphore_mem>>) {add = true}
        %dma_wait3A_161 = arith.constant 0 : i32
        %dma_wait3A_162 = tpu.memref_slice %arg10[%mul3A_97, %dma_wait3A_161] : memref<80x64xi32, #tpu.memory_space<vmem>> -> memref<1x64xi32, #tpu.memory_space<vmem>>
        %dma_wait3A_163 = tpu.memref_squeeze %dma_wait3A_162 : memref<1x64xi32, #tpu.memory_space<vmem>> -> memref<64xi32, #tpu.memory_space<vmem>>
        %dma_wait3A_164 = arith.constant 0 : i32
        %dma_wait3A_165 = arith.constant 0 : i32
        %dma_wait3A_166 = tpu.memref_slice %arg16[%dma_wait3A_164, %dma_wait3A_165] : memref<10000x128xf32, #tpu.memory_space<vmem_shared>> -> memref<10000x128xf32, #tpu.memory_space<vmem_shared>>
        tpu.wait_indirect_dma semaphore(%run_scoped3A_154 : memref<!tpu.dma_semaphore, #tpu.memory_space<semaphore_mem>>) src(%arg11 : memref<64x128xf32, #tpu.memory_space<vmem>>) dst(%dma_wait3A_166 : memref<10000x128xf32, #tpu.memory_space<vmem_shared>>)
        tpu.yield
      }) : () -> ()
      %add3A_110 = arith.constant 2 : i32
      %add3A_111 = arith.addi %mul3A_97, %add3A_110 : i32
      %lt3A = arith.cmpi slt, %add3A_111, %min3A : i32
      %convert_element_type3A_112 = arith.extui %lt3A : i1 to i32
      %cond3A_113 = arith.constant 0 : i32
      %cond3A_114 = arith.cmpi ne, %convert_element_type3A_112, %cond3A_113 : i32
      scf.if %cond3A_114 {
        %add3A_154 = arith.constant 2 : i32
        %add3A_155 = arith.addi %mul3A_97, %add3A_154 : i32
        %dma_start3A_156 = arith.constant 0 : i32
        %dma_start3A_157 = tpu.memref_slice %arg9[%add3A_155, %dma_start3A_156] : memref<80x64xi32, #tpu.memory_space<vmem>> -> memref<1x64xi32, #tpu.memory_space<vmem>>
        %dma_start3A_158 = tpu.memref_squeeze %dma_start3A_157 : memref<1x64xi32, #tpu.memory_space<vmem>> -> memref<64xi32, #tpu.memory_space<vmem>>
        %dma_start3A_159 = arith.constant 0 : i32
        %dma_start3A_160 = arith.constant 0 : i32
        %dma_start3A_161 = tpu.memref_slice %arg2[%dma_start3A_159, %dma_start3A_160] : memref<10000x128xf32, #tpu.memory_space<hbm>> -> memref<10000x128xf32, #tpu.memory_space<hbm>>
        tpu.enqueue_indirect_dma source(%dma_start3A_161 : memref<10000x128xf32, #tpu.memory_space<hbm>>) target(%arg11 : memref<64x128xf32, #tpu.memory_space<vmem>>) offsets(%dma_start3A_158 : memref<64xi32, #tpu.memory_space<vmem>>) semaphore(%arg14 : memref<!tpu.dma_semaphore, #tpu.memory_space<semaphore_mem>>)
      } else {
      }
      %get3A = arith.index_cast %mul3A_97 : i32 to index
      %get3A_115 = arith.constant 0 : index
      %get3A_116 = tpu.vector_load %arg10[%get3A, %get3A_115] {strides = array<i32>} : memref<80x64xi32, #tpu.memory_space<vmem>>, vector<16xi32>,
      tpu.vector_store_idx %arg13[%get3A_116], %broadcast_in_dim3A_3 {add = true} : memref<10016xf32, #tpu.memory_space<vmem>>[vector<16xi32>], vector<16xf32>,
      %get3A_117 = arith.index_cast %mul3A_97 : i32 to index
      %get3A_118 = arith.constant 16 : index
      %get3A_119 = tpu.vector_load %arg10[%get3A_117, %get3A_118] {strides = array<i32>} : memref<80x64xi32, #tpu.memory_space<vmem>>, vector<16xi32>,
      tpu.vector_store_idx %arg13[%get3A_119], %broadcast_in_dim3A_3 {add = true} : memref<10016xf32, #tpu.memory_space<vmem>>[vector<16xi32>], vector<16xf32>,
      %get3A_120 = arith.index_cast %mul3A_97 : i32 to index
      %get3A_121 = arith.constant 32 : index
      %get3A_122 = tpu.vector_load %arg10[%get3A_120, %get3A_121] {strides = array<i32>} : memref<80x64xi32, #tpu.memory_space<vmem>>, vector<16xi32>,
      tpu.vector_store_idx %arg13[%get3A_122], %broadcast_in_dim3A_3 {add = true} : memref<10016xf32, #tpu.memory_space<vmem>>[vector<16xi32>], vector<16xf32>,
      %get3A_123 = arith.index_cast %mul3A_97 : i32 to index
      %get3A_124 = arith.constant 48 : index
      %get3A_125 = tpu.vector_load %arg10[%get3A_123, %get3A_124] {strides = array<i32>} : memref<80x64xi32, #tpu.memory_space<vmem>>, vector<16xi32>,
      tpu.vector_store_idx %arg13[%get3A_125], %broadcast_in_dim3A_3 {add = true} : memref<10016xf32, #tpu.memory_space<vmem>>[vector<16xi32>], vector<16xf32>,
      %dma_wait3A_126 = arith.constant 0 : i32
      %dma_wait3A_127 = tpu.memref_slice %arg9[%add3A_99, %dma_wait3A_126] : memref<80x64xi32, #tpu.memory_space<vmem>> -> memref<1x64xi32, #tpu.memory_space<vmem>>
      %dma_wait3A_128 = tpu.memref_squeeze %dma_wait3A_127 : memref<1x64xi32, #tpu.memory_space<vmem>> -> memref<64xi32, #tpu.memory_space<vmem>>
      %dma_wait3A_129 = arith.constant 0 : i32
      %dma_wait3A_130 = arith.constant 0 : i32
      %dma_wait3A_131 = tpu.memref_slice %arg2[%dma_wait3A_129, %dma_wait3A_130] : memref<10000x128xf32, #tpu.memory_space<hbm>> -> memref<10000x128xf32, #tpu.memory_space<hbm>>
      tpu.wait_indirect_dma semaphore(%arg15 : memref<!tpu.dma_semaphore, #tpu.memory_space<semaphore_mem>>) src(%dma_wait3A_131 : memref<10000x128xf32, #tpu.memory_space<hbm>>) dst(%arg12 : memref<64x128xf32, #tpu.memory_space<vmem>>)
      %add3A_132 = arith.constant 1 : i32
      %add3A_133 = arith.addi %mul3A_97, %add3A_132 : i32
      "tpu.region"() ({
        %run_scoped3A_154 = tpu.sem_alloc : memref<!tpu.dma_semaphore, #tpu.memory_space<semaphore_mem>>
        %dma_start3A_155 = arith.constant 0 : i32
        %dma_start3A_156 = tpu.memref_slice %arg10[%add3A_133, %dma_start3A_155] : memref<80x64xi32, #tpu.memory_space<vmem>> -> memref<1x64xi32, #tpu.memory_space<vmem>>
        %dma_start3A_157 = tpu.memref_squeeze %dma_start3A_156 : memref<1x64xi32, #tpu.memory_space<vmem>> -> memref<64xi32, #tpu.memory_space<vmem>>
        %dma_start3A_158 = arith.constant 0 : i32
        %dma_start3A_159 = arith.constant 0 : i32
        %dma_start3A_160 = tpu.memref_slice %arg16[%dma_start3A_158, %dma_start3A_159] : memref<10000x128xf32, #tpu.memory_space<vmem_shared>> -> memref<10000x128xf32, #tpu.memory_space<vmem_shared>>
        tpu.enqueue_indirect_dma source(%arg12 : memref<64x128xf32, #tpu.memory_space<vmem>>) target(%dma_start3A_160 : memref<10000x128xf32, #tpu.memory_space<vmem_shared>>) offsets(%dma_start3A_157 : memref<64xi32, #tpu.memory_space<vmem>>) semaphore(%run_scoped3A_154 : memref<!tpu.dma_semaphore, #tpu.memory_space<semaphore_mem>>) {add = true}
        %dma_wait3A_161 = arith.constant 0 : i32
        %dma_wait3A_162 = tpu.memref_slice %arg10[%add3A_133, %dma_wait3A_161] : memref<80x64xi32, #tpu.memory_space<vmem>> -> memref<1x64xi32, #tpu.memory_space<vmem>>
        %dma_wait3A_163 = tpu.memref_squeeze %dma_wait3A_162 : memref<1x64xi32, #tpu.memory_space<vmem>> -> memref<64xi32, #tpu.memory_space<vmem>>
        %dma_wait3A_164 = arith.constant 0 : i32
        %dma_wait3A_165 = arith.constant 0 : i32
        %dma_wait3A_166 = tpu.memref_slice %arg16[%dma_wait3A_164, %dma_wait3A_165] : memref<10000x128xf32, #tpu.memory_space<vmem_shared>> -> memref<10000x128xf32, #tpu.memory_space<vmem_shared>>
        tpu.wait_indirect_dma semaphore(%run_scoped3A_154 : memref<!tpu.dma_semaphore, #tpu.memory_space<semaphore_mem>>) src(%arg12 : memref<64x128xf32, #tpu.memory_space<vmem>>) dst(%dma_wait3A_166 : memref<10000x128xf32, #tpu.memory_space<vmem_shared>>)
        tpu.yield
      }) : () -> ()
      %add3A_134 = arith.constant 1 : i32
      %add3A_135 = arith.addi %mul3A_97, %add3A_134 : i32
      %get3A_136 = arith.index_cast %add3A_135 : i32 to index
      %get3A_137 = arith.constant 0 : index
      %get3A_138 = tpu.vector_load %arg10[%get3A_136, %get3A_137] {strides = array<i32>} : memref<80x64xi32, #tpu.memory_space<vmem>>, vector<16xi32>,
      tpu.vector_store_idx %arg13[%get3A_138], %broadcast_in_dim3A_3 {add = true} : memref<10016xf32, #tpu.memory_space<vmem>>[vector<16xi32>], vector<16xf32>,
      %add3A_139 = arith.constant 1 : i32
      %add3A_140 = arith.addi %mul3A_97, %add3A_139 : i32
      %get3A_141 = arith.index_cast %add3A_140 : i32 to index
      %get3A_142 = arith.constant 16 : index
      %get3A_143 = tpu.vector_load %arg10[%get3A_141, %get3A_142] {strides = array<i32>} : memref<80x64xi32, #tpu.memory_space<vmem>>, vector<16xi32>,
      tpu.vector_store_idx %arg13[%get3A_143], %broadcast_in_dim3A_3 {add = true} : memref<10016xf32, #tpu.memory_space<vmem>>[vector<16xi32>], vector<16xf32>,
      %add3A_144 = arith.constant 1 : i32
      %add3A_145 = arith.addi %mul3A_97, %add3A_144 : i32
      %get3A_146 = arith.index_cast %add3A_145 : i32 to index
      %get3A_147 = arith.constant 32 : index
      %get3A_148 = tpu.vector_load %arg10[%get3A_146, %get3A_147] {strides = array<i32>} : memref<80x64xi32, #tpu.memory_space<vmem>>, vector<16xi32>,
      tpu.vector_store_idx %arg13[%get3A_148], %broadcast_in_dim3A_3 {add = true} : memref<10016xf32, #tpu.memory_space<vmem>>[vector<16xi32>], vector<16xf32>,
      %add3A_149 = arith.constant 1 : i32
      %add3A_150 = arith.addi %mul3A_97, %add3A_149 : i32
      %get3A_151 = arith.index_cast %add3A_150 : i32 to index
      %get3A_152 = arith.constant 48 : index
      %get3A_153 = tpu.vector_load %arg10[%get3A_151, %get3A_152] {strides = array<i32>} : memref<80x64xi32, #tpu.memory_space<vmem>>, vector<16xi32>,
      tpu.vector_store_idx %arg13[%get3A_153], %broadcast_in_dim3A_3 {add = true} : memref<10016xf32, #tpu.memory_space<vmem>>[vector<16xi32>], vector<16xf32>,
    }
    "tpu.region"() ({
      %run_scoped3A_95 = tpu.sem_alloc : memref<!tpu.dma_semaphore, #tpu.memory_space<semaphore_mem>>
      %dma_start3A = arith.constant 80 : i32
      %dma_start3A_96 = arith.constant 0 : i32
      %dma_start3A_97 = tpu.memref_slice %arg3[%add3A, %dma_start3A, %dma_start3A_96] : memref<32x160x64xi32, #tpu.memory_space<hbm>> -> memref<1x80x64xi32, #tpu.memory_space<hbm>>
      %dma_start3A_98 = tpu.memref_squeeze %dma_start3A_97 : memref<1x80x64xi32, #tpu.memory_space<hbm>> -> memref<80x64xi32, #tpu.memory_space<hbm>>
      %dma_start3A_99 = arith.constant 80 : i32
      %dma_start3A_100 = arith.constant 0 : i32
      %dma_start3A_101 = tpu.memref_slice %arg3[%add3A, %dma_start3A_99, %dma_start3A_100] : memref<32x160x64xi32, #tpu.memory_space<hbm>> -> memref<1x80x64xi32, #tpu.memory_space<hbm>>
      %dma_start3A_102 = tpu.memref_squeeze %dma_start3A_101 : memref<1x80x64xi32, #tpu.memory_space<hbm>> -> memref<80x64xi32, #tpu.memory_space<hbm>>
      tpu.enqueue_dma source(%dma_start3A_102 : memref<80x64xi32, #tpu.memory_space<hbm>>) target(%arg9 : memref<80x64xi32, #tpu.memory_space<vmem>>) target_semaphore(%run_scoped3A_95 : memref<!tpu.dma_semaphore, #tpu.memory_space<semaphore_mem>>)
      %dma_wait3A = arith.constant 80 : i32
      %dma_wait3A_103 = arith.constant 0 : i32
      %dma_wait3A_104 = tpu.memref_slice %arg3[%add3A, %dma_wait3A, %dma_wait3A_103] : memref<32x160x64xi32, #tpu.memory_space<hbm>> -> memref<1x80x64xi32, #tpu.memory_space<hbm>>
      %dma_wait3A_105 = tpu.memref_squeeze %dma_wait3A_104 : memref<1x80x64xi32, #tpu.memory_space<hbm>> -> memref<80x64xi32, #tpu.memory_space<hbm>>
      %dma_wait3A_106 = arith.constant 80 : i32
      %dma_wait3A_107 = arith.constant 0 : i32
      %dma_wait3A_108 = tpu.memref_slice %arg3[%add3A, %dma_wait3A_106, %dma_wait3A_107] : memref<32x160x64xi32, #tpu.memory_space<hbm>> -> memref<1x80x64xi32, #tpu.memory_space<hbm>>
      %dma_wait3A_109 = tpu.memref_squeeze %dma_wait3A_108 : memref<1x80x64xi32, #tpu.memory_space<hbm>> -> memref<80x64xi32, #tpu.memory_space<hbm>>
      tpu.wait_dma2 semaphore(%run_scoped3A_95 : memref<!tpu.dma_semaphore, #tpu.memory_space<semaphore_mem>>) src(%dma_wait3A_109 : memref<80x64xi32, #tpu.memory_space<hbm>>) dst(%arg9 : memref<80x64xi32, #tpu.memory_space<vmem>>)
      tpu.yield
    }) : () -> ()
    "tpu.region"() ({
      %run_scoped3A_95 = tpu.sem_alloc : memref<!tpu.dma_semaphore, #tpu.memory_space<semaphore_mem>>
      %dma_start3A = arith.constant 80 : i32
      %dma_start3A_96 = arith.constant 0 : i32
      %dma_start3A_97 = tpu.memref_slice %arg4[%add3A, %dma_start3A, %dma_start3A_96] : memref<32x160x64xi32, #tpu.memory_space<hbm>> -> memref<1x80x64xi32, #tpu.memory_space<hbm>>
      %dma_start3A_98 = tpu.memref_squeeze %dma_start3A_97 : memref<1x80x64xi32, #tpu.memory_space<hbm>> -> memref<80x64xi32, #tpu.memory_space<hbm>>
      %dma_start3A_99 = arith.constant 80 : i32
      %dma_start3A_100 = arith.constant 0 : i32
      %dma_start3A_101 = tpu.memref_slice %arg4[%add3A, %dma_start3A_99, %dma_start3A_100] : memref<32x160x64xi32, #tpu.memory_space<hbm>> -> memref<1x80x64xi32, #tpu.memory_space<hbm>>
      %dma_start3A_102 = tpu.memref_squeeze %dma_start3A_101 : memref<1x80x64xi32, #tpu.memory_space<hbm>> -> memref<80x64xi32, #tpu.memory_space<hbm>>
      tpu.enqueue_dma source(%dma_start3A_102 : memref<80x64xi32, #tpu.memory_space<hbm>>) target(%arg10 : memref<80x64xi32, #tpu.memory_space<vmem>>) target_semaphore(%run_scoped3A_95 : memref<!tpu.dma_semaphore, #tpu.memory_space<semaphore_mem>>)
      %dma_wait3A = arith.constant 80 : i32
      %dma_wait3A_103 = arith.constant 0 : i32
      %dma_wait3A_104 = tpu.memref_slice %arg4[%add3A, %dma_wait3A, %dma_wait3A_103] : memref<32x160x64xi32, #tpu.memory_space<hbm>> -> memref<1x80x64xi32, #tpu.memory_space<hbm>>
      %dma_wait3A_105 = tpu.memref_squeeze %dma_wait3A_104 : memref<1x80x64xi32, #tpu.memory_space<hbm>> -> memref<80x64xi32, #tpu.memory_space<hbm>>
      %dma_wait3A_106 = arith.constant 80 : i32
      %dma_wait3A_107 = arith.constant 0 : i32
      %dma_wait3A_108 = tpu.memref_slice %arg4[%add3A, %dma_wait3A_106, %dma_wait3A_107] : memref<32x160x64xi32, #tpu.memory_space<hbm>> -> memref<1x80x64xi32, #tpu.memory_space<hbm>>
      %dma_wait3A_109 = tpu.memref_squeeze %dma_wait3A_108 : memref<1x80x64xi32, #tpu.memory_space<hbm>> -> memref<80x64xi32, #tpu.memory_space<hbm>>
      tpu.wait_dma2 semaphore(%run_scoped3A_95 : memref<!tpu.dma_semaphore, #tpu.memory_space<semaphore_mem>>) src(%dma_wait3A_109 : memref<80x64xi32, #tpu.memory_space<hbm>>) dst(%arg10 : memref<80x64xi32, #tpu.memory_space<vmem>>)
      tpu.yield
    }) : () -> ()
    %sub3A_44 = arith.constant 80 : i32
    %sub3A_45 = arith.subi %select_n3A, %sub3A_44 : i32
    %jit3A_46 = arith.constant 0 : i32
    %jit3A_47 = arith.constant 80 : i32
    %max3A_48 = arith.maxsi %jit3A_46, %sub3A_45 : i32
    %min3A_49 = arith.minsi %jit3A_47, %max3A_48 : i32
    %gt3A_50 = arith.constant 0 : i32
    %gt3A_51 = arith.cmpi sgt, %min3A_49, %gt3A_50 : i32
    %convert_element_type3A_52 = arith.extui %gt3A_51 : i1 to i32
    %cond3A_53 = arith.constant 0 : i32
    %cond3A_54 = arith.cmpi ne, %convert_element_type3A_52, %cond3A_53 : i32
    scf.if %cond3A_54 {
      %dma_start3A = arith.constant 0 : i32
      %dma_start3A_95 = arith.constant 0 : i32
      %dma_start3A_96 = tpu.memref_slice %arg9[%dma_start3A, %dma_start3A_95] : memref<80x64xi32, #tpu.memory_space<vmem>> -> memref<1x64xi32, #tpu.memory_space<vmem>>
      %dma_start3A_97 = tpu.memref_squeeze %dma_start3A_96 : memref<1x64xi32, #tpu.memory_space<vmem>> -> memref<64xi32, #tpu.memory_space<vmem>>
      %dma_start3A_98 = arith.constant 0 : i32
      %dma_start3A_99 = arith.constant 0 : i32
      %dma_start3A_100 = tpu.memref_slice %arg2[%dma_start3A_98, %dma_start3A_99] : memref<10000x128xf32, #tpu.memory_space<hbm>> -> memref<10000x128xf32, #tpu.memory_space<hbm>>
      tpu.enqueue_indirect_dma source(%dma_start3A_100 : memref<10000x128xf32, #tpu.memory_space<hbm>>) target(%arg11 : memref<64x128xf32, #tpu.memory_space<vmem>>) offsets(%dma_start3A_97 : memref<64xi32, #tpu.memory_space<vmem>>) semaphore(%arg14 : memref<!tpu.dma_semaphore, #tpu.memory_space<semaphore_mem>>)
    } else {
    }
    %jit3A_55 = arith.constant 2 : i32
    %div3A_56 = arith.divsi %min3A_49, %jit3A_55 : i32
    %sign3A_57 = arith.constant 0 : i32
    %sign3A_58 = arith.cmpi sgt, %min3A_49, %sign3A_57 : i32
    %sign3A_59 = arith.extui %sign3A_58 : i1 to i32
    %sign3A_60 = arith.constant 0 : i32
    %sign3A_61 = arith.cmpi slt, %min3A_49, %sign3A_60 : i32
    %sign3A_62 = arith.extui %sign3A_61 : i1 to i32
    %sign3A_63 = arith.subi %sign3A_59, %sign3A_62 : i32
    %sign3A_64 = arith.constant 0 : i32
    %sign3A_65 = arith.cmpi sgt, %jit3A_55, %sign3A_64 : i32
    %sign3A_66 = arith.extui %sign3A_65 : i1 to i32
    %sign3A_67 = arith.constant 0 : i32
    %sign3A_68 = arith.cmpi slt, %jit3A_55, %sign3A_67 : i32
    %sign3A_69 = arith.extui %sign3A_68 : i1 to i32
    %sign3A_70 = arith.subi %sign3A_66, %sign3A_69 : i32
    %ne3A_71 = arith.cmpi ne, %sign3A_63, %sign3A_70 : i32
    %rem3A_72 = arith.remsi %min3A_49, %jit3A_55 : i32
    %ne3A_73 = arith.constant 0 : i32
    %ne3A_74 = arith.cmpi ne, %rem3A_72, %ne3A_73 : i32
    %and3A_75 = arith.andi %ne3A_71, %ne3A_74 : i1
    %sub3A_76 = arith.constant 1 : i32
    %sub3A_77 = arith.subi %div3A_56, %sub3A_76 : i32
    %select_n3A_78 = arith.select %and3A_75, %sub3A_77, %div3A_56 : i32
    %while3A_79 = arith.constant 0 : i32
    %while3A_80 = arith.constant 0 : i32
    %while3A_81 = arith.subi %select_n3A_78, %while3A_80 : i32
    %while3A_82 = arith.addi %while3A_80, %while3A_81 : i32
    %while3A_83 = arith.constant 1 : i32
    %while3A_84 = arith.divsi %while3A_81, %while3A_83 : i32
    %while3A_85 = arith.muli %while3A_84, %while3A_83 : i32
    %while3A_86 = arith.addi %while3A_80, %while3A_85 : i32
    %while3A_87 = arith.constant 1 : i32
    scf.for %while3A_95 = %while3A_80 to %while3A_86 step %while3A_87  : i32 {
      %mul3A_96 = arith.constant 2 : i32
      %mul3A_97 = arith.muli %mul3A_96, %while3A_95 : i32
      %add3A_98 = arith.constant 1 : i32
      %add3A_99 = arith.addi %mul3A_97, %add3A_98 : i32
      %dma_start3A = arith.constant 0 : i32
      %dma_start3A_100 = tpu.memref_slice %arg9[%add3A_99, %dma_start3A] : memref<80x64xi32, #tpu.memory_space<vmem>> -> memref<1x64xi32, #tpu.memory_space<vmem>>
      %dma_start3A_101 = tpu.memref_squeeze %dma_start3A_100 : memref<1x64xi32, #tpu.memory_space<vmem>> -> memref<64xi32, #tpu.memory_space<vmem>>
      %dma_start3A_102 = arith.constant 0 : i32
      %dma_start3A_103 = arith.constant 0 : i32
      %dma_start3A_104 = tpu.memref_slice %arg2[%dma_start3A_102, %dma_start3A_103] : memref<10000x128xf32, #tpu.memory_space<hbm>> -> memref<10000x128xf32, #tpu.memory_space<hbm>>
      tpu.enqueue_indirect_dma source(%dma_start3A_104 : memref<10000x128xf32, #tpu.memory_space<hbm>>) target(%arg12 : memref<64x128xf32, #tpu.memory_space<vmem>>) offsets(%dma_start3A_101 : memref<64xi32, #tpu.memory_space<vmem>>) semaphore(%arg15 : memref<!tpu.dma_semaphore, #tpu.memory_space<semaphore_mem>>)
      %dma_wait3A = arith.constant 0 : i32
      %dma_wait3A_105 = tpu.memref_slice %arg9[%mul3A_97, %dma_wait3A] : memref<80x64xi32, #tpu.memory_space<vmem>> -> memref<1x64xi32, #tpu.memory_space<vmem>>
      %dma_wait3A_106 = tpu.memref_squeeze %dma_wait3A_105 : memref<1x64xi32, #tpu.memory_space<vmem>> -> memref<64xi32, #tpu.memory_space<vmem>>
      %dma_wait3A_107 = arith.constant 0 : i32
      %dma_wait3A_108 = arith.constant 0 : i32
      %dma_wait3A_109 = tpu.memref_slice %arg2[%dma_wait3A_107, %dma_wait3A_108] : memref<10000x128xf32, #tpu.memory_space<hbm>> -> memref<10000x128xf32, #tpu.memory_space<hbm>>
      tpu.wait_indirect_dma semaphore(%arg14 : memref<!tpu.dma_semaphore, #tpu.memory_space<semaphore_mem>>) src(%dma_wait3A_109 : memref<10000x128xf32, #tpu.memory_space<hbm>>) dst(%arg11 : memref<64x128xf32, #tpu.memory_space<vmem>>)
      "tpu.region"() ({
        %run_scoped3A_154 = tpu.sem_alloc : memref<!tpu.dma_semaphore, #tpu.memory_space<semaphore_mem>>
        %dma_start3A_155 = arith.constant 0 : i32
        %dma_start3A_156 = tpu.memref_slice %arg10[%mul3A_97, %dma_start3A_155] : memref<80x64xi32, #tpu.memory_space<vmem>> -> memref<1x64xi32, #tpu.memory_space<vmem>>
        %dma_start3A_157 = tpu.memref_squeeze %dma_start3A_156 : memref<1x64xi32, #tpu.memory_space<vmem>> -> memref<64xi32, #tpu.memory_space<vmem>>
        %dma_start3A_158 = arith.constant 0 : i32
        %dma_start3A_159 = arith.constant 0 : i32
        %dma_start3A_160 = tpu.memref_slice %arg16[%dma_start3A_158, %dma_start3A_159] : memref<10000x128xf32, #tpu.memory_space<vmem_shared>> -> memref<10000x128xf32, #tpu.memory_space<vmem_shared>>
        tpu.enqueue_indirect_dma source(%arg11 : memref<64x128xf32, #tpu.memory_space<vmem>>) target(%dma_start3A_160 : memref<10000x128xf32, #tpu.memory_space<vmem_shared>>) offsets(%dma_start3A_157 : memref<64xi32, #tpu.memory_space<vmem>>) semaphore(%run_scoped3A_154 : memref<!tpu.dma_semaphore, #tpu.memory_space<semaphore_mem>>) {add = true}
        %dma_wait3A_161 = arith.constant 0 : i32
        %dma_wait3A_162 = tpu.memref_slice %arg10[%mul3A_97, %dma_wait3A_161] : memref<80x64xi32, #tpu.memory_space<vmem>> -> memref<1x64xi32, #tpu.memory_space<vmem>>
        %dma_wait3A_163 = tpu.memref_squeeze %dma_wait3A_162 : memref<1x64xi32, #tpu.memory_space<vmem>> -> memref<64xi32, #tpu.memory_space<vmem>>
        %dma_wait3A_164 = arith.constant 0 : i32
        %dma_wait3A_165 = arith.constant 0 : i32
        %dma_wait3A_166 = tpu.memref_slice %arg16[%dma_wait3A_164, %dma_wait3A_165] : memref<10000x128xf32, #tpu.memory_space<vmem_shared>> -> memref<10000x128xf32, #tpu.memory_space<vmem_shared>>
        tpu.wait_indirect_dma semaphore(%run_scoped3A_154 : memref<!tpu.dma_semaphore, #tpu.memory_space<semaphore_mem>>) src(%arg11 : memref<64x128xf32, #tpu.memory_space<vmem>>) dst(%dma_wait3A_166 : memref<10000x128xf32, #tpu.memory_space<vmem_shared>>)
        tpu.yield
      }) : () -> ()
      %add3A_110 = arith.constant 2 : i32
      %add3A_111 = arith.addi %mul3A_97, %add3A_110 : i32
      %lt3A = arith.cmpi slt, %add3A_111, %min3A_49 : i32
      %convert_element_type3A_112 = arith.extui %lt3A : i1 to i32
      %cond3A_113 = arith.constant 0 : i32
      %cond3A_114 = arith.cmpi ne, %convert_element_type3A_112, %cond3A_113 : i32
      scf.if %cond3A_114 {
        %add3A_154 = arith.constant 2 : i32
        %add3A_155 = arith.addi %mul3A_97, %add3A_154 : i32
        %dma_start3A_156 = arith.constant 0 : i32
        %dma_start3A_157 = tpu.memref_slice %arg9[%add3A_155, %dma_start3A_156] : memref<80x64xi32, #tpu.memory_space<vmem>> -> memref<1x64xi32, #tpu.memory_space<vmem>>
        %dma_start3A_158 = tpu.memref_squeeze %dma_start3A_157 : memref<1x64xi32, #tpu.memory_space<vmem>> -> memref<64xi32, #tpu.memory_space<vmem>>
        %dma_start3A_159 = arith.constant 0 : i32
        %dma_start3A_160 = arith.constant 0 : i32
        %dma_start3A_161 = tpu.memref_slice %arg2[%dma_start3A_159, %dma_start3A_160] : memref<10000x128xf32, #tpu.memory_space<hbm>> -> memref<10000x128xf32, #tpu.memory_space<hbm>>
        tpu.enqueue_indirect_dma source(%dma_start3A_161 : memref<10000x128xf32, #tpu.memory_space<hbm>>) target(%arg11 : memref<64x128xf32, #tpu.memory_space<vmem>>) offsets(%dma_start3A_158 : memref<64xi32, #tpu.memory_space<vmem>>) semaphore(%arg14 : memref<!tpu.dma_semaphore, #tpu.memory_space<semaphore_mem>>)
      } else {
      }
      %get3A = arith.index_cast %mul3A_97 : i32 to index
      %get3A_115 = arith.constant 0 : index
      %get3A_116 = tpu.vector_load %arg10[%get3A, %get3A_115] {strides = array<i32>} : memref<80x64xi32, #tpu.memory_space<vmem>>, vector<16xi32>,
      tpu.vector_store_idx %arg13[%get3A_116], %broadcast_in_dim3A_3 {add = true} : memref<10016xf32, #tpu.memory_space<vmem>>[vector<16xi32>], vector<16xf32>,
      %get3A_117 = arith.index_cast %mul3A_97 : i32 to index
      %get3A_118 = arith.constant 16 : index
      %get3A_119 = tpu.vector_load %arg10[%get3A_117, %get3A_118] {strides = array<i32>} : memref<80x64xi32, #tpu.memory_space<vmem>>, vector<16xi32>,
      tpu.vector_store_idx %arg13[%get3A_119], %broadcast_in_dim3A_3 {add = true} : memref<10016xf32, #tpu.memory_space<vmem>>[vector<16xi32>], vector<16xf32>,
      %get3A_120 = arith.index_cast %mul3A_97 : i32 to index
      %get3A_121 = arith.constant 32 : index
      %get3A_122 = tpu.vector_load %arg10[%get3A_120, %get3A_121] {strides = array<i32>} : memref<80x64xi32, #tpu.memory_space<vmem>>, vector<16xi32>,
      tpu.vector_store_idx %arg13[%get3A_122], %broadcast_in_dim3A_3 {add = true} : memref<10016xf32, #tpu.memory_space<vmem>>[vector<16xi32>], vector<16xf32>,
      %get3A_123 = arith.index_cast %mul3A_97 : i32 to index
      %get3A_124 = arith.constant 48 : index
      %get3A_125 = tpu.vector_load %arg10[%get3A_123, %get3A_124] {strides = array<i32>} : memref<80x64xi32, #tpu.memory_space<vmem>>, vector<16xi32>,
      tpu.vector_store_idx %arg13[%get3A_125], %broadcast_in_dim3A_3 {add = true} : memref<10016xf32, #tpu.memory_space<vmem>>[vector<16xi32>], vector<16xf32>,
      %dma_wait3A_126 = arith.constant 0 : i32
      %dma_wait3A_127 = tpu.memref_slice %arg9[%add3A_99, %dma_wait3A_126] : memref<80x64xi32, #tpu.memory_space<vmem>> -> memref<1x64xi32, #tpu.memory_space<vmem>>
      %dma_wait3A_128 = tpu.memref_squeeze %dma_wait3A_127 : memref<1x64xi32, #tpu.memory_space<vmem>> -> memref<64xi32, #tpu.memory_space<vmem>>
      %dma_wait3A_129 = arith.constant 0 : i32
      %dma_wait3A_130 = arith.constant 0 : i32
      %dma_wait3A_131 = tpu.memref_slice %arg2[%dma_wait3A_129, %dma_wait3A_130] : memref<10000x128xf32, #tpu.memory_space<hbm>> -> memref<10000x128xf32, #tpu.memory_space<hbm>>
      tpu.wait_indirect_dma semaphore(%arg15 : memref<!tpu.dma_semaphore, #tpu.memory_space<semaphore_mem>>) src(%dma_wait3A_131 : memref<10000x128xf32, #tpu.memory_space<hbm>>) dst(%arg12 : memref<64x128xf32, #tpu.memory_space<vmem>>)
      %add3A_132 = arith.constant 1 : i32
      %add3A_133 = arith.addi %mul3A_97, %add3A_132 : i32
      "tpu.region"() ({
        %run_scoped3A_154 = tpu.sem_alloc : memref<!tpu.dma_semaphore, #tpu.memory_space<semaphore_mem>>
        %dma_start3A_155 = arith.constant 0 : i32
        %dma_start3A_156 = tpu.memref_slice %arg10[%add3A_133, %dma_start3A_155] : memref<80x64xi32, #tpu.memory_space<vmem>> -> memref<1x64xi32, #tpu.memory_space<vmem>>
        %dma_start3A_157 = tpu.memref_squeeze %dma_start3A_156 : memref<1x64xi32, #tpu.memory_space<vmem>> -> memref<64xi32, #tpu.memory_space<vmem>>
        %dma_start3A_158 = arith.constant 0 : i32
        %dma_start3A_159 = arith.constant 0 : i32
        %dma_start3A_160 = tpu.memref_slice %arg16[%dma_start3A_158, %dma_start3A_159] : memref<10000x128xf32, #tpu.memory_space<vmem_shared>> -> memref<10000x128xf32, #tpu.memory_space<vmem_shared>>
        tpu.enqueue_indirect_dma source(%arg12 : memref<64x128xf32, #tpu.memory_space<vmem>>) target(%dma_start3A_160 : memref<10000x128xf32, #tpu.memory_space<vmem_shared>>) offsets(%dma_start3A_157 : memref<64xi32, #tpu.memory_space<vmem>>) semaphore(%run_scoped3A_154 : memref<!tpu.dma_semaphore, #tpu.memory_space<semaphore_mem>>) {add = true}
        %dma_wait3A_161 = arith.constant 0 : i32
        %dma_wait3A_162 = tpu.memref_slice %arg10[%add3A_133, %dma_wait3A_161] : memref<80x64xi32, #tpu.memory_space<vmem>> -> memref<1x64xi32, #tpu.memory_space<vmem>>
        %dma_wait3A_163 = tpu.memref_squeeze %dma_wait3A_162 : memref<1x64xi32, #tpu.memory_space<vmem>> -> memref<64xi32, #tpu.memory_space<vmem>>
        %dma_wait3A_164 = arith.constant 0 : i32
        %dma_wait3A_165 = arith.constant 0 : i32
        %dma_wait3A_166 = tpu.memref_slice %arg16[%dma_wait3A_164, %dma_wait3A_165] : memref<10000x128xf32, #tpu.memory_space<vmem_shared>> -> memref<10000x128xf32, #tpu.memory_space<vmem_shared>>
        tpu.wait_indirect_dma semaphore(%run_scoped3A_154 : memref<!tpu.dma_semaphore, #tpu.memory_space<semaphore_mem>>) src(%arg12 : memref<64x128xf32, #tpu.memory_space<vmem>>) dst(%dma_wait3A_166 : memref<10000x128xf32, #tpu.memory_space<vmem_shared>>)
        tpu.yield
      }) : () -> ()
      %add3A_134 = arith.constant 1 : i32
      %add3A_135 = arith.addi %mul3A_97, %add3A_134 : i32
      %get3A_136 = arith.index_cast %add3A_135 : i32 to index
      %get3A_137 = arith.constant 0 : index
      %get3A_138 = tpu.vector_load %arg10[%get3A_136, %get3A_137] {strides = array<i32>} : memref<80x64xi32, #tpu.memory_space<vmem>>, vector<16xi32>,
      tpu.vector_store_idx %arg13[%get3A_138], %broadcast_in_dim3A_3 {add = true} : memref<10016xf32, #tpu.memory_space<vmem>>[vector<16xi32>], vector<16xf32>,
      %add3A_139 = arith.constant 1 : i32
      %add3A_140 = arith.addi %mul3A_97, %add3A_139 : i32
      %get3A_141 = arith.index_cast %add3A_140 : i32 to index
      %get3A_142 = arith.constant 16 : index
      %get3A_143 = tpu.vector_load %arg10[%get3A_141, %get3A_142] {strides = array<i32>} : memref<80x64xi32, #tpu.memory_space<vmem>>, vector<16xi32>,
      tpu.vector_store_idx %arg13[%get3A_143], %broadcast_in_dim3A_3 {add = true} : memref<10016xf32, #tpu.memory_space<vmem>>[vector<16xi32>], vector<16xf32>,
      %add3A_144 = arith.constant 1 : i32
      %add3A_145 = arith.addi %mul3A_97, %add3A_144 : i32
      %get3A_146 = arith.index_cast %add3A_145 : i32 to index
      %get3A_147 = arith.constant 32 : index
      %get3A_148 = tpu.vector_load %arg10[%get3A_146, %get3A_147] {strides = array<i32>} : memref<80x64xi32, #tpu.memory_space<vmem>>, vector<16xi32>,
      tpu.vector_store_idx %arg13[%get3A_148], %broadcast_in_dim3A_3 {add = true} : memref<10016xf32, #tpu.memory_space<vmem>>[vector<16xi32>], vector<16xf32>,
      %add3A_149 = arith.constant 1 : i32
      %add3A_150 = arith.addi %mul3A_97, %add3A_149 : i32
      %get3A_151 = arith.index_cast %add3A_150 : i32 to index
      %get3A_152 = arith.constant 48 : index
      %get3A_153 = tpu.vector_load %arg10[%get3A_151, %get3A_152] {strides = array<i32>} : memref<80x64xi32, #tpu.memory_space<vmem>>, vector<16xi32>,
      tpu.vector_store_idx %arg13[%get3A_153], %broadcast_in_dim3A_3 {add = true} : memref<10016xf32, #tpu.memory_space<vmem>>[vector<16xi32>], vector<16xf32>,
    }
    %while3A_88 = arith.constant 1 : i32
    scf.for %while3A_95 = %while3A_86 to %while3A_82 step %while3A_88  : i32 {
      %mul3A_96 = arith.constant 2 : i32
      %mul3A_97 = arith.muli %mul3A_96, %while3A_95 : i32
      %add3A_98 = arith.constant 1 : i32
      %add3A_99 = arith.addi %mul3A_97, %add3A_98 : i32
      %dma_start3A = arith.constant 0 : i32
      %dma_start3A_100 = tpu.memref_slice %arg9[%add3A_99, %dma_start3A] : memref<80x64xi32, #tpu.memory_space<vmem>> -> memref<1x64xi32, #tpu.memory_space<vmem>>
      %dma_start3A_101 = tpu.memref_squeeze %dma_start3A_100 : memref<1x64xi32, #tpu.memory_space<vmem>> -> memref<64xi32, #tpu.memory_space<vmem>>
      %dma_start3A_102 = arith.constant 0 : i32
      %dma_start3A_103 = arith.constant 0 : i32
      %dma_start3A_104 = tpu.memref_slice %arg2[%dma_start3A_102, %dma_start3A_103] : memref<10000x128xf32, #tpu.memory_space<hbm>> -> memref<10000x128xf32, #tpu.memory_space<hbm>>
      tpu.enqueue_indirect_dma source(%dma_start3A_104 : memref<10000x128xf32, #tpu.memory_space<hbm>>) target(%arg12 : memref<64x128xf32, #tpu.memory_space<vmem>>) offsets(%dma_start3A_101 : memref<64xi32, #tpu.memory_space<vmem>>) semaphore(%arg15 : memref<!tpu.dma_semaphore, #tpu.memory_space<semaphore_mem>>)
      %dma_wait3A = arith.constant 0 : i32
      %dma_wait3A_105 = tpu.memref_slice %arg9[%mul3A_97, %dma_wait3A] : memref<80x64xi32, #tpu.memory_space<vmem>> -> memref<1x64xi32, #tpu.memory_space<vmem>>
      %dma_wait3A_106 = tpu.memref_squeeze %dma_wait3A_105 : memref<1x64xi32, #tpu.memory_space<vmem>> -> memref<64xi32, #tpu.memory_space<vmem>>
      %dma_wait3A_107 = arith.constant 0 : i32
      %dma_wait3A_108 = arith.constant 0 : i32
      %dma_wait3A_109 = tpu.memref_slice %arg2[%dma_wait3A_107, %dma_wait3A_108] : memref<10000x128xf32, #tpu.memory_space<hbm>> -> memref<10000x128xf32, #tpu.memory_space<hbm>>
      tpu.wait_indirect_dma semaphore(%arg14 : memref<!tpu.dma_semaphore, #tpu.memory_space<semaphore_mem>>) src(%dma_wait3A_109 : memref<10000x128xf32, #tpu.memory_space<hbm>>) dst(%arg11 : memref<64x128xf32, #tpu.memory_space<vmem>>)
      "tpu.region"() ({
        %run_scoped3A_154 = tpu.sem_alloc : memref<!tpu.dma_semaphore, #tpu.memory_space<semaphore_mem>>
        %dma_start3A_155 = arith.constant 0 : i32
        %dma_start3A_156 = tpu.memref_slice %arg10[%mul3A_97, %dma_start3A_155] : memref<80x64xi32, #tpu.memory_space<vmem>> -> memref<1x64xi32, #tpu.memory_space<vmem>>
        %dma_start3A_157 = tpu.memref_squeeze %dma_start3A_156 : memref<1x64xi32, #tpu.memory_space<vmem>> -> memref<64xi32, #tpu.memory_space<vmem>>
        %dma_start3A_158 = arith.constant 0 : i32
        %dma_start3A_159 = arith.constant 0 : i32
        %dma_start3A_160 = tpu.memref_slice %arg16[%dma_start3A_158, %dma_start3A_159] : memref<10000x128xf32, #tpu.memory_space<vmem_shared>> -> memref<10000x128xf32, #tpu.memory_space<vmem_shared>>
        tpu.enqueue_indirect_dma source(%arg11 : memref<64x128xf32, #tpu.memory_space<vmem>>) target(%dma_start3A_160 : memref<10000x128xf32, #tpu.memory_space<vmem_shared>>) offsets(%dma_start3A_157 : memref<64xi32, #tpu.memory_space<vmem>>) semaphore(%run_scoped3A_154 : memref<!tpu.dma_semaphore, #tpu.memory_space<semaphore_mem>>) {add = true}
        %dma_wait3A_161 = arith.constant 0 : i32
        %dma_wait3A_162 = tpu.memref_slice %arg10[%mul3A_97, %dma_wait3A_161] : memref<80x64xi32, #tpu.memory_space<vmem>> -> memref<1x64xi32, #tpu.memory_space<vmem>>
        %dma_wait3A_163 = tpu.memref_squeeze %dma_wait3A_162 : memref<1x64xi32, #tpu.memory_space<vmem>> -> memref<64xi32, #tpu.memory_space<vmem>>
        %dma_wait3A_164 = arith.constant 0 : i32
        %dma_wait3A_165 = arith.constant 0 : i32
        %dma_wait3A_166 = tpu.memref_slice %arg16[%dma_wait3A_164, %dma_wait3A_165] : memref<10000x128xf32, #tpu.memory_space<vmem_shared>> -> memref<10000x128xf32, #tpu.memory_space<vmem_shared>>
        tpu.wait_indirect_dma semaphore(%run_scoped3A_154 : memref<!tpu.dma_semaphore, #tpu.memory_space<semaphore_mem>>) src(%arg11 : memref<64x128xf32, #tpu.memory_space<vmem>>) dst(%dma_wait3A_166 : memref<10000x128xf32, #tpu.memory_space<vmem_shared>>)
        tpu.yield
      }) : () -> ()
      %add3A_110 = arith.constant 2 : i32
      %add3A_111 = arith.addi %mul3A_97, %add3A_110 : i32
      %lt3A = arith.cmpi slt, %add3A_111, %min3A_49 : i32
      %convert_element_type3A_112 = arith.extui %lt3A : i1 to i32
      %cond3A_113 = arith.constant 0 : i32
      %cond3A_114 = arith.cmpi ne, %convert_element_type3A_112, %cond3A_113 : i32
      scf.if %cond3A_114 {
        %add3A_154 = arith.constant 2 : i32
        %add3A_155 = arith.addi %mul3A_97, %add3A_154 : i32
        %dma_start3A_156 = arith.constant 0 : i32
        %dma_start3A_157 = tpu.memref_slice %arg9[%add3A_155, %dma_start3A_156] : memref<80x64xi32, #tpu.memory_space<vmem>> -> memref<1x64xi32, #tpu.memory_space<vmem>>
        %dma_start3A_158 = tpu.memref_squeeze %dma_start3A_157 : memref<1x64xi32, #tpu.memory_space<vmem>> -> memref<64xi32, #tpu.memory_space<vmem>>
        %dma_start3A_159 = arith.constant 0 : i32
        %dma_start3A_160 = arith.constant 0 : i32
        %dma_start3A_161 = tpu.memref_slice %arg2[%dma_start3A_159, %dma_start3A_160] : memref<10000x128xf32, #tpu.memory_space<hbm>> -> memref<10000x128xf32, #tpu.memory_space<hbm>>
        tpu.enqueue_indirect_dma source(%dma_start3A_161 : memref<10000x128xf32, #tpu.memory_space<hbm>>) target(%arg11 : memref<64x128xf32, #tpu.memory_space<vmem>>) offsets(%dma_start3A_158 : memref<64xi32, #tpu.memory_space<vmem>>) semaphore(%arg14 : memref<!tpu.dma_semaphore, #tpu.memory_space<semaphore_mem>>)
      } else {
      }
      %get3A = arith.index_cast %mul3A_97 : i32 to index
      %get3A_115 = arith.constant 0 : index
      %get3A_116 = tpu.vector_load %arg10[%get3A, %get3A_115] {strides = array<i32>} : memref<80x64xi32, #tpu.memory_space<vmem>>, vector<16xi32>,
      tpu.vector_store_idx %arg13[%get3A_116], %broadcast_in_dim3A_3 {add = true} : memref<10016xf32, #tpu.memory_space<vmem>>[vector<16xi32>], vector<16xf32>,
      %get3A_117 = arith.index_cast %mul3A_97 : i32 to index
      %get3A_118 = arith.constant 16 : index
      %get3A_119 = tpu.vector_load %arg10[%get3A_117, %get3A_118] {strides = array<i32>} : memref<80x64xi32, #tpu.memory_space<vmem>>, vector<16xi32>,
      tpu.vector_store_idx %arg13[%get3A_119], %broadcast_in_dim3A_3 {add = true} : memref<10016xf32, #tpu.memory_space<vmem>>[vector<16xi32>], vector<16xf32>,
      %get3A_120 = arith.index_cast %mul3A_97 : i32 to index
      %get3A_121 = arith.constant 32 : index
      %get3A_122 = tpu.vector_load %arg10[%get3A_120, %get3A_121] {strides = array<i32>} : memref<80x64xi32, #tpu.memory_space<vmem>>, vector<16xi32>,
      tpu.vector_store_idx %arg13[%get3A_122], %broadcast_in_dim3A_3 {add = true} : memref<10016xf32, #tpu.memory_space<vmem>>[vector<16xi32>], vector<16xf32>,
      %get3A_123 = arith.index_cast %mul3A_97 : i32 to index
      %get3A_124 = arith.constant 48 : index
      %get3A_125 = tpu.vector_load %arg10[%get3A_123, %get3A_124] {strides = array<i32>} : memref<80x64xi32, #tpu.memory_space<vmem>>, vector<16xi32>,
      tpu.vector_store_idx %arg13[%get3A_125], %broadcast_in_dim3A_3 {add = true} : memref<10016xf32, #tpu.memory_space<vmem>>[vector<16xi32>], vector<16xf32>,
      %dma_wait3A_126 = arith.constant 0 : i32
      %dma_wait3A_127 = tpu.memref_slice %arg9[%add3A_99, %dma_wait3A_126] : memref<80x64xi32, #tpu.memory_space<vmem>> -> memref<1x64xi32, #tpu.memory_space<vmem>>
      %dma_wait3A_128 = tpu.memref_squeeze %dma_wait3A_127 : memref<1x64xi32, #tpu.memory_space<vmem>> -> memref<64xi32, #tpu.memory_space<vmem>>
      %dma_wait3A_129 = arith.constant 0 : i32
      %dma_wait3A_130 = arith.constant 0 : i32
      %dma_wait3A_131 = tpu.memref_slice %arg2[%dma_wait3A_129, %dma_wait3A_130] : memref<10000x128xf32, #tpu.memory_space<hbm>> -> memref<10000x128xf32, #tpu.memory_space<hbm>>
      tpu.wait_indirect_dma semaphore(%arg15 : memref<!tpu.dma_semaphore, #tpu.memory_space<semaphore_mem>>) src(%dma_wait3A_131 : memref<10000x128xf32, #tpu.memory_space<hbm>>) dst(%arg12 : memref<64x128xf32, #tpu.memory_space<vmem>>)
      %add3A_132 = arith.constant 1 : i32
      %add3A_133 = arith.addi %mul3A_97, %add3A_132 : i32
      "tpu.region"() ({
        %run_scoped3A_154 = tpu.sem_alloc : memref<!tpu.dma_semaphore, #tpu.memory_space<semaphore_mem>>
        %dma_start3A_155 = arith.constant 0 : i32
        %dma_start3A_156 = tpu.memref_slice %arg10[%add3A_133, %dma_start3A_155] : memref<80x64xi32, #tpu.memory_space<vmem>> -> memref<1x64xi32, #tpu.memory_space<vmem>>
        %dma_start3A_157 = tpu.memref_squeeze %dma_start3A_156 : memref<1x64xi32, #tpu.memory_space<vmem>> -> memref<64xi32, #tpu.memory_space<vmem>>
        %dma_start3A_158 = arith.constant 0 : i32
        %dma_start3A_159 = arith.constant 0 : i32
        %dma_start3A_160 = tpu.memref_slice %arg16[%dma_start3A_158, %dma_start3A_159] : memref<10000x128xf32, #tpu.memory_space<vmem_shared>> -> memref<10000x128xf32, #tpu.memory_space<vmem_shared>>
        tpu.enqueue_indirect_dma source(%arg12 : memref<64x128xf32, #tpu.memory_space<vmem>>) target(%dma_start3A_160 : memref<10000x128xf32, #tpu.memory_space<vmem_shared>>) offsets(%dma_start3A_157 : memref<64xi32, #tpu.memory_space<vmem>>) semaphore(%run_scoped3A_154 : memref<!tpu.dma_semaphore, #tpu.memory_space<semaphore_mem>>) {add = true}
        %dma_wait3A_161 = arith.constant 0 : i32
        %dma_wait3A_162 = tpu.memref_slice %arg10[%add3A_133, %dma_wait3A_161] : memref<80x64xi32, #tpu.memory_space<vmem>> -> memref<1x64xi32, #tpu.memory_space<vmem>>
        %dma_wait3A_163 = tpu.memref_squeeze %dma_wait3A_162 : memref<1x64xi32, #tpu.memory_space<vmem>> -> memref<64xi32, #tpu.memory_space<vmem>>
        %dma_wait3A_164 = arith.constant 0 : i32
        %dma_wait3A_165 = arith.constant 0 : i32
        %dma_wait3A_166 = tpu.memref_slice %arg16[%dma_wait3A_164, %dma_wait3A_165] : memref<10000x128xf32, #tpu.memory_space<vmem_shared>> -> memref<10000x128xf32, #tpu.memory_space<vmem_shared>>
        tpu.wait_indirect_dma semaphore(%run_scoped3A_154 : memref<!tpu.dma_semaphore, #tpu.memory_space<semaphore_mem>>) src(%arg12 : memref<64x128xf32, #tpu.memory_space<vmem>>) dst(%dma_wait3A_166 : memref<10000x128xf32, #tpu.memory_space<vmem_shared>>)
        tpu.yield
      }) : () -> ()
      %add3A_134 = arith.constant 1 : i32
      %add3A_135 = arith.addi %mul3A_97, %add3A_134 : i32
      %get3A_136 = arith.index_cast %add3A_135 : i32 to index
      %get3A_137 = arith.constant 0 : index
      %get3A_138 = tpu.vector_load %arg10[%get3A_136, %get3A_137] {strides = array<i32>} : memref<80x64xi32, #tpu.memory_space<vmem>>, vector<16xi32>,
      tpu.vector_store_idx %arg13[%get3A_138], %broadcast_in_dim3A_3 {add = true} : memref<10016xf32, #tpu.memory_space<vmem>>[vector<16xi32>], vector<16xf32>,
      %add3A_139 = arith.constant 1 : i32
      %add3A_140 = arith.addi %mul3A_97, %add3A_139 : i32
      %get3A_141 = arith.index_cast %add3A_140 : i32 to index
      %get3A_142 = arith.constant 16 : index
      %get3A_143 = tpu.vector_load %arg10[%get3A_141, %get3A_142] {strides = array<i32>} : memref<80x64xi32, #tpu.memory_space<vmem>>, vector<16xi32>,
      tpu.vector_store_idx %arg13[%get3A_143], %broadcast_in_dim3A_3 {add = true} : memref<10016xf32, #tpu.memory_space<vmem>>[vector<16xi32>], vector<16xf32>,
      %add3A_144 = arith.constant 1 : i32
      %add3A_145 = arith.addi %mul3A_97, %add3A_144 : i32
      %get3A_146 = arith.index_cast %add3A_145 : i32 to index
      %get3A_147 = arith.constant 32 : index
      %get3A_148 = tpu.vector_load %arg10[%get3A_146, %get3A_147] {strides = array<i32>} : memref<80x64xi32, #tpu.memory_space<vmem>>, vector<16xi32>,
      tpu.vector_store_idx %arg13[%get3A_148], %broadcast_in_dim3A_3 {add = true} : memref<10016xf32, #tpu.memory_space<vmem>>[vector<16xi32>], vector<16xf32>,
      %add3A_149 = arith.constant 1 : i32
      %add3A_150 = arith.addi %mul3A_97, %add3A_149 : i32
      %get3A_151 = arith.index_cast %add3A_150 : i32 to index
      %get3A_152 = arith.constant 48 : index
      %get3A_153 = tpu.vector_load %arg10[%get3A_151, %get3A_152] {strides = array<i32>} : memref<80x64xi32, #tpu.memory_space<vmem>>, vector<16xi32>,
      tpu.vector_store_idx %arg13[%get3A_153], %broadcast_in_dim3A_3 {add = true} : memref<10016xf32, #tpu.memory_space<vmem>>[vector<16xi32>], vector<16xf32>,
    }
    %barrier3A_89 = arith.constant 0 : index
    tpu.barrier barrier_id(%barrier3A_89)
    "tpu.region"() ({
      %run_scoped3A_95 = tpu.sem_alloc : memref<!tpu.dma_semaphore, #tpu.memory_space<semaphore_mem>>
      %dma_start3A = arith.constant 0 : i32
      %dma_start3A_96 = tpu.memref_slice %arg7[%arg0, %mul3A_2, %dma_start3A] : memref<2x10000x128xf32, #tpu.memory_space<hbm>> -> memref<1x624x128xf32, #tpu.memory_space<hbm>>
      %dma_start3A_97 = tpu.memref_squeeze %dma_start3A_96 : memref<1x624x128xf32, #tpu.memory_space<hbm>> -> memref<624x128xf32, #tpu.memory_space<hbm>>
      %dma_start3A_98 = arith.constant 0 : i32
      %dma_start3A_99 = tpu.memref_slice %arg16[%mul3A_2, %dma_start3A_98] : memref<10000x128xf32, #tpu.memory_space<vmem_shared>> -> memref<624x128xf32, #tpu.memory_space<vmem_shared>>
      tpu.enqueue_dma source(%dma_start3A_99 : memref<624x128xf32, #tpu.memory_space<vmem_shared>>) target(%dma_start3A_97 : memref<624x128xf32, #tpu.memory_space<hbm>>) target_semaphore(%run_scoped3A_95 : memref<!tpu.dma_semaphore, #tpu.memory_space<semaphore_mem>>)
      %dma_wait3A = arith.constant 0 : i32
      %dma_wait3A_100 = tpu.memref_slice %arg7[%arg0, %mul3A_2, %dma_wait3A] : memref<2x10000x128xf32, #tpu.memory_space<hbm>> -> memref<1x624x128xf32, #tpu.memory_space<hbm>>
      %dma_wait3A_101 = tpu.memref_squeeze %dma_wait3A_100 : memref<1x624x128xf32, #tpu.memory_space<hbm>> -> memref<624x128xf32, #tpu.memory_space<hbm>>
      %dma_wait3A_102 = arith.constant 0 : i32
      %dma_wait3A_103 = tpu.memref_slice %arg16[%mul3A_2, %dma_wait3A_102] : memref<10000x128xf32, #tpu.memory_space<vmem_shared>> -> memref<624x128xf32, #tpu.memory_space<vmem_shared>>
      tpu.wait_dma2 semaphore(%run_scoped3A_95 : memref<!tpu.dma_semaphore, #tpu.memory_space<semaphore_mem>>) src(%dma_wait3A_103 : memref<624x128xf32, #tpu.memory_space<vmem_shared>>) dst(%dma_wait3A_101 : memref<624x128xf32, #tpu.memory_space<hbm>>)
      tpu.yield
    }) : () -> ()
    %run_scoped3A = arith.constant 0 : i32
    "tpu.region"() ({
      %run_scoped3A_95 = tpu.sem_alloc : memref<!tpu.dma_semaphore, #tpu.memory_space<semaphore_mem>>
      %dma_start3A = arith.constant 0 : i32
      %dma_start3A_96 = tpu.memref_slice %arg8[%add3A, %run_scoped3A, %dma_start3A] : memref<32x1x10016xf32, #tpu.memory_space<hbm>> -> memref<1x1x10016xf32, #tpu.memory_space<hbm>>
      %dma_start3A_97 = tpu.memref_squeeze %dma_start3A_96 : memref<1x1x10016xf32, #tpu.memory_space<hbm>> -> memref<10016xf32, #tpu.memory_space<hbm>>
      %dma_start3A_98 = arith.constant 0 : i32
      %dma_start3A_99 = tpu.memref_slice %arg8[%add3A, %run_scoped3A, %dma_start3A_98] : memref<32x1x10016xf32, #tpu.memory_space<hbm>> -> memref<1x1x10016xf32, #tpu.memory_space<hbm>>
      %dma_start3A_100 = tpu.memref_squeeze %dma_start3A_99 : memref<1x1x10016xf32, #tpu.memory_space<hbm>> -> memref<10016xf32, #tpu.memory_space<hbm>>
      tpu.enqueue_dma source(%arg13 : memref<10016xf32, #tpu.memory_space<vmem>>) target(%dma_start3A_100 : memref<10016xf32, #tpu.memory_space<hbm>>) target_semaphore(%run_scoped3A_95 : memref<!tpu.dma_semaphore, #tpu.memory_space<semaphore_mem>>)
      %dma_wait3A = arith.constant 0 : i32
      %dma_wait3A_101 = tpu.memref_slice %arg8[%add3A, %run_scoped3A, %dma_wait3A] : memref<32x1x10016xf32, #tpu.memory_space<hbm>> -> memref<1x1x10016xf32, #tpu.memory_space<hbm>>
      %dma_wait3A_102 = tpu.memref_squeeze %dma_wait3A_101 : memref<1x1x10016xf32, #tpu.memory_space<hbm>> -> memref<10016xf32, #tpu.memory_space<hbm>>
      %dma_wait3A_103 = arith.constant 0 : i32
      %dma_wait3A_104 = tpu.memref_slice %arg8[%add3A, %run_scoped3A, %dma_wait3A_103] : memref<32x1x10016xf32, #tpu.memory_space<hbm>> -> memref<1x1x10016xf32, #tpu.memory_space<hbm>>
      %dma_wait3A_105 = tpu.memref_squeeze %dma_wait3A_104 : memref<1x1x10016xf32, #tpu.memory_space<hbm>> -> memref<10016xf32, #tpu.memory_space<hbm>>
      tpu.wait_dma2 semaphore(%run_scoped3A_95 : memref<!tpu.dma_semaphore, #tpu.memory_space<semaphore_mem>>) src(%arg13 : memref<10016xf32, #tpu.memory_space<vmem>>) dst(%dma_wait3A_105 : memref<10016xf32, #tpu.memory_space<hbm>>)
      tpu.yield
    }) : () -> ()
    %eq3A_90 = arith.constant 15 : i32
    %eq3A_91 = arith.cmpi eq, %arg1, %eq3A_90 : i32
    %convert_element_type3A_92 = arith.extui %eq3A_91 : i1 to i32
    %cond3A_93 = arith.constant 0 : i32
    %cond3A_94 = arith.cmpi ne, %convert_element_type3A_92, %cond3A_93 : i32
    scf.if %cond3A_94 {
      "tpu.region"() ({
        %run_scoped3A_95 = tpu.sem_alloc : memref<!tpu.dma_semaphore, #tpu.memory_space<semaphore_mem>>
        %dma_start3A = arith.constant 9984 : i32
        %dma_start3A_96 = arith.constant 0 : i32
        %dma_start3A_97 = tpu.memref_slice %arg7[%arg0, %dma_start3A, %dma_start3A_96] : memref<2x10000x128xf32, #tpu.memory_space<hbm>> -> memref<1x16x128xf32, #tpu.memory_space<hbm>>
        %dma_start3A_98 = tpu.memref_squeeze %dma_start3A_97 : memref<1x16x128xf32, #tpu.memory_space<hbm>> -> memref<16x128xf32, #tpu.memory_space<hbm>>
        %dma_start3A_99 = arith.constant 9984 : i32
        %dma_start3A_100 = arith.constant 0 : i32
        %dma_start3A_101 = tpu.memref_slice %arg16[%dma_start3A_99, %dma_start3A_100] : memref<10000x128xf32, #tpu.memory_space<vmem_shared>> -> memref<16x128xf32, #tpu.memory_space<vmem_shared>>
        tpu.enqueue_dma source(%dma_start3A_101 : memref<16x128xf32, #tpu.memory_space<vmem_shared>>) target(%dma_start3A_98 : memref<16x128xf32, #tpu.memory_space<hbm>>) target_semaphore(%run_scoped3A_95 : memref<!tpu.dma_semaphore, #tpu.memory_space<semaphore_mem>>)
        %dma_wait3A = arith.constant 9984 : i32
        %dma_wait3A_102 = arith.constant 0 : i32
        %dma_wait3A_103 = tpu.memref_slice %arg7[%arg0, %dma_wait3A, %dma_wait3A_102] : memref<2x10000x128xf32, #tpu.memory_space<hbm>> -> memref<1x16x128xf32, #tpu.memory_space<hbm>>
        %dma_wait3A_104 = tpu.memref_squeeze %dma_wait3A_103 : memref<1x16x128xf32, #tpu.memory_space<hbm>> -> memref<16x128xf32, #tpu.memory_space<hbm>>
        %dma_wait3A_105 = arith.constant 9984 : i32
        %dma_wait3A_106 = arith.constant 0 : i32
        %dma_wait3A_107 = tpu.memref_slice %arg16[%dma_wait3A_105, %dma_wait3A_106] : memref<10000x128xf32, #tpu.memory_space<vmem_shared>> -> memref<16x128xf32, #tpu.memory_space<vmem_shared>>
        tpu.wait_dma2 semaphore(%run_scoped3A_95 : memref<!tpu.dma_semaphore, #tpu.memory_space<semaphore_mem>>) src(%dma_wait3A_107 : memref<16x128xf32, #tpu.memory_space<vmem_shared>>) dst(%dma_wait3A_104 : memref<16x128xf32, #tpu.memory_space<hbm>>)
        tpu.yield
      }) : () -> ()
    } else {
    }
    return
  }
}

#map = affine_map<(d0, d1) -> (0, 0)>
#map1 = affine_map<(d0, d1) -> (0, 0, 0)>
module attributes {stable_mosaic.version = 14 : i64} {
  func.func @seg_sum(%arg0: i32, %arg1: i32, %arg2: memref<10000x128xf32, #tpu.memory_space<hbm>>, %arg3: memref<32x80x128xi32, #tpu.memory_space<hbm>>, %arg4: memref<32x80x128xi32, #tpu.memory_space<hbm>>, %arg5: memref<10000x128xf32, #tpu.memory_space<hbm>>, %arg6: memref<2x10000x128xf32, #tpu.memory_space<hbm>>, %arg7: memref<40x128xi32, #tpu.memory_space<vmem>>, %arg8: memref<40x128xi32, #tpu.memory_space<vmem>>, %arg9: memref<128x128xf32, #tpu.memory_space<vmem>>, %arg10: memref<128x128xf32, #tpu.memory_space<vmem>>, %arg11: memref<!tpu.dma_semaphore, #tpu.memory_space<semaphore_mem>>, %arg12: memref<!tpu.dma_semaphore, #tpu.memory_space<semaphore_mem>>, %arg13: memref<10000x128xf32, #tpu.memory_space<vmem_shared>>) attributes {dimension_semantics = [#tpu.dimension_semantics<core_parallel>, #tpu.dimension_semantics<subcore_parallel>], iteration_bounds = array<i64: 2, 16>, scalar_prefetch = 0 : i64, scratch_operands = 7 : i64, tpu.core_type = #tpu.core_type<sc_vector_subcore>, window_params = [{transform_indices = #map}, {transform_indices = #map1}, {transform_indices = #map1}, {transform_indices = #map}, {transform_indices = #map1}]} {
    %mul3A = arith.constant 2 : i32
    %mul3A_0 = arith.muli %arg1, %mul3A : i32
    %add3A = arith.addi %mul3A_0, %arg0 : i32
    %mul3A_1 = arith.constant 624 : i32
    %mul3A_2 = arith.muli %arg1, %mul3A_1 : i32
    "tpu.region"() ({
      %run_scoped3A = tpu.sem_alloc : memref<!tpu.dma_semaphore, #tpu.memory_space<semaphore_mem>>
      %dma_start3A = arith.constant 0 : i32
      %dma_start3A_94 = tpu.memref_slice %arg13[%mul3A_2, %dma_start3A] : memref<10000x128xf32, #tpu.memory_space<vmem_shared>> -> memref<624x128xf32, #tpu.memory_space<vmem_shared>>
      %dma_start3A_95 = arith.constant 0 : i32
      %dma_start3A_96 = tpu.memref_slice %arg5[%mul3A_2, %dma_start3A_95] : memref<10000x128xf32, #tpu.memory_space<hbm>> -> memref<624x128xf32, #tpu.memory_space<hbm>>
      tpu.enqueue_dma source(%dma_start3A_96 : memref<624x128xf32, #tpu.memory_space<hbm>>) target(%dma_start3A_94 : memref<624x128xf32, #tpu.memory_space<vmem_shared>>) target_semaphore(%run_scoped3A : memref<!tpu.dma_semaphore, #tpu.memory_space<semaphore_mem>>)
      %dma_wait3A = arith.constant 0 : i32
      %dma_wait3A_97 = tpu.memref_slice %arg13[%mul3A_2, %dma_wait3A] : memref<10000x128xf32, #tpu.memory_space<vmem_shared>> -> memref<624x128xf32, #tpu.memory_space<vmem_shared>>
      %dma_wait3A_98 = arith.constant 0 : i32
      %dma_wait3A_99 = tpu.memref_slice %arg5[%mul3A_2, %dma_wait3A_98] : memref<10000x128xf32, #tpu.memory_space<hbm>> -> memref<624x128xf32, #tpu.memory_space<hbm>>
      tpu.wait_dma2 semaphore(%run_scoped3A : memref<!tpu.dma_semaphore, #tpu.memory_space<semaphore_mem>>) src(%dma_wait3A_99 : memref<624x128xf32, #tpu.memory_space<hbm>>) dst(%dma_wait3A_97 : memref<624x128xf32, #tpu.memory_space<vmem_shared>>)
      tpu.yield
    }) : () -> ()
    %eq3A = arith.constant 15 : i32
    %eq3A_3 = arith.cmpi eq, %arg1, %eq3A : i32
    %convert_element_type3A = arith.extui %eq3A_3 : i1 to i32
    %cond3A = arith.constant 0 : i32
    %cond3A_4 = arith.cmpi ne, %convert_element_type3A, %cond3A : i32
    scf.if %cond3A_4 {
      "tpu.region"() ({
        %run_scoped3A = tpu.sem_alloc : memref<!tpu.dma_semaphore, #tpu.memory_space<semaphore_mem>>
        %dma_start3A = arith.constant 9984 : i32
        %dma_start3A_94 = arith.constant 0 : i32
        %dma_start3A_95 = tpu.memref_slice %arg13[%dma_start3A, %dma_start3A_94] : memref<10000x128xf32, #tpu.memory_space<vmem_shared>> -> memref<16x128xf32, #tpu.memory_space<vmem_shared>>
        %dma_start3A_96 = arith.constant 9984 : i32
        %dma_start3A_97 = arith.constant 0 : i32
        %dma_start3A_98 = tpu.memref_slice %arg5[%dma_start3A_96, %dma_start3A_97] : memref<10000x128xf32, #tpu.memory_space<hbm>> -> memref<16x128xf32, #tpu.memory_space<hbm>>
        tpu.enqueue_dma source(%dma_start3A_98 : memref<16x128xf32, #tpu.memory_space<hbm>>) target(%dma_start3A_95 : memref<16x128xf32, #tpu.memory_space<vmem_shared>>) target_semaphore(%run_scoped3A : memref<!tpu.dma_semaphore, #tpu.memory_space<semaphore_mem>>)
        %dma_wait3A = arith.constant 9984 : i32
        %dma_wait3A_99 = arith.constant 0 : i32
        %dma_wait3A_100 = tpu.memref_slice %arg13[%dma_wait3A, %dma_wait3A_99] : memref<10000x128xf32, #tpu.memory_space<vmem_shared>> -> memref<16x128xf32, #tpu.memory_space<vmem_shared>>
        %dma_wait3A_101 = arith.constant 9984 : i32
        %dma_wait3A_102 = arith.constant 0 : i32
        %dma_wait3A_103 = tpu.memref_slice %arg5[%dma_wait3A_101, %dma_wait3A_102] : memref<10000x128xf32, #tpu.memory_space<hbm>> -> memref<16x128xf32, #tpu.memory_space<hbm>>
        tpu.wait_dma2 semaphore(%run_scoped3A : memref<!tpu.dma_semaphore, #tpu.memory_space<semaphore_mem>>) src(%dma_wait3A_103 : memref<16x128xf32, #tpu.memory_space<hbm>>) dst(%dma_wait3A_100 : memref<16x128xf32, #tpu.memory_space<vmem_shared>>)
        tpu.yield
      }) : () -> ()
    } else {
    }
    %barrier3A = arith.constant 0 : index
    tpu.barrier barrier_id(%barrier3A)
    %eq3A_5 = arith.constant 31 : i32
    %eq3A_6 = arith.cmpi eq, %add3A, %eq3A_5 : i32
    %jit3A = arith.constant 20 : i32
    %jit3A_7 = arith.constant 80 : i32
    %select_n3A = arith.select %eq3A_6, %jit3A, %jit3A_7 : i32
    "tpu.region"() ({
      %run_scoped3A = tpu.sem_alloc : memref<!tpu.dma_semaphore, #tpu.memory_space<semaphore_mem>>
      %dma_start3A = arith.constant 0 : i32
      %dma_start3A_94 = arith.constant 0 : i32
      %dma_start3A_95 = tpu.memref_slice %arg3[%add3A, %dma_start3A, %dma_start3A_94] : memref<32x80x128xi32, #tpu.memory_space<hbm>> -> memref<1x40x128xi32, #tpu.memory_space<hbm>>
      %dma_start3A_96 = tpu.memref_squeeze %dma_start3A_95 : memref<1x40x128xi32, #tpu.memory_space<hbm>> -> memref<40x128xi32, #tpu.memory_space<hbm>>
      %dma_start3A_97 = arith.constant 0 : i32
      %dma_start3A_98 = arith.constant 0 : i32
      %dma_start3A_99 = tpu.memref_slice %arg3[%add3A, %dma_start3A_97, %dma_start3A_98] : memref<32x80x128xi32, #tpu.memory_space<hbm>> -> memref<1x40x128xi32, #tpu.memory_space<hbm>>
      %dma_start3A_100 = tpu.memref_squeeze %dma_start3A_99 : memref<1x40x128xi32, #tpu.memory_space<hbm>> -> memref<40x128xi32, #tpu.memory_space<hbm>>
      tpu.enqueue_dma source(%dma_start3A_100 : memref<40x128xi32, #tpu.memory_space<hbm>>) target(%arg7 : memref<40x128xi32, #tpu.memory_space<vmem>>) target_semaphore(%run_scoped3A : memref<!tpu.dma_semaphore, #tpu.memory_space<semaphore_mem>>)
      %dma_wait3A = arith.constant 0 : i32
      %dma_wait3A_101 = arith.constant 0 : i32
      %dma_wait3A_102 = tpu.memref_slice %arg3[%add3A, %dma_wait3A, %dma_wait3A_101] : memref<32x80x128xi32, #tpu.memory_space<hbm>> -> memref<1x40x128xi32, #tpu.memory_space<hbm>>
      %dma_wait3A_103 = tpu.memref_squeeze %dma_wait3A_102 : memref<1x40x128xi32, #tpu.memory_space<hbm>> -> memref<40x128xi32, #tpu.memory_space<hbm>>
      %dma_wait3A_104 = arith.constant 0 : i32
      %dma_wait3A_105 = arith.constant 0 : i32
      %dma_wait3A_106 = tpu.memref_slice %arg3[%add3A, %dma_wait3A_104, %dma_wait3A_105] : memref<32x80x128xi32, #tpu.memory_space<hbm>> -> memref<1x40x128xi32, #tpu.memory_space<hbm>>
      %dma_wait3A_107 = tpu.memref_squeeze %dma_wait3A_106 : memref<1x40x128xi32, #tpu.memory_space<hbm>> -> memref<40x128xi32, #tpu.memory_space<hbm>>
      tpu.wait_dma2 semaphore(%run_scoped3A : memref<!tpu.dma_semaphore, #tpu.memory_space<semaphore_mem>>) src(%dma_wait3A_107 : memref<40x128xi32, #tpu.memory_space<hbm>>) dst(%arg7 : memref<40x128xi32, #tpu.memory_space<vmem>>)
      tpu.yield
    }) : () -> ()
    "tpu.region"() ({
      %run_scoped3A = tpu.sem_alloc : memref<!tpu.dma_semaphore, #tpu.memory_space<semaphore_mem>>
      %dma_start3A = arith.constant 0 : i32
      %dma_start3A_94 = arith.constant 0 : i32
      %dma_start3A_95 = tpu.memref_slice %arg4[%add3A, %dma_start3A, %dma_start3A_94] : memref<32x80x128xi32, #tpu.memory_space<hbm>> -> memref<1x40x128xi32, #tpu.memory_space<hbm>>
      %dma_start3A_96 = tpu.memref_squeeze %dma_start3A_95 : memref<1x40x128xi32, #tpu.memory_space<hbm>> -> memref<40x128xi32, #tpu.memory_space<hbm>>
      %dma_start3A_97 = arith.constant 0 : i32
      %dma_start3A_98 = arith.constant 0 : i32
      %dma_start3A_99 = tpu.memref_slice %arg4[%add3A, %dma_start3A_97, %dma_start3A_98] : memref<32x80x128xi32, #tpu.memory_space<hbm>> -> memref<1x40x128xi32, #tpu.memory_space<hbm>>
      %dma_start3A_100 = tpu.memref_squeeze %dma_start3A_99 : memref<1x40x128xi32, #tpu.memory_space<hbm>> -> memref<40x128xi32, #tpu.memory_space<hbm>>
      tpu.enqueue_dma source(%dma_start3A_100 : memref<40x128xi32, #tpu.memory_space<hbm>>) target(%arg8 : memref<40x128xi32, #tpu.memory_space<vmem>>) target_semaphore(%run_scoped3A : memref<!tpu.dma_semaphore, #tpu.memory_space<semaphore_mem>>)
      %dma_wait3A = arith.constant 0 : i32
      %dma_wait3A_101 = arith.constant 0 : i32
      %dma_wait3A_102 = tpu.memref_slice %arg4[%add3A, %dma_wait3A, %dma_wait3A_101] : memref<32x80x128xi32, #tpu.memory_space<hbm>> -> memref<1x40x128xi32, #tpu.memory_space<hbm>>
      %dma_wait3A_103 = tpu.memref_squeeze %dma_wait3A_102 : memref<1x40x128xi32, #tpu.memory_space<hbm>> -> memref<40x128xi32, #tpu.memory_space<hbm>>
      %dma_wait3A_104 = arith.constant 0 : i32
      %dma_wait3A_105 = arith.constant 0 : i32
      %dma_wait3A_106 = tpu.memref_slice %arg4[%add3A, %dma_wait3A_104, %dma_wait3A_105] : memref<32x80x128xi32, #tpu.memory_space<hbm>> -> memref<1x40x128xi32, #tpu.memory_space<hbm>>
      %dma_wait3A_107 = tpu.memref_squeeze %dma_wait3A_106 : memref<1x40x128xi32, #tpu.memory_space<hbm>> -> memref<40x128xi32, #tpu.memory_space<hbm>>
      tpu.wait_dma2 semaphore(%run_scoped3A : memref<!tpu.dma_semaphore, #tpu.memory_space<semaphore_mem>>) src(%dma_wait3A_107 : memref<40x128xi32, #tpu.memory_space<hbm>>) dst(%arg8 : memref<40x128xi32, #tpu.memory_space<vmem>>)
      tpu.yield
    }) : () -> ()
    %sub3A = arith.constant 0 : i32
    %sub3A_8 = arith.subi %select_n3A, %sub3A : i32
    %jit3A_9 = arith.constant 0 : i32
    %jit3A_10 = arith.constant 40 : i32
    %max3A = arith.maxsi %jit3A_9, %sub3A_8 : i32
    %min3A = arith.minsi %jit3A_10, %max3A : i32
    %gt3A = arith.constant 0 : i32
    %gt3A_11 = arith.cmpi sgt, %min3A, %gt3A : i32
    %convert_element_type3A_12 = arith.extui %gt3A_11 : i1 to i32
    %cond3A_13 = arith.constant 0 : i32
    %cond3A_14 = arith.cmpi ne, %convert_element_type3A_12, %cond3A_13 : i32
    scf.if %cond3A_14 {
      %dma_start3A = arith.constant 0 : i32
      %dma_start3A_94 = arith.constant 0 : i32
      %dma_start3A_95 = tpu.memref_slice %arg7[%dma_start3A, %dma_start3A_94] : memref<40x128xi32, #tpu.memory_space<vmem>> -> memref<1x128xi32, #tpu.memory_space<vmem>>
      %dma_start3A_96 = tpu.memref_squeeze %dma_start3A_95 : memref<1x128xi32, #tpu.memory_space<vmem>> -> memref<128xi32, #tpu.memory_space<vmem>>
      %dma_start3A_97 = arith.constant 0 : i32
      %dma_start3A_98 = arith.constant 0 : i32
      %dma_start3A_99 = tpu.memref_slice %arg2[%dma_start3A_97, %dma_start3A_98] : memref<10000x128xf32, #tpu.memory_space<hbm>> -> memref<10000x128xf32, #tpu.memory_space<hbm>>
      tpu.enqueue_indirect_dma source(%dma_start3A_99 : memref<10000x128xf32, #tpu.memory_space<hbm>>) target(%arg9 : memref<128x128xf32, #tpu.memory_space<vmem>>) offsets(%dma_start3A_96 : memref<128xi32, #tpu.memory_space<vmem>>) semaphore(%arg11 : memref<!tpu.dma_semaphore, #tpu.memory_space<semaphore_mem>>)
    } else {
    }
    %jit3A_15 = arith.constant 2 : i32
    %div3A = arith.divsi %min3A, %jit3A_15 : i32
    %sign3A = arith.constant 0 : i32
    %sign3A_16 = arith.cmpi sgt, %min3A, %sign3A : i32
    %sign3A_17 = arith.extui %sign3A_16 : i1 to i32
    %sign3A_18 = arith.constant 0 : i32
    %sign3A_19 = arith.cmpi slt, %min3A, %sign3A_18 : i32
    %sign3A_20 = arith.extui %sign3A_19 : i1 to i32
    %sign3A_21 = arith.subi %sign3A_17, %sign3A_20 : i32
    %sign3A_22 = arith.constant 0 : i32
    %sign3A_23 = arith.cmpi sgt, %jit3A_15, %sign3A_22 : i32
    %sign3A_24 = arith.extui %sign3A_23 : i1 to i32
    %sign3A_25 = arith.constant 0 : i32
    %sign3A_26 = arith.cmpi slt, %jit3A_15, %sign3A_25 : i32
    %sign3A_27 = arith.extui %sign3A_26 : i1 to i32
    %sign3A_28 = arith.subi %sign3A_24, %sign3A_27 : i32
    %ne3A = arith.cmpi ne, %sign3A_21, %sign3A_28 : i32
    %rem3A = arith.remsi %min3A, %jit3A_15 : i32
    %ne3A_29 = arith.constant 0 : i32
    %ne3A_30 = arith.cmpi ne, %rem3A, %ne3A_29 : i32
    %and3A = arith.andi %ne3A, %ne3A_30 : i1
    %sub3A_31 = arith.constant 1 : i32
    %sub3A_32 = arith.subi %div3A, %sub3A_31 : i32
    %select_n3A_33 = arith.select %and3A, %sub3A_32, %div3A : i32
    %while3A = arith.constant 0 : i32
    %while3A_34 = arith.constant 0 : i32
    %while3A_35 = arith.subi %select_n3A_33, %while3A_34 : i32
    %while3A_36 = arith.addi %while3A_34, %while3A_35 : i32
    %while3A_37 = arith.constant 1 : i32
    %while3A_38 = arith.divsi %while3A_35, %while3A_37 : i32
    %while3A_39 = arith.muli %while3A_38, %while3A_37 : i32
    %while3A_40 = arith.addi %while3A_34, %while3A_39 : i32
    %while3A_41 = arith.constant 1 : i32
    scf.for %while3A_94 = %while3A_34 to %while3A_40 step %while3A_41  : i32 {
      %mul3A_95 = arith.constant 2 : i32
      %mul3A_96 = arith.muli %mul3A_95, %while3A_94 : i32
      %add3A_97 = arith.constant 1 : i32
      %add3A_98 = arith.addi %mul3A_96, %add3A_97 : i32
      %dma_start3A = arith.constant 0 : i32
      %dma_start3A_99 = tpu.memref_slice %arg7[%add3A_98, %dma_start3A] : memref<40x128xi32, #tpu.memory_space<vmem>> -> memref<1x128xi32, #tpu.memory_space<vmem>>
      %dma_start3A_100 = tpu.memref_squeeze %dma_start3A_99 : memref<1x128xi32, #tpu.memory_space<vmem>> -> memref<128xi32, #tpu.memory_space<vmem>>
      %dma_start3A_101 = arith.constant 0 : i32
      %dma_start3A_102 = arith.constant 0 : i32
      %dma_start3A_103 = tpu.memref_slice %arg2[%dma_start3A_101, %dma_start3A_102] : memref<10000x128xf32, #tpu.memory_space<hbm>> -> memref<10000x128xf32, #tpu.memory_space<hbm>>
      tpu.enqueue_indirect_dma source(%dma_start3A_103 : memref<10000x128xf32, #tpu.memory_space<hbm>>) target(%arg10 : memref<128x128xf32, #tpu.memory_space<vmem>>) offsets(%dma_start3A_100 : memref<128xi32, #tpu.memory_space<vmem>>) semaphore(%arg12 : memref<!tpu.dma_semaphore, #tpu.memory_space<semaphore_mem>>)
      %dma_wait3A = arith.constant 0 : i32
      %dma_wait3A_104 = tpu.memref_slice %arg7[%mul3A_96, %dma_wait3A] : memref<40x128xi32, #tpu.memory_space<vmem>> -> memref<1x128xi32, #tpu.memory_space<vmem>>
      %dma_wait3A_105 = tpu.memref_squeeze %dma_wait3A_104 : memref<1x128xi32, #tpu.memory_space<vmem>> -> memref<128xi32, #tpu.memory_space<vmem>>
      %dma_wait3A_106 = arith.constant 0 : i32
      %dma_wait3A_107 = arith.constant 0 : i32
      %dma_wait3A_108 = tpu.memref_slice %arg2[%dma_wait3A_106, %dma_wait3A_107] : memref<10000x128xf32, #tpu.memory_space<hbm>> -> memref<10000x128xf32, #tpu.memory_space<hbm>>
      tpu.wait_indirect_dma semaphore(%arg11 : memref<!tpu.dma_semaphore, #tpu.memory_space<semaphore_mem>>) src(%dma_wait3A_108 : memref<10000x128xf32, #tpu.memory_space<hbm>>) dst(%arg9 : memref<128x128xf32, #tpu.memory_space<vmem>>)
      "tpu.region"() ({
        %run_scoped3A = tpu.sem_alloc : memref<!tpu.dma_semaphore, #tpu.memory_space<semaphore_mem>>
        %dma_start3A_122 = arith.constant 0 : i32
        %dma_start3A_123 = tpu.memref_slice %arg8[%mul3A_96, %dma_start3A_122] : memref<40x128xi32, #tpu.memory_space<vmem>> -> memref<1x128xi32, #tpu.memory_space<vmem>>
        %dma_start3A_124 = tpu.memref_squeeze %dma_start3A_123 : memref<1x128xi32, #tpu.memory_space<vmem>> -> memref<128xi32, #tpu.memory_space<vmem>>
        %dma_start3A_125 = arith.constant 0 : i32
        %dma_start3A_126 = arith.constant 0 : i32
        %dma_start3A_127 = tpu.memref_slice %arg13[%dma_start3A_125, %dma_start3A_126] : memref<10000x128xf32, #tpu.memory_space<vmem_shared>> -> memref<10000x128xf32, #tpu.memory_space<vmem_shared>>
        tpu.enqueue_indirect_dma source(%arg9 : memref<128x128xf32, #tpu.memory_space<vmem>>) target(%dma_start3A_127 : memref<10000x128xf32, #tpu.memory_space<vmem_shared>>) offsets(%dma_start3A_124 : memref<128xi32, #tpu.memory_space<vmem>>) semaphore(%run_scoped3A : memref<!tpu.dma_semaphore, #tpu.memory_space<semaphore_mem>>) {add = true}
        %dma_wait3A_128 = arith.constant 0 : i32
        %dma_wait3A_129 = tpu.memref_slice %arg8[%mul3A_96, %dma_wait3A_128] : memref<40x128xi32, #tpu.memory_space<vmem>> -> memref<1x128xi32, #tpu.memory_space<vmem>>
        %dma_wait3A_130 = tpu.memref_squeeze %dma_wait3A_129 : memref<1x128xi32, #tpu.memory_space<vmem>> -> memref<128xi32, #tpu.memory_space<vmem>>
        %dma_wait3A_131 = arith.constant 0 : i32
        %dma_wait3A_132 = arith.constant 0 : i32
        %dma_wait3A_133 = tpu.memref_slice %arg13[%dma_wait3A_131, %dma_wait3A_132] : memref<10000x128xf32, #tpu.memory_space<vmem_shared>> -> memref<10000x128xf32, #tpu.memory_space<vmem_shared>>
        tpu.wait_indirect_dma semaphore(%run_scoped3A : memref<!tpu.dma_semaphore, #tpu.memory_space<semaphore_mem>>) src(%arg9 : memref<128x128xf32, #tpu.memory_space<vmem>>) dst(%dma_wait3A_133 : memref<10000x128xf32, #tpu.memory_space<vmem_shared>>)
        tpu.yield
      }) : () -> ()
      %add3A_109 = arith.constant 2 : i32
      %add3A_110 = arith.addi %mul3A_96, %add3A_109 : i32
      %lt3A = arith.cmpi slt, %add3A_110, %min3A : i32
      %convert_element_type3A_111 = arith.extui %lt3A : i1 to i32
      %cond3A_112 = arith.constant 0 : i32
      %cond3A_113 = arith.cmpi ne, %convert_element_type3A_111, %cond3A_112 : i32
      scf.if %cond3A_113 {
        %add3A_122 = arith.constant 2 : i32
        %add3A_123 = arith.addi %mul3A_96, %add3A_122 : i32
        %dma_start3A_124 = arith.constant 0 : i32
        %dma_start3A_125 = tpu.memref_slice %arg7[%add3A_123, %dma_start3A_124] : memref<40x128xi32, #tpu.memory_space<vmem>> -> memref<1x128xi32, #tpu.memory_space<vmem>>
        %dma_start3A_126 = tpu.memref_squeeze %dma_start3A_125 : memref<1x128xi32, #tpu.memory_space<vmem>> -> memref<128xi32, #tpu.memory_space<vmem>>
        %dma_start3A_127 = arith.constant 0 : i32
        %dma_start3A_128 = arith.constant 0 : i32
        %dma_start3A_129 = tpu.memref_slice %arg2[%dma_start3A_127, %dma_start3A_128] : memref<10000x128xf32, #tpu.memory_space<hbm>> -> memref<10000x128xf32, #tpu.memory_space<hbm>>
        tpu.enqueue_indirect_dma source(%dma_start3A_129 : memref<10000x128xf32, #tpu.memory_space<hbm>>) target(%arg9 : memref<128x128xf32, #tpu.memory_space<vmem>>) offsets(%dma_start3A_126 : memref<128xi32, #tpu.memory_space<vmem>>) semaphore(%arg11 : memref<!tpu.dma_semaphore, #tpu.memory_space<semaphore_mem>>)
      } else {
      }
      %dma_wait3A_114 = arith.constant 0 : i32
      %dma_wait3A_115 = tpu.memref_slice %arg7[%add3A_98, %dma_wait3A_114] : memref<40x128xi32, #tpu.memory_space<vmem>> -> memref<1x128xi32, #tpu.memory_space<vmem>>
      %dma_wait3A_116 = tpu.memref_squeeze %dma_wait3A_115 : memref<1x128xi32, #tpu.memory_space<vmem>> -> memref<128xi32, #tpu.memory_space<vmem>>
      %dma_wait3A_117 = arith.constant 0 : i32
      %dma_wait3A_118 = arith.constant 0 : i32
      %dma_wait3A_119 = tpu.memref_slice %arg2[%dma_wait3A_117, %dma_wait3A_118] : memref<10000x128xf32, #tpu.memory_space<hbm>> -> memref<10000x128xf32, #tpu.memory_space<hbm>>
      tpu.wait_indirect_dma semaphore(%arg12 : memref<!tpu.dma_semaphore, #tpu.memory_space<semaphore_mem>>) src(%dma_wait3A_119 : memref<10000x128xf32, #tpu.memory_space<hbm>>) dst(%arg10 : memref<128x128xf32, #tpu.memory_space<vmem>>)
      %add3A_120 = arith.constant 1 : i32
      %add3A_121 = arith.addi %mul3A_96, %add3A_120 : i32
      "tpu.region"() ({
        %run_scoped3A = tpu.sem_alloc : memref<!tpu.dma_semaphore, #tpu.memory_space<semaphore_mem>>
        %dma_start3A_122 = arith.constant 0 : i32
        %dma_start3A_123 = tpu.memref_slice %arg8[%add3A_121, %dma_start3A_122] : memref<40x128xi32, #tpu.memory_space<vmem>> -> memref<1x128xi32, #tpu.memory_space<vmem>>
        %dma_start3A_124 = tpu.memref_squeeze %dma_start3A_123 : memref<1x128xi32, #tpu.memory_space<vmem>> -> memref<128xi32, #tpu.memory_space<vmem>>
        %dma_start3A_125 = arith.constant 0 : i32
        %dma_start3A_126 = arith.constant 0 : i32
        %dma_start3A_127 = tpu.memref_slice %arg13[%dma_start3A_125, %dma_start3A_126] : memref<10000x128xf32, #tpu.memory_space<vmem_shared>> -> memref<10000x128xf32, #tpu.memory_space<vmem_shared>>
        tpu.enqueue_indirect_dma source(%arg10 : memref<128x128xf32, #tpu.memory_space<vmem>>) target(%dma_start3A_127 : memref<10000x128xf32, #tpu.memory_space<vmem_shared>>) offsets(%dma_start3A_124 : memref<128xi32, #tpu.memory_space<vmem>>) semaphore(%run_scoped3A : memref<!tpu.dma_semaphore, #tpu.memory_space<semaphore_mem>>) {add = true}
        %dma_wait3A_128 = arith.constant 0 : i32
        %dma_wait3A_129 = tpu.memref_slice %arg8[%add3A_121, %dma_wait3A_128] : memref<40x128xi32, #tpu.memory_space<vmem>> -> memref<1x128xi32, #tpu.memory_space<vmem>>
        %dma_wait3A_130 = tpu.memref_squeeze %dma_wait3A_129 : memref<1x128xi32, #tpu.memory_space<vmem>> -> memref<128xi32, #tpu.memory_space<vmem>>
        %dma_wait3A_131 = arith.constant 0 : i32
        %dma_wait3A_132 = arith.constant 0 : i32
        %dma_wait3A_133 = tpu.memref_slice %arg13[%dma_wait3A_131, %dma_wait3A_132] : memref<10000x128xf32, #tpu.memory_space<vmem_shared>> -> memref<10000x128xf32, #tpu.memory_space<vmem_shared>>
        tpu.wait_indirect_dma semaphore(%run_scoped3A : memref<!tpu.dma_semaphore, #tpu.memory_space<semaphore_mem>>) src(%arg10 : memref<128x128xf32, #tpu.memory_space<vmem>>) dst(%dma_wait3A_133 : memref<10000x128xf32, #tpu.memory_space<vmem_shared>>)
        tpu.yield
      }) : () -> ()
    }
    %while3A_42 = arith.constant 1 : i32
    scf.for %while3A_94 = %while3A_40 to %while3A_36 step %while3A_42  : i32 {
      %mul3A_95 = arith.constant 2 : i32
      %mul3A_96 = arith.muli %mul3A_95, %while3A_94 : i32
      %add3A_97 = arith.constant 1 : i32
      %add3A_98 = arith.addi %mul3A_96, %add3A_97 : i32
      %dma_start3A = arith.constant 0 : i32
      %dma_start3A_99 = tpu.memref_slice %arg7[%add3A_98, %dma_start3A] : memref<40x128xi32, #tpu.memory_space<vmem>> -> memref<1x128xi32, #tpu.memory_space<vmem>>
      %dma_start3A_100 = tpu.memref_squeeze %dma_start3A_99 : memref<1x128xi32, #tpu.memory_space<vmem>> -> memref<128xi32, #tpu.memory_space<vmem>>
      %dma_start3A_101 = arith.constant 0 : i32
      %dma_start3A_102 = arith.constant 0 : i32
      %dma_start3A_103 = tpu.memref_slice %arg2[%dma_start3A_101, %dma_start3A_102] : memref<10000x128xf32, #tpu.memory_space<hbm>> -> memref<10000x128xf32, #tpu.memory_space<hbm>>
      tpu.enqueue_indirect_dma source(%dma_start3A_103 : memref<10000x128xf32, #tpu.memory_space<hbm>>) target(%arg10 : memref<128x128xf32, #tpu.memory_space<vmem>>) offsets(%dma_start3A_100 : memref<128xi32, #tpu.memory_space<vmem>>) semaphore(%arg12 : memref<!tpu.dma_semaphore, #tpu.memory_space<semaphore_mem>>)
      %dma_wait3A = arith.constant 0 : i32
      %dma_wait3A_104 = tpu.memref_slice %arg7[%mul3A_96, %dma_wait3A] : memref<40x128xi32, #tpu.memory_space<vmem>> -> memref<1x128xi32, #tpu.memory_space<vmem>>
      %dma_wait3A_105 = tpu.memref_squeeze %dma_wait3A_104 : memref<1x128xi32, #tpu.memory_space<vmem>> -> memref<128xi32, #tpu.memory_space<vmem>>
      %dma_wait3A_106 = arith.constant 0 : i32
      %dma_wait3A_107 = arith.constant 0 : i32
      %dma_wait3A_108 = tpu.memref_slice %arg2[%dma_wait3A_106, %dma_wait3A_107] : memref<10000x128xf32, #tpu.memory_space<hbm>> -> memref<10000x128xf32, #tpu.memory_space<hbm>>
      tpu.wait_indirect_dma semaphore(%arg11 : memref<!tpu.dma_semaphore, #tpu.memory_space<semaphore_mem>>) src(%dma_wait3A_108 : memref<10000x128xf32, #tpu.memory_space<hbm>>) dst(%arg9 : memref<128x128xf32, #tpu.memory_space<vmem>>)
      "tpu.region"() ({
        %run_scoped3A = tpu.sem_alloc : memref<!tpu.dma_semaphore, #tpu.memory_space<semaphore_mem>>
        %dma_start3A_122 = arith.constant 0 : i32
        %dma_start3A_123 = tpu.memref_slice %arg8[%mul3A_96, %dma_start3A_122] : memref<40x128xi32, #tpu.memory_space<vmem>> -> memref<1x128xi32, #tpu.memory_space<vmem>>
        %dma_start3A_124 = tpu.memref_squeeze %dma_start3A_123 : memref<1x128xi32, #tpu.memory_space<vmem>> -> memref<128xi32, #tpu.memory_space<vmem>>
        %dma_start3A_125 = arith.constant 0 : i32
        %dma_start3A_126 = arith.constant 0 : i32
        %dma_start3A_127 = tpu.memref_slice %arg13[%dma_start3A_125, %dma_start3A_126] : memref<10000x128xf32, #tpu.memory_space<vmem_shared>> -> memref<10000x128xf32, #tpu.memory_space<vmem_shared>>
        tpu.enqueue_indirect_dma source(%arg9 : memref<128x128xf32, #tpu.memory_space<vmem>>) target(%dma_start3A_127 : memref<10000x128xf32, #tpu.memory_space<vmem_shared>>) offsets(%dma_start3A_124 : memref<128xi32, #tpu.memory_space<vmem>>) semaphore(%run_scoped3A : memref<!tpu.dma_semaphore, #tpu.memory_space<semaphore_mem>>) {add = true}
        %dma_wait3A_128 = arith.constant 0 : i32
        %dma_wait3A_129 = tpu.memref_slice %arg8[%mul3A_96, %dma_wait3A_128] : memref<40x128xi32, #tpu.memory_space<vmem>> -> memref<1x128xi32, #tpu.memory_space<vmem>>
        %dma_wait3A_130 = tpu.memref_squeeze %dma_wait3A_129 : memref<1x128xi32, #tpu.memory_space<vmem>> -> memref<128xi32, #tpu.memory_space<vmem>>
        %dma_wait3A_131 = arith.constant 0 : i32
        %dma_wait3A_132 = arith.constant 0 : i32
        %dma_wait3A_133 = tpu.memref_slice %arg13[%dma_wait3A_131, %dma_wait3A_132] : memref<10000x128xf32, #tpu.memory_space<vmem_shared>> -> memref<10000x128xf32, #tpu.memory_space<vmem_shared>>
        tpu.wait_indirect_dma semaphore(%run_scoped3A : memref<!tpu.dma_semaphore, #tpu.memory_space<semaphore_mem>>) src(%arg9 : memref<128x128xf32, #tpu.memory_space<vmem>>) dst(%dma_wait3A_133 : memref<10000x128xf32, #tpu.memory_space<vmem_shared>>)
        tpu.yield
      }) : () -> ()
      %add3A_109 = arith.constant 2 : i32
      %add3A_110 = arith.addi %mul3A_96, %add3A_109 : i32
      %lt3A = arith.cmpi slt, %add3A_110, %min3A : i32
      %convert_element_type3A_111 = arith.extui %lt3A : i1 to i32
      %cond3A_112 = arith.constant 0 : i32
      %cond3A_113 = arith.cmpi ne, %convert_element_type3A_111, %cond3A_112 : i32
      scf.if %cond3A_113 {
        %add3A_122 = arith.constant 2 : i32
        %add3A_123 = arith.addi %mul3A_96, %add3A_122 : i32
        %dma_start3A_124 = arith.constant 0 : i32
        %dma_start3A_125 = tpu.memref_slice %arg7[%add3A_123, %dma_start3A_124] : memref<40x128xi32, #tpu.memory_space<vmem>> -> memref<1x128xi32, #tpu.memory_space<vmem>>
        %dma_start3A_126 = tpu.memref_squeeze %dma_start3A_125 : memref<1x128xi32, #tpu.memory_space<vmem>> -> memref<128xi32, #tpu.memory_space<vmem>>
        %dma_start3A_127 = arith.constant 0 : i32
        %dma_start3A_128 = arith.constant 0 : i32
        %dma_start3A_129 = tpu.memref_slice %arg2[%dma_start3A_127, %dma_start3A_128] : memref<10000x128xf32, #tpu.memory_space<hbm>> -> memref<10000x128xf32, #tpu.memory_space<hbm>>
        tpu.enqueue_indirect_dma source(%dma_start3A_129 : memref<10000x128xf32, #tpu.memory_space<hbm>>) target(%arg9 : memref<128x128xf32, #tpu.memory_space<vmem>>) offsets(%dma_start3A_126 : memref<128xi32, #tpu.memory_space<vmem>>) semaphore(%arg11 : memref<!tpu.dma_semaphore, #tpu.memory_space<semaphore_mem>>)
      } else {
      }
      %dma_wait3A_114 = arith.constant 0 : i32
      %dma_wait3A_115 = tpu.memref_slice %arg7[%add3A_98, %dma_wait3A_114] : memref<40x128xi32, #tpu.memory_space<vmem>> -> memref<1x128xi32, #tpu.memory_space<vmem>>
      %dma_wait3A_116 = tpu.memref_squeeze %dma_wait3A_115 : memref<1x128xi32, #tpu.memory_space<vmem>> -> memref<128xi32, #tpu.memory_space<vmem>>
      %dma_wait3A_117 = arith.constant 0 : i32
      %dma_wait3A_118 = arith.constant 0 : i32
      %dma_wait3A_119 = tpu.memref_slice %arg2[%dma_wait3A_117, %dma_wait3A_118] : memref<10000x128xf32, #tpu.memory_space<hbm>> -> memref<10000x128xf32, #tpu.memory_space<hbm>>
      tpu.wait_indirect_dma semaphore(%arg12 : memref<!tpu.dma_semaphore, #tpu.memory_space<semaphore_mem>>) src(%dma_wait3A_119 : memref<10000x128xf32, #tpu.memory_space<hbm>>) dst(%arg10 : memref<128x128xf32, #tpu.memory_space<vmem>>)
      %add3A_120 = arith.constant 1 : i32
      %add3A_121 = arith.addi %mul3A_96, %add3A_120 : i32
      "tpu.region"() ({
        %run_scoped3A = tpu.sem_alloc : memref<!tpu.dma_semaphore, #tpu.memory_space<semaphore_mem>>
        %dma_start3A_122 = arith.constant 0 : i32
        %dma_start3A_123 = tpu.memref_slice %arg8[%add3A_121, %dma_start3A_122] : memref<40x128xi32, #tpu.memory_space<vmem>> -> memref<1x128xi32, #tpu.memory_space<vmem>>
        %dma_start3A_124 = tpu.memref_squeeze %dma_start3A_123 : memref<1x128xi32, #tpu.memory_space<vmem>> -> memref<128xi32, #tpu.memory_space<vmem>>
        %dma_start3A_125 = arith.constant 0 : i32
        %dma_start3A_126 = arith.constant 0 : i32
        %dma_start3A_127 = tpu.memref_slice %arg13[%dma_start3A_125, %dma_start3A_126] : memref<10000x128xf32, #tpu.memory_space<vmem_shared>> -> memref<10000x128xf32, #tpu.memory_space<vmem_shared>>
        tpu.enqueue_indirect_dma source(%arg10 : memref<128x128xf32, #tpu.memory_space<vmem>>) target(%dma_start3A_127 : memref<10000x128xf32, #tpu.memory_space<vmem_shared>>) offsets(%dma_start3A_124 : memref<128xi32, #tpu.memory_space<vmem>>) semaphore(%run_scoped3A : memref<!tpu.dma_semaphore, #tpu.memory_space<semaphore_mem>>) {add = true}
        %dma_wait3A_128 = arith.constant 0 : i32
        %dma_wait3A_129 = tpu.memref_slice %arg8[%add3A_121, %dma_wait3A_128] : memref<40x128xi32, #tpu.memory_space<vmem>> -> memref<1x128xi32, #tpu.memory_space<vmem>>
        %dma_wait3A_130 = tpu.memref_squeeze %dma_wait3A_129 : memref<1x128xi32, #tpu.memory_space<vmem>> -> memref<128xi32, #tpu.memory_space<vmem>>
        %dma_wait3A_131 = arith.constant 0 : i32
        %dma_wait3A_132 = arith.constant 0 : i32
        %dma_wait3A_133 = tpu.memref_slice %arg13[%dma_wait3A_131, %dma_wait3A_132] : memref<10000x128xf32, #tpu.memory_space<vmem_shared>> -> memref<10000x128xf32, #tpu.memory_space<vmem_shared>>
        tpu.wait_indirect_dma semaphore(%run_scoped3A : memref<!tpu.dma_semaphore, #tpu.memory_space<semaphore_mem>>) src(%arg10 : memref<128x128xf32, #tpu.memory_space<vmem>>) dst(%dma_wait3A_133 : memref<10000x128xf32, #tpu.memory_space<vmem_shared>>)
        tpu.yield
      }) : () -> ()
    }
    "tpu.region"() ({
      %run_scoped3A = tpu.sem_alloc : memref<!tpu.dma_semaphore, #tpu.memory_space<semaphore_mem>>
      %dma_start3A = arith.constant 40 : i32
      %dma_start3A_94 = arith.constant 0 : i32
      %dma_start3A_95 = tpu.memref_slice %arg3[%add3A, %dma_start3A, %dma_start3A_94] : memref<32x80x128xi32, #tpu.memory_space<hbm>> -> memref<1x40x128xi32, #tpu.memory_space<hbm>>
      %dma_start3A_96 = tpu.memref_squeeze %dma_start3A_95 : memref<1x40x128xi32, #tpu.memory_space<hbm>> -> memref<40x128xi32, #tpu.memory_space<hbm>>
      %dma_start3A_97 = arith.constant 40 : i32
      %dma_start3A_98 = arith.constant 0 : i32
      %dma_start3A_99 = tpu.memref_slice %arg3[%add3A, %dma_start3A_97, %dma_start3A_98] : memref<32x80x128xi32, #tpu.memory_space<hbm>> -> memref<1x40x128xi32, #tpu.memory_space<hbm>>
      %dma_start3A_100 = tpu.memref_squeeze %dma_start3A_99 : memref<1x40x128xi32, #tpu.memory_space<hbm>> -> memref<40x128xi32, #tpu.memory_space<hbm>>
      tpu.enqueue_dma source(%dma_start3A_100 : memref<40x128xi32, #tpu.memory_space<hbm>>) target(%arg7 : memref<40x128xi32, #tpu.memory_space<vmem>>) target_semaphore(%run_scoped3A : memref<!tpu.dma_semaphore, #tpu.memory_space<semaphore_mem>>)
      %dma_wait3A = arith.constant 40 : i32
      %dma_wait3A_101 = arith.constant 0 : i32
      %dma_wait3A_102 = tpu.memref_slice %arg3[%add3A, %dma_wait3A, %dma_wait3A_101] : memref<32x80x128xi32, #tpu.memory_space<hbm>> -> memref<1x40x128xi32, #tpu.memory_space<hbm>>
      %dma_wait3A_103 = tpu.memref_squeeze %dma_wait3A_102 : memref<1x40x128xi32, #tpu.memory_space<hbm>> -> memref<40x128xi32, #tpu.memory_space<hbm>>
      %dma_wait3A_104 = arith.constant 40 : i32
      %dma_wait3A_105 = arith.constant 0 : i32
      %dma_wait3A_106 = tpu.memref_slice %arg3[%add3A, %dma_wait3A_104, %dma_wait3A_105] : memref<32x80x128xi32, #tpu.memory_space<hbm>> -> memref<1x40x128xi32, #tpu.memory_space<hbm>>
      %dma_wait3A_107 = tpu.memref_squeeze %dma_wait3A_106 : memref<1x40x128xi32, #tpu.memory_space<hbm>> -> memref<40x128xi32, #tpu.memory_space<hbm>>
      tpu.wait_dma2 semaphore(%run_scoped3A : memref<!tpu.dma_semaphore, #tpu.memory_space<semaphore_mem>>) src(%dma_wait3A_107 : memref<40x128xi32, #tpu.memory_space<hbm>>) dst(%arg7 : memref<40x128xi32, #tpu.memory_space<vmem>>)
      tpu.yield
    }) : () -> ()
    "tpu.region"() ({
      %run_scoped3A = tpu.sem_alloc : memref<!tpu.dma_semaphore, #tpu.memory_space<semaphore_mem>>
      %dma_start3A = arith.constant 40 : i32
      %dma_start3A_94 = arith.constant 0 : i32
      %dma_start3A_95 = tpu.memref_slice %arg4[%add3A, %dma_start3A, %dma_start3A_94] : memref<32x80x128xi32, #tpu.memory_space<hbm>> -> memref<1x40x128xi32, #tpu.memory_space<hbm>>
      %dma_start3A_96 = tpu.memref_squeeze %dma_start3A_95 : memref<1x40x128xi32, #tpu.memory_space<hbm>> -> memref<40x128xi32, #tpu.memory_space<hbm>>
      %dma_start3A_97 = arith.constant 40 : i32
      %dma_start3A_98 = arith.constant 0 : i32
      %dma_start3A_99 = tpu.memref_slice %arg4[%add3A, %dma_start3A_97, %dma_start3A_98] : memref<32x80x128xi32, #tpu.memory_space<hbm>> -> memref<1x40x128xi32, #tpu.memory_space<hbm>>
      %dma_start3A_100 = tpu.memref_squeeze %dma_start3A_99 : memref<1x40x128xi32, #tpu.memory_space<hbm>> -> memref<40x128xi32, #tpu.memory_space<hbm>>
      tpu.enqueue_dma source(%dma_start3A_100 : memref<40x128xi32, #tpu.memory_space<hbm>>) target(%arg8 : memref<40x128xi32, #tpu.memory_space<vmem>>) target_semaphore(%run_scoped3A : memref<!tpu.dma_semaphore, #tpu.memory_space<semaphore_mem>>)
      %dma_wait3A = arith.constant 40 : i32
      %dma_wait3A_101 = arith.constant 0 : i32
      %dma_wait3A_102 = tpu.memref_slice %arg4[%add3A, %dma_wait3A, %dma_wait3A_101] : memref<32x80x128xi32, #tpu.memory_space<hbm>> -> memref<1x40x128xi32, #tpu.memory_space<hbm>>
      %dma_wait3A_103 = tpu.memref_squeeze %dma_wait3A_102 : memref<1x40x128xi32, #tpu.memory_space<hbm>> -> memref<40x128xi32, #tpu.memory_space<hbm>>
      %dma_wait3A_104 = arith.constant 40 : i32
      %dma_wait3A_105 = arith.constant 0 : i32
      %dma_wait3A_106 = tpu.memref_slice %arg4[%add3A, %dma_wait3A_104, %dma_wait3A_105] : memref<32x80x128xi32, #tpu.memory_space<hbm>> -> memref<1x40x128xi32, #tpu.memory_space<hbm>>
      %dma_wait3A_107 = tpu.memref_squeeze %dma_wait3A_106 : memref<1x40x128xi32, #tpu.memory_space<hbm>> -> memref<40x128xi32, #tpu.memory_space<hbm>>
      tpu.wait_dma2 semaphore(%run_scoped3A : memref<!tpu.dma_semaphore, #tpu.memory_space<semaphore_mem>>) src(%dma_wait3A_107 : memref<40x128xi32, #tpu.memory_space<hbm>>) dst(%arg8 : memref<40x128xi32, #tpu.memory_space<vmem>>)
      tpu.yield
    }) : () -> ()
    %sub3A_43 = arith.constant 40 : i32
    %sub3A_44 = arith.subi %select_n3A, %sub3A_43 : i32
    %jit3A_45 = arith.constant 0 : i32
    %jit3A_46 = arith.constant 40 : i32
    %max3A_47 = arith.maxsi %jit3A_45, %sub3A_44 : i32
    %min3A_48 = arith.minsi %jit3A_46, %max3A_47 : i32
    %gt3A_49 = arith.constant 0 : i32
    %gt3A_50 = arith.cmpi sgt, %min3A_48, %gt3A_49 : i32
    %convert_element_type3A_51 = arith.extui %gt3A_50 : i1 to i32
    %cond3A_52 = arith.constant 0 : i32
    %cond3A_53 = arith.cmpi ne, %convert_element_type3A_51, %cond3A_52 : i32
    scf.if %cond3A_53 {
      %dma_start3A = arith.constant 0 : i32
      %dma_start3A_94 = arith.constant 0 : i32
      %dma_start3A_95 = tpu.memref_slice %arg7[%dma_start3A, %dma_start3A_94] : memref<40x128xi32, #tpu.memory_space<vmem>> -> memref<1x128xi32, #tpu.memory_space<vmem>>
      %dma_start3A_96 = tpu.memref_squeeze %dma_start3A_95 : memref<1x128xi32, #tpu.memory_space<vmem>> -> memref<128xi32, #tpu.memory_space<vmem>>
      %dma_start3A_97 = arith.constant 0 : i32
      %dma_start3A_98 = arith.constant 0 : i32
      %dma_start3A_99 = tpu.memref_slice %arg2[%dma_start3A_97, %dma_start3A_98] : memref<10000x128xf32, #tpu.memory_space<hbm>> -> memref<10000x128xf32, #tpu.memory_space<hbm>>
      tpu.enqueue_indirect_dma source(%dma_start3A_99 : memref<10000x128xf32, #tpu.memory_space<hbm>>) target(%arg9 : memref<128x128xf32, #tpu.memory_space<vmem>>) offsets(%dma_start3A_96 : memref<128xi32, #tpu.memory_space<vmem>>) semaphore(%arg11 : memref<!tpu.dma_semaphore, #tpu.memory_space<semaphore_mem>>)
    } else {
    }
    %jit3A_54 = arith.constant 2 : i32
    %div3A_55 = arith.divsi %min3A_48, %jit3A_54 : i32
    %sign3A_56 = arith.constant 0 : i32
    %sign3A_57 = arith.cmpi sgt, %min3A_48, %sign3A_56 : i32
    %sign3A_58 = arith.extui %sign3A_57 : i1 to i32
    %sign3A_59 = arith.constant 0 : i32
    %sign3A_60 = arith.cmpi slt, %min3A_48, %sign3A_59 : i32
    %sign3A_61 = arith.extui %sign3A_60 : i1 to i32
    %sign3A_62 = arith.subi %sign3A_58, %sign3A_61 : i32
    %sign3A_63 = arith.constant 0 : i32
    %sign3A_64 = arith.cmpi sgt, %jit3A_54, %sign3A_63 : i32
    %sign3A_65 = arith.extui %sign3A_64 : i1 to i32
    %sign3A_66 = arith.constant 0 : i32
    %sign3A_67 = arith.cmpi slt, %jit3A_54, %sign3A_66 : i32
    %sign3A_68 = arith.extui %sign3A_67 : i1 to i32
    %sign3A_69 = arith.subi %sign3A_65, %sign3A_68 : i32
    %ne3A_70 = arith.cmpi ne, %sign3A_62, %sign3A_69 : i32
    %rem3A_71 = arith.remsi %min3A_48, %jit3A_54 : i32
    %ne3A_72 = arith.constant 0 : i32
    %ne3A_73 = arith.cmpi ne, %rem3A_71, %ne3A_72 : i32
    %and3A_74 = arith.andi %ne3A_70, %ne3A_73 : i1
    %sub3A_75 = arith.constant 1 : i32
    %sub3A_76 = arith.subi %div3A_55, %sub3A_75 : i32
    %select_n3A_77 = arith.select %and3A_74, %sub3A_76, %div3A_55 : i32
    %while3A_78 = arith.constant 0 : i32
    %while3A_79 = arith.constant 0 : i32
    %while3A_80 = arith.subi %select_n3A_77, %while3A_79 : i32
    %while3A_81 = arith.addi %while3A_79, %while3A_80 : i32
    %while3A_82 = arith.constant 1 : i32
    %while3A_83 = arith.divsi %while3A_80, %while3A_82 : i32
    %while3A_84 = arith.muli %while3A_83, %while3A_82 : i32
    %while3A_85 = arith.addi %while3A_79, %while3A_84 : i32
    %while3A_86 = arith.constant 1 : i32
    scf.for %while3A_94 = %while3A_79 to %while3A_85 step %while3A_86  : i32 {
      %mul3A_95 = arith.constant 2 : i32
      %mul3A_96 = arith.muli %mul3A_95, %while3A_94 : i32
      %add3A_97 = arith.constant 1 : i32
      %add3A_98 = arith.addi %mul3A_96, %add3A_97 : i32
      %dma_start3A = arith.constant 0 : i32
      %dma_start3A_99 = tpu.memref_slice %arg7[%add3A_98, %dma_start3A] : memref<40x128xi32, #tpu.memory_space<vmem>> -> memref<1x128xi32, #tpu.memory_space<vmem>>
      %dma_start3A_100 = tpu.memref_squeeze %dma_start3A_99 : memref<1x128xi32, #tpu.memory_space<vmem>> -> memref<128xi32, #tpu.memory_space<vmem>>
      %dma_start3A_101 = arith.constant 0 : i32
      %dma_start3A_102 = arith.constant 0 : i32
      %dma_start3A_103 = tpu.memref_slice %arg2[%dma_start3A_101, %dma_start3A_102] : memref<10000x128xf32, #tpu.memory_space<hbm>> -> memref<10000x128xf32, #tpu.memory_space<hbm>>
      tpu.enqueue_indirect_dma source(%dma_start3A_103 : memref<10000x128xf32, #tpu.memory_space<hbm>>) target(%arg10 : memref<128x128xf32, #tpu.memory_space<vmem>>) offsets(%dma_start3A_100 : memref<128xi32, #tpu.memory_space<vmem>>) semaphore(%arg12 : memref<!tpu.dma_semaphore, #tpu.memory_space<semaphore_mem>>)
      %dma_wait3A = arith.constant 0 : i32
      %dma_wait3A_104 = tpu.memref_slice %arg7[%mul3A_96, %dma_wait3A] : memref<40x128xi32, #tpu.memory_space<vmem>> -> memref<1x128xi32, #tpu.memory_space<vmem>>
      %dma_wait3A_105 = tpu.memref_squeeze %dma_wait3A_104 : memref<1x128xi32, #tpu.memory_space<vmem>> -> memref<128xi32, #tpu.memory_space<vmem>>
      %dma_wait3A_106 = arith.constant 0 : i32
      %dma_wait3A_107 = arith.constant 0 : i32
      %dma_wait3A_108 = tpu.memref_slice %arg2[%dma_wait3A_106, %dma_wait3A_107] : memref<10000x128xf32, #tpu.memory_space<hbm>> -> memref<10000x128xf32, #tpu.memory_space<hbm>>
      tpu.wait_indirect_dma semaphore(%arg11 : memref<!tpu.dma_semaphore, #tpu.memory_space<semaphore_mem>>) src(%dma_wait3A_108 : memref<10000x128xf32, #tpu.memory_space<hbm>>) dst(%arg9 : memref<128x128xf32, #tpu.memory_space<vmem>>)
      "tpu.region"() ({
        %run_scoped3A = tpu.sem_alloc : memref<!tpu.dma_semaphore, #tpu.memory_space<semaphore_mem>>
        %dma_start3A_122 = arith.constant 0 : i32
        %dma_start3A_123 = tpu.memref_slice %arg8[%mul3A_96, %dma_start3A_122] : memref<40x128xi32, #tpu.memory_space<vmem>> -> memref<1x128xi32, #tpu.memory_space<vmem>>
        %dma_start3A_124 = tpu.memref_squeeze %dma_start3A_123 : memref<1x128xi32, #tpu.memory_space<vmem>> -> memref<128xi32, #tpu.memory_space<vmem>>
        %dma_start3A_125 = arith.constant 0 : i32
        %dma_start3A_126 = arith.constant 0 : i32
        %dma_start3A_127 = tpu.memref_slice %arg13[%dma_start3A_125, %dma_start3A_126] : memref<10000x128xf32, #tpu.memory_space<vmem_shared>> -> memref<10000x128xf32, #tpu.memory_space<vmem_shared>>
        tpu.enqueue_indirect_dma source(%arg9 : memref<128x128xf32, #tpu.memory_space<vmem>>) target(%dma_start3A_127 : memref<10000x128xf32, #tpu.memory_space<vmem_shared>>) offsets(%dma_start3A_124 : memref<128xi32, #tpu.memory_space<vmem>>) semaphore(%run_scoped3A : memref<!tpu.dma_semaphore, #tpu.memory_space<semaphore_mem>>) {add = true}
        %dma_wait3A_128 = arith.constant 0 : i32
        %dma_wait3A_129 = tpu.memref_slice %arg8[%mul3A_96, %dma_wait3A_128] : memref<40x128xi32, #tpu.memory_space<vmem>> -> memref<1x128xi32, #tpu.memory_space<vmem>>
        %dma_wait3A_130 = tpu.memref_squeeze %dma_wait3A_129 : memref<1x128xi32, #tpu.memory_space<vmem>> -> memref<128xi32, #tpu.memory_space<vmem>>
        %dma_wait3A_131 = arith.constant 0 : i32
        %dma_wait3A_132 = arith.constant 0 : i32
        %dma_wait3A_133 = tpu.memref_slice %arg13[%dma_wait3A_131, %dma_wait3A_132] : memref<10000x128xf32, #tpu.memory_space<vmem_shared>> -> memref<10000x128xf32, #tpu.memory_space<vmem_shared>>
        tpu.wait_indirect_dma semaphore(%run_scoped3A : memref<!tpu.dma_semaphore, #tpu.memory_space<semaphore_mem>>) src(%arg9 : memref<128x128xf32, #tpu.memory_space<vmem>>) dst(%dma_wait3A_133 : memref<10000x128xf32, #tpu.memory_space<vmem_shared>>)
        tpu.yield
      }) : () -> ()
      %add3A_109 = arith.constant 2 : i32
      %add3A_110 = arith.addi %mul3A_96, %add3A_109 : i32
      %lt3A = arith.cmpi slt, %add3A_110, %min3A_48 : i32
      %convert_element_type3A_111 = arith.extui %lt3A : i1 to i32
      %cond3A_112 = arith.constant 0 : i32
      %cond3A_113 = arith.cmpi ne, %convert_element_type3A_111, %cond3A_112 : i32
      scf.if %cond3A_113 {
        %add3A_122 = arith.constant 2 : i32
        %add3A_123 = arith.addi %mul3A_96, %add3A_122 : i32
        %dma_start3A_124 = arith.constant 0 : i32
        %dma_start3A_125 = tpu.memref_slice %arg7[%add3A_123, %dma_start3A_124] : memref<40x128xi32, #tpu.memory_space<vmem>> -> memref<1x128xi32, #tpu.memory_space<vmem>>
        %dma_start3A_126 = tpu.memref_squeeze %dma_start3A_125 : memref<1x128xi32, #tpu.memory_space<vmem>> -> memref<128xi32, #tpu.memory_space<vmem>>
        %dma_start3A_127 = arith.constant 0 : i32
        %dma_start3A_128 = arith.constant 0 : i32
        %dma_start3A_129 = tpu.memref_slice %arg2[%dma_start3A_127, %dma_start3A_128] : memref<10000x128xf32, #tpu.memory_space<hbm>> -> memref<10000x128xf32, #tpu.memory_space<hbm>>
        tpu.enqueue_indirect_dma source(%dma_start3A_129 : memref<10000x128xf32, #tpu.memory_space<hbm>>) target(%arg9 : memref<128x128xf32, #tpu.memory_space<vmem>>) offsets(%dma_start3A_126 : memref<128xi32, #tpu.memory_space<vmem>>) semaphore(%arg11 : memref<!tpu.dma_semaphore, #tpu.memory_space<semaphore_mem>>)
      } else {
      }
      %dma_wait3A_114 = arith.constant 0 : i32
      %dma_wait3A_115 = tpu.memref_slice %arg7[%add3A_98, %dma_wait3A_114] : memref<40x128xi32, #tpu.memory_space<vmem>> -> memref<1x128xi32, #tpu.memory_space<vmem>>
      %dma_wait3A_116 = tpu.memref_squeeze %dma_wait3A_115 : memref<1x128xi32, #tpu.memory_space<vmem>> -> memref<128xi32, #tpu.memory_space<vmem>>
      %dma_wait3A_117 = arith.constant 0 : i32
      %dma_wait3A_118 = arith.constant 0 : i32
      %dma_wait3A_119 = tpu.memref_slice %arg2[%dma_wait3A_117, %dma_wait3A_118] : memref<10000x128xf32, #tpu.memory_space<hbm>> -> memref<10000x128xf32, #tpu.memory_space<hbm>>
      tpu.wait_indirect_dma semaphore(%arg12 : memref<!tpu.dma_semaphore, #tpu.memory_space<semaphore_mem>>) src(%dma_wait3A_119 : memref<10000x128xf32, #tpu.memory_space<hbm>>) dst(%arg10 : memref<128x128xf32, #tpu.memory_space<vmem>>)
      %add3A_120 = arith.constant 1 : i32
      %add3A_121 = arith.addi %mul3A_96, %add3A_120 : i32
      "tpu.region"() ({
        %run_scoped3A = tpu.sem_alloc : memref<!tpu.dma_semaphore, #tpu.memory_space<semaphore_mem>>
        %dma_start3A_122 = arith.constant 0 : i32
        %dma_start3A_123 = tpu.memref_slice %arg8[%add3A_121, %dma_start3A_122] : memref<40x128xi32, #tpu.memory_space<vmem>> -> memref<1x128xi32, #tpu.memory_space<vmem>>
        %dma_start3A_124 = tpu.memref_squeeze %dma_start3A_123 : memref<1x128xi32, #tpu.memory_space<vmem>> -> memref<128xi32, #tpu.memory_space<vmem>>
        %dma_start3A_125 = arith.constant 0 : i32
        %dma_start3A_126 = arith.constant 0 : i32
        %dma_start3A_127 = tpu.memref_slice %arg13[%dma_start3A_125, %dma_start3A_126] : memref<10000x128xf32, #tpu.memory_space<vmem_shared>> -> memref<10000x128xf32, #tpu.memory_space<vmem_shared>>
        tpu.enqueue_indirect_dma source(%arg10 : memref<128x128xf32, #tpu.memory_space<vmem>>) target(%dma_start3A_127 : memref<10000x128xf32, #tpu.memory_space<vmem_shared>>) offsets(%dma_start3A_124 : memref<128xi32, #tpu.memory_space<vmem>>) semaphore(%run_scoped3A : memref<!tpu.dma_semaphore, #tpu.memory_space<semaphore_mem>>) {add = true}
        %dma_wait3A_128 = arith.constant 0 : i32
        %dma_wait3A_129 = tpu.memref_slice %arg8[%add3A_121, %dma_wait3A_128] : memref<40x128xi32, #tpu.memory_space<vmem>> -> memref<1x128xi32, #tpu.memory_space<vmem>>
        %dma_wait3A_130 = tpu.memref_squeeze %dma_wait3A_129 : memref<1x128xi32, #tpu.memory_space<vmem>> -> memref<128xi32, #tpu.memory_space<vmem>>
        %dma_wait3A_131 = arith.constant 0 : i32
        %dma_wait3A_132 = arith.constant 0 : i32
        %dma_wait3A_133 = tpu.memref_slice %arg13[%dma_wait3A_131, %dma_wait3A_132] : memref<10000x128xf32, #tpu.memory_space<vmem_shared>> -> memref<10000x128xf32, #tpu.memory_space<vmem_shared>>
        tpu.wait_indirect_dma semaphore(%run_scoped3A : memref<!tpu.dma_semaphore, #tpu.memory_space<semaphore_mem>>) src(%arg10 : memref<128x128xf32, #tpu.memory_space<vmem>>) dst(%dma_wait3A_133 : memref<10000x128xf32, #tpu.memory_space<vmem_shared>>)
        tpu.yield
      }) : () -> ()
    }
    %while3A_87 = arith.constant 1 : i32
    scf.for %while3A_94 = %while3A_85 to %while3A_81 step %while3A_87  : i32 {
      %mul3A_95 = arith.constant 2 : i32
      %mul3A_96 = arith.muli %mul3A_95, %while3A_94 : i32
      %add3A_97 = arith.constant 1 : i32
      %add3A_98 = arith.addi %mul3A_96, %add3A_97 : i32
      %dma_start3A = arith.constant 0 : i32
      %dma_start3A_99 = tpu.memref_slice %arg7[%add3A_98, %dma_start3A] : memref<40x128xi32, #tpu.memory_space<vmem>> -> memref<1x128xi32, #tpu.memory_space<vmem>>
      %dma_start3A_100 = tpu.memref_squeeze %dma_start3A_99 : memref<1x128xi32, #tpu.memory_space<vmem>> -> memref<128xi32, #tpu.memory_space<vmem>>
      %dma_start3A_101 = arith.constant 0 : i32
      %dma_start3A_102 = arith.constant 0 : i32
      %dma_start3A_103 = tpu.memref_slice %arg2[%dma_start3A_101, %dma_start3A_102] : memref<10000x128xf32, #tpu.memory_space<hbm>> -> memref<10000x128xf32, #tpu.memory_space<hbm>>
      tpu.enqueue_indirect_dma source(%dma_start3A_103 : memref<10000x128xf32, #tpu.memory_space<hbm>>) target(%arg10 : memref<128x128xf32, #tpu.memory_space<vmem>>) offsets(%dma_start3A_100 : memref<128xi32, #tpu.memory_space<vmem>>) semaphore(%arg12 : memref<!tpu.dma_semaphore, #tpu.memory_space<semaphore_mem>>)
      %dma_wait3A = arith.constant 0 : i32
      %dma_wait3A_104 = tpu.memref_slice %arg7[%mul3A_96, %dma_wait3A] : memref<40x128xi32, #tpu.memory_space<vmem>> -> memref<1x128xi32, #tpu.memory_space<vmem>>
      %dma_wait3A_105 = tpu.memref_squeeze %dma_wait3A_104 : memref<1x128xi32, #tpu.memory_space<vmem>> -> memref<128xi32, #tpu.memory_space<vmem>>
      %dma_wait3A_106 = arith.constant 0 : i32
      %dma_wait3A_107 = arith.constant 0 : i32
      %dma_wait3A_108 = tpu.memref_slice %arg2[%dma_wait3A_106, %dma_wait3A_107] : memref<10000x128xf32, #tpu.memory_space<hbm>> -> memref<10000x128xf32, #tpu.memory_space<hbm>>
      tpu.wait_indirect_dma semaphore(%arg11 : memref<!tpu.dma_semaphore, #tpu.memory_space<semaphore_mem>>) src(%dma_wait3A_108 : memref<10000x128xf32, #tpu.memory_space<hbm>>) dst(%arg9 : memref<128x128xf32, #tpu.memory_space<vmem>>)
      "tpu.region"() ({
        %run_scoped3A = tpu.sem_alloc : memref<!tpu.dma_semaphore, #tpu.memory_space<semaphore_mem>>
        %dma_start3A_122 = arith.constant 0 : i32
        %dma_start3A_123 = tpu.memref_slice %arg8[%mul3A_96, %dma_start3A_122] : memref<40x128xi32, #tpu.memory_space<vmem>> -> memref<1x128xi32, #tpu.memory_space<vmem>>
        %dma_start3A_124 = tpu.memref_squeeze %dma_start3A_123 : memref<1x128xi32, #tpu.memory_space<vmem>> -> memref<128xi32, #tpu.memory_space<vmem>>
        %dma_start3A_125 = arith.constant 0 : i32
        %dma_start3A_126 = arith.constant 0 : i32
        %dma_start3A_127 = tpu.memref_slice %arg13[%dma_start3A_125, %dma_start3A_126] : memref<10000x128xf32, #tpu.memory_space<vmem_shared>> -> memref<10000x128xf32, #tpu.memory_space<vmem_shared>>
        tpu.enqueue_indirect_dma source(%arg9 : memref<128x128xf32, #tpu.memory_space<vmem>>) target(%dma_start3A_127 : memref<10000x128xf32, #tpu.memory_space<vmem_shared>>) offsets(%dma_start3A_124 : memref<128xi32, #tpu.memory_space<vmem>>) semaphore(%run_scoped3A : memref<!tpu.dma_semaphore, #tpu.memory_space<semaphore_mem>>) {add = true}
        %dma_wait3A_128 = arith.constant 0 : i32
        %dma_wait3A_129 = tpu.memref_slice %arg8[%mul3A_96, %dma_wait3A_128] : memref<40x128xi32, #tpu.memory_space<vmem>> -> memref<1x128xi32, #tpu.memory_space<vmem>>
        %dma_wait3A_130 = tpu.memref_squeeze %dma_wait3A_129 : memref<1x128xi32, #tpu.memory_space<vmem>> -> memref<128xi32, #tpu.memory_space<vmem>>
        %dma_wait3A_131 = arith.constant 0 : i32
        %dma_wait3A_132 = arith.constant 0 : i32
        %dma_wait3A_133 = tpu.memref_slice %arg13[%dma_wait3A_131, %dma_wait3A_132] : memref<10000x128xf32, #tpu.memory_space<vmem_shared>> -> memref<10000x128xf32, #tpu.memory_space<vmem_shared>>
        tpu.wait_indirect_dma semaphore(%run_scoped3A : memref<!tpu.dma_semaphore, #tpu.memory_space<semaphore_mem>>) src(%arg9 : memref<128x128xf32, #tpu.memory_space<vmem>>) dst(%dma_wait3A_133 : memref<10000x128xf32, #tpu.memory_space<vmem_shared>>)
        tpu.yield
      }) : () -> ()
      %add3A_109 = arith.constant 2 : i32
      %add3A_110 = arith.addi %mul3A_96, %add3A_109 : i32
      %lt3A = arith.cmpi slt, %add3A_110, %min3A_48 : i32
      %convert_element_type3A_111 = arith.extui %lt3A : i1 to i32
      %cond3A_112 = arith.constant 0 : i32
      %cond3A_113 = arith.cmpi ne, %convert_element_type3A_111, %cond3A_112 : i32
      scf.if %cond3A_113 {
        %add3A_122 = arith.constant 2 : i32
        %add3A_123 = arith.addi %mul3A_96, %add3A_122 : i32
        %dma_start3A_124 = arith.constant 0 : i32
        %dma_start3A_125 = tpu.memref_slice %arg7[%add3A_123, %dma_start3A_124] : memref<40x128xi32, #tpu.memory_space<vmem>> -> memref<1x128xi32, #tpu.memory_space<vmem>>
        %dma_start3A_126 = tpu.memref_squeeze %dma_start3A_125 : memref<1x128xi32, #tpu.memory_space<vmem>> -> memref<128xi32, #tpu.memory_space<vmem>>
        %dma_start3A_127 = arith.constant 0 : i32
        %dma_start3A_128 = arith.constant 0 : i32
        %dma_start3A_129 = tpu.memref_slice %arg2[%dma_start3A_127, %dma_start3A_128] : memref<10000x128xf32, #tpu.memory_space<hbm>> -> memref<10000x128xf32, #tpu.memory_space<hbm>>
        tpu.enqueue_indirect_dma source(%dma_start3A_129 : memref<10000x128xf32, #tpu.memory_space<hbm>>) target(%arg9 : memref<128x128xf32, #tpu.memory_space<vmem>>) offsets(%dma_start3A_126 : memref<128xi32, #tpu.memory_space<vmem>>) semaphore(%arg11 : memref<!tpu.dma_semaphore, #tpu.memory_space<semaphore_mem>>)
      } else {
      }
      %dma_wait3A_114 = arith.constant 0 : i32
      %dma_wait3A_115 = tpu.memref_slice %arg7[%add3A_98, %dma_wait3A_114] : memref<40x128xi32, #tpu.memory_space<vmem>> -> memref<1x128xi32, #tpu.memory_space<vmem>>
      %dma_wait3A_116 = tpu.memref_squeeze %dma_wait3A_115 : memref<1x128xi32, #tpu.memory_space<vmem>> -> memref<128xi32, #tpu.memory_space<vmem>>
      %dma_wait3A_117 = arith.constant 0 : i32
      %dma_wait3A_118 = arith.constant 0 : i32
      %dma_wait3A_119 = tpu.memref_slice %arg2[%dma_wait3A_117, %dma_wait3A_118] : memref<10000x128xf32, #tpu.memory_space<hbm>> -> memref<10000x128xf32, #tpu.memory_space<hbm>>
      tpu.wait_indirect_dma semaphore(%arg12 : memref<!tpu.dma_semaphore, #tpu.memory_space<semaphore_mem>>) src(%dma_wait3A_119 : memref<10000x128xf32, #tpu.memory_space<hbm>>) dst(%arg10 : memref<128x128xf32, #tpu.memory_space<vmem>>)
      %add3A_120 = arith.constant 1 : i32
      %add3A_121 = arith.addi %mul3A_96, %add3A_120 : i32
      "tpu.region"() ({
        %run_scoped3A = tpu.sem_alloc : memref<!tpu.dma_semaphore, #tpu.memory_space<semaphore_mem>>
        %dma_start3A_122 = arith.constant 0 : i32
        %dma_start3A_123 = tpu.memref_slice %arg8[%add3A_121, %dma_start3A_122] : memref<40x128xi32, #tpu.memory_space<vmem>> -> memref<1x128xi32, #tpu.memory_space<vmem>>
        %dma_start3A_124 = tpu.memref_squeeze %dma_start3A_123 : memref<1x128xi32, #tpu.memory_space<vmem>> -> memref<128xi32, #tpu.memory_space<vmem>>
        %dma_start3A_125 = arith.constant 0 : i32
        %dma_start3A_126 = arith.constant 0 : i32
        %dma_start3A_127 = tpu.memref_slice %arg13[%dma_start3A_125, %dma_start3A_126] : memref<10000x128xf32, #tpu.memory_space<vmem_shared>> -> memref<10000x128xf32, #tpu.memory_space<vmem_shared>>
        tpu.enqueue_indirect_dma source(%arg10 : memref<128x128xf32, #tpu.memory_space<vmem>>) target(%dma_start3A_127 : memref<10000x128xf32, #tpu.memory_space<vmem_shared>>) offsets(%dma_start3A_124 : memref<128xi32, #tpu.memory_space<vmem>>) semaphore(%run_scoped3A : memref<!tpu.dma_semaphore, #tpu.memory_space<semaphore_mem>>) {add = true}
        %dma_wait3A_128 = arith.constant 0 : i32
        %dma_wait3A_129 = tpu.memref_slice %arg8[%add3A_121, %dma_wait3A_128] : memref<40x128xi32, #tpu.memory_space<vmem>> -> memref<1x128xi32, #tpu.memory_space<vmem>>
        %dma_wait3A_130 = tpu.memref_squeeze %dma_wait3A_129 : memref<1x128xi32, #tpu.memory_space<vmem>> -> memref<128xi32, #tpu.memory_space<vmem>>
        %dma_wait3A_131 = arith.constant 0 : i32
        %dma_wait3A_132 = arith.constant 0 : i32
        %dma_wait3A_133 = tpu.memref_slice %arg13[%dma_wait3A_131, %dma_wait3A_132] : memref<10000x128xf32, #tpu.memory_space<vmem_shared>> -> memref<10000x128xf32, #tpu.memory_space<vmem_shared>>
        tpu.wait_indirect_dma semaphore(%run_scoped3A : memref<!tpu.dma_semaphore, #tpu.memory_space<semaphore_mem>>) src(%arg10 : memref<128x128xf32, #tpu.memory_space<vmem>>) dst(%dma_wait3A_133 : memref<10000x128xf32, #tpu.memory_space<vmem_shared>>)
        tpu.yield
      }) : () -> ()
    }
    %barrier3A_88 = arith.constant 0 : index
    tpu.barrier barrier_id(%barrier3A_88)
    "tpu.region"() ({
      %run_scoped3A = tpu.sem_alloc : memref<!tpu.dma_semaphore, #tpu.memory_space<semaphore_mem>>
      %dma_start3A = arith.constant 0 : i32
      %dma_start3A_94 = tpu.memref_slice %arg6[%arg0, %mul3A_2, %dma_start3A] : memref<2x10000x128xf32, #tpu.memory_space<hbm>> -> memref<1x624x128xf32, #tpu.memory_space<hbm>>
      %dma_start3A_95 = tpu.memref_squeeze %dma_start3A_94 : memref<1x624x128xf32, #tpu.memory_space<hbm>> -> memref<624x128xf32, #tpu.memory_space<hbm>>
      %dma_start3A_96 = arith.constant 0 : i32
      %dma_start3A_97 = tpu.memref_slice %arg13[%mul3A_2, %dma_start3A_96] : memref<10000x128xf32, #tpu.memory_space<vmem_shared>> -> memref<624x128xf32, #tpu.memory_space<vmem_shared>>
      tpu.enqueue_dma source(%dma_start3A_97 : memref<624x128xf32, #tpu.memory_space<vmem_shared>>) target(%dma_start3A_95 : memref<624x128xf32, #tpu.memory_space<hbm>>) target_semaphore(%run_scoped3A : memref<!tpu.dma_semaphore, #tpu.memory_space<semaphore_mem>>)
      %dma_wait3A = arith.constant 0 : i32
      %dma_wait3A_98 = tpu.memref_slice %arg6[%arg0, %mul3A_2, %dma_wait3A] : memref<2x10000x128xf32, #tpu.memory_space<hbm>> -> memref<1x624x128xf32, #tpu.memory_space<hbm>>
      %dma_wait3A_99 = tpu.memref_squeeze %dma_wait3A_98 : memref<1x624x128xf32, #tpu.memory_space<hbm>> -> memref<624x128xf32, #tpu.memory_space<hbm>>
      %dma_wait3A_100 = arith.constant 0 : i32
      %dma_wait3A_101 = tpu.memref_slice %arg13[%mul3A_2, %dma_wait3A_100] : memref<10000x128xf32, #tpu.memory_space<vmem_shared>> -> memref<624x128xf32, #tpu.memory_space<vmem_shared>>
      tpu.wait_dma2 semaphore(%run_scoped3A : memref<!tpu.dma_semaphore, #tpu.memory_space<semaphore_mem>>) src(%dma_wait3A_101 : memref<624x128xf32, #tpu.memory_space<vmem_shared>>) dst(%dma_wait3A_99 : memref<624x128xf32, #tpu.memory_space<hbm>>)
      tpu.yield
    }) : () -> ()
    %eq3A_89 = arith.constant 15 : i32
    %eq3A_90 = arith.cmpi eq, %arg1, %eq3A_89 : i32
    %convert_element_type3A_91 = arith.extui %eq3A_90 : i1 to i32
    %cond3A_92 = arith.constant 0 : i32
    %cond3A_93 = arith.cmpi ne, %convert_element_type3A_91, %cond3A_92 : i32
    scf.if %cond3A_93 {
      "tpu.region"() ({
        %run_scoped3A = tpu.sem_alloc : memref<!tpu.dma_semaphore, #tpu.memory_space<semaphore_mem>>
        %dma_start3A = arith.constant 9984 : i32
        %dma_start3A_94 = arith.constant 0 : i32
        %dma_start3A_95 = tpu.memref_slice %arg6[%arg0, %dma_start3A, %dma_start3A_94] : memref<2x10000x128xf32, #tpu.memory_space<hbm>> -> memref<1x16x128xf32, #tpu.memory_space<hbm>>
        %dma_start3A_96 = tpu.memref_squeeze %dma_start3A_95 : memref<1x16x128xf32, #tpu.memory_space<hbm>> -> memref<16x128xf32, #tpu.memory_space<hbm>>
        %dma_start3A_97 = arith.constant 9984 : i32
        %dma_start3A_98 = arith.constant 0 : i32
        %dma_start3A_99 = tpu.memref_slice %arg13[%dma_start3A_97, %dma_start3A_98] : memref<10000x128xf32, #tpu.memory_space<vmem_shared>> -> memref<16x128xf32, #tpu.memory_space<vmem_shared>>
        tpu.enqueue_dma source(%dma_start3A_99 : memref<16x128xf32, #tpu.memory_space<vmem_shared>>) target(%dma_start3A_96 : memref<16x128xf32, #tpu.memory_space<hbm>>) target_semaphore(%run_scoped3A : memref<!tpu.dma_semaphore, #tpu.memory_space<semaphore_mem>>)
        %dma_wait3A = arith.constant 9984 : i32
        %dma_wait3A_100 = arith.constant 0 : i32
        %dma_wait3A_101 = tpu.memref_slice %arg6[%arg0, %dma_wait3A, %dma_wait3A_100] : memref<2x10000x128xf32, #tpu.memory_space<hbm>> -> memref<1x16x128xf32, #tpu.memory_space<hbm>>
        %dma_wait3A_102 = tpu.memref_squeeze %dma_wait3A_101 : memref<1x16x128xf32, #tpu.memory_space<hbm>> -> memref<16x128xf32, #tpu.memory_space<hbm>>
        %dma_wait3A_103 = arith.constant 9984 : i32
        %dma_wait3A_104 = arith.constant 0 : i32
        %dma_wait3A_105 = tpu.memref_slice %arg13[%dma_wait3A_103, %dma_wait3A_104] : memref<10000x128xf32, #tpu.memory_space<vmem_shared>> -> memref<16x128xf32, #tpu.memory_space<vmem_shared>>
        tpu.wait_dma2 semaphore(%run_scoped3A : memref<!tpu.dma_semaphore, #tpu.memory_space<semaphore_mem>>) src(%dma_wait3A_105 : memref<16x128xf32, #tpu.memory_space<vmem_shared>>) dst(%dma_wait3A_102 : memref<16x128xf32, #tpu.memory_space<hbm>>)
        tpu.yield
      }) : () -> ()
    } else {
    }
    return
  }
}

module attributes {stable_mosaic.version = 14 : i64} {
  func.func @_xr_body(%arg0: i32, %arg1: memref<1000x128xf32, #tpu.memory_space<vmem>>, %arg2: memref<128x128xf32, #tpu.memory_space<vmem>>, %arg3: memref<1x128xf32, #tpu.memory_space<vmem>>, %arg4: memref<1000x128xf32, #tpu.memory_space<vmem>>) attributes {dimension_semantics = [#tpu.dimension_semantics<arbitrary>], iteration_bounds = array<i64: 10>, scalar_prefetch = 0 : i64, scratch_operands = 0 : i64, tpu.core_type = #tpu.core_type<tc>, window_params = [{transform_indices = @transform_0, window_bounds = array<i64: 1000, 128>}, {pipeline_mode = #tpu.pipeline_mode<synchronous>, transform_indices = @transform_1, window_bounds = array<i64: 128, 128>}, {pipeline_mode = #tpu.pipeline_mode<synchronous>, transform_indices = @transform_2, window_bounds = array<i64: 1, 128>}, {transform_indices = @transform_3, window_bounds = array<i64: 1000, 128>}]} {
    %get3A = arith.constant 0 : index
    %get3A_0 = arith.constant 0 : index
    %get3A_1 = vector.load %arg1[%get3A, %get3A_0] : memref<1000x128xf32, #tpu.memory_space<vmem>>, vector<1000x128xf32>
    %get3A_2 = arith.constant 0 : index
    %get3A_3 = arith.constant 0 : index
    %get3A_4 = vector.load %arg2[%get3A_2, %get3A_3] : memref<128x128xf32, #tpu.memory_space<vmem>>, vector<128x128xf32>
    %dot_general3A = arith.constant dense<0.000000e+00> : vector<1000x128xf32>
    %dot_general3A_5 = tpu.matmul %get3A_1, %get3A_4, %dot_general3A {dimension_numbers = #tpu.dot_dimension_numbers<[1], [1], [0], [0], [0, 0, 1, 0], [], []>, precision = #tpu.contract_precision<fp32>, transpose_lhs_hint = false} : vector<1000x128xf32>, vector<128x128xf32>, vector<1000x128xf32> -> vector<1000x128xf32>
    %get3A_6 = arith.constant 0 : index
    %get3A_7 = arith.constant 0 : index
    %get3A_8 = vector.load %arg3[%get3A_6, %get3A_7] : memref<1x128xf32, #tpu.memory_space<vmem>>, vector<1x128xf32>
    %add3A = vector.broadcast %get3A_8 : vector<1x128xf32> to vector<1000x128xf32>
    %add3A_9 = arith.addf %dot_general3A_5, %add3A : vector<1000x128xf32>
    %swap3A = arith.constant 0 : index
    %swap3A_10 = arith.constant 0 : index
    %swap3A_11 = vector.load %arg4[%swap3A, %swap3A_10] : memref<1000x128xf32, #tpu.memory_space<vmem>>, vector<1000x128xf32>
    tpu.vector_store %arg4[%swap3A, %swap3A_10], %add3A_9 {strides = array<i32>} : memref<1000x128xf32, #tpu.memory_space<vmem>>, vector<1000x128xf32>,
    return
  }
  func.func @transform_0(%arg0: i32) -> (i32, i32) {
    %c0_i32 = arith.constant 0 : i32
    %c0_i32_0 = arith.constant 0 : i32
    return %arg0, %c0_i32 : i32, i32
  }
  func.func @transform_1(%arg0: i32) -> (i32, i32) {
    %c0_i32 = arith.constant 0 : i32
    %c0_i32_0 = arith.constant 0 : i32
    %c0_i32_1 = arith.constant 0 : i32
    return %c0_i32, %c0_i32_0 : i32, i32
  }
  func.func @transform_2(%arg0: i32) -> (i32, i32) {
    %c0_i32 = arith.constant 0 : i32
    %c0_i32_0 = arith.constant 0 : i32
    %c0_i32_1 = arith.constant 0 : i32
    return %c0_i32, %c0_i32_0 : i32, i32
  }
  func.func @transform_3(%arg0: i32) -> (i32, i32) {
    %c0_i32 = arith.constant 0 : i32
    %c0_i32_0 = arith.constant 0 : i32
    return %arg0, %c0_i32 : i32, i32
  }
}

module attributes {stable_mosaic.version = 14 : i64} {
  func.func @_mid_body(%arg0: i32, %arg1: memref<2x1000x128xf32, #tpu.memory_space<vmem>>, %arg2: memref<1000x32xf32, #tpu.memory_space<vmem>>, %arg3: memref<1000x128xf32, #tpu.memory_space<vmem>>, %arg4: memref<128x128xf32, #tpu.memory_space<vmem>>, %arg5: memref<1000x128xf32, #tpu.memory_space<vmem>>) attributes {dimension_semantics = [#tpu.dimension_semantics<arbitrary>], iteration_bounds = array<i64: 10>, scalar_prefetch = 0 : i64, scratch_operands = 0 : i64, tpu.core_type = #tpu.core_type<tc>, window_params = [{transform_indices = @transform_0, window_bounds = array<i64: 2, 1000, 128>}, {transform_indices = @transform_1, window_bounds = array<i64: 1000, 32>}, {transform_indices = @transform_2, window_bounds = array<i64: 1000, 128>}, {pipeline_mode = #tpu.pipeline_mode<synchronous>, transform_indices = @transform_3, window_bounds = array<i64: 128, 128>}, {transform_indices = @transform_4, window_bounds = array<i64: 1000, 128>}]} {
    %get3A = arith.constant 0 : index
    %get3A_0 = arith.constant 0 : index
    %get3A_1 = vector.load %arg2[%get3A, %get3A_0] : memref<1000x32xf32, #tpu.memory_space<vmem>>, vector<1000x32xf32>
    %reduce_sum3A = arith.constant dense<0.000000e+00> : vector<1000xf32>
    %reduce_sum3A_2 = vector.multi_reduction <add>, %get3A_1, %reduce_sum3A [1] : vector<1000x32xf32> to vector<1000xf32>
    %max3A = arith.constant 1.000000e+00 : f32
    %max3A_3 = vector.broadcast %max3A : f32 to vector<1000xf32>
    %max3A_4 = arith.maximumf %reduce_sum3A_2, %max3A_3 : vector<1000xf32>
    %div3A = arith.constant 1.000000e+00 : f32
    %div3A_5 = vector.broadcast %div3A : f32 to vector<1000xf32>
    %div3A_6 = arith.divf %div3A_5, %max3A_4 : vector<1000xf32>
    %get3A_7 = arith.constant 0 : index
    %get3A_8 = arith.constant 0 : index
    %get3A_9 = arith.constant 0 : index
    %get3A_10 = vector.load %arg1[%get3A_7, %get3A_8, %get3A_9] : memref<2x1000x128xf32, #tpu.memory_space<vmem>>, vector<1x1000x128xf32>
    %get3A_11 = vector.shape_cast %get3A_10 : vector<1x1000x128xf32> to vector<1000x128xf32>
    %get3A_12 = arith.constant 1 : index
    %get3A_13 = arith.constant 0 : index
    %get3A_14 = arith.constant 0 : index
    %get3A_15 = vector.load %arg1[%get3A_12, %get3A_13, %get3A_14] : memref<2x1000x128xf32, #tpu.memory_space<vmem>>, vector<1x1000x128xf32>
    %get3A_16 = vector.shape_cast %get3A_15 : vector<1x1000x128xf32> to vector<1000x128xf32>
    %add3A = arith.addf %get3A_11, %get3A_16 : vector<1000x128xf32>
    %broadcast_in_dim3A = vector.shape_cast %div3A_6 : vector<1000xf32> to vector<1000x1xf32>
    %mul3A = vector.broadcast %broadcast_in_dim3A : vector<1000x1xf32> to vector<1000x128xf32>
    %mul3A_17 = arith.mulf %add3A, %mul3A : vector<1000x128xf32>
    %get3A_18 = arith.constant 0 : index
    %get3A_19 = arith.constant 0 : index
    %get3A_20 = vector.load %arg4[%get3A_18, %get3A_19] : memref<128x128xf32, #tpu.memory_space<vmem>>, vector<128x128xf32>
    %dot_general3A = arith.constant dense<0.000000e+00> : vector<1000x128xf32>
    %dot_general3A_21 = tpu.matmul %mul3A_17, %get3A_20, %dot_general3A {dimension_numbers = #tpu.dot_dimension_numbers<[1], [1], [0], [0], [0, 0, 1, 0], [], []>, precision = #tpu.contract_precision<fp32>, transpose_lhs_hint = false} : vector<1000x128xf32>, vector<128x128xf32>, vector<1000x128xf32> -> vector<1000x128xf32>
    %get3A_22 = arith.constant 0 : index
    %get3A_23 = arith.constant 0 : index
    %get3A_24 = vector.load %arg3[%get3A_22, %get3A_23] : memref<1000x128xf32, #tpu.memory_space<vmem>>, vector<1000x128xf32>
    %add3A_25 = arith.addf %dot_general3A_21, %get3A_24 : vector<1000x128xf32>
    %max3A_26 = arith.constant 0.000000e+00 : f32
    %max3A_27 = vector.broadcast %max3A_26 : f32 to vector<1000x128xf32>
    %max3A_28 = arith.maximumf %add3A_25, %max3A_27 : vector<1000x128xf32>
    %swap3A = arith.constant 0 : index
    %swap3A_29 = arith.constant 0 : index
    %swap3A_30 = vector.load %arg5[%swap3A, %swap3A_29] : memref<1000x128xf32, #tpu.memory_space<vmem>>, vector<1000x128xf32>
    tpu.vector_store %arg5[%swap3A, %swap3A_29], %max3A_28 {strides = array<i32>} : memref<1000x128xf32, #tpu.memory_space<vmem>>, vector<1000x128xf32>,
    return
  }
  func.func @transform_0(%arg0: i32) -> (i32, i32, i32) {
    %c0_i32 = arith.constant 0 : i32
    %c0_i32_0 = arith.constant 0 : i32
    %c0_i32_1 = arith.constant 0 : i32
    return %c0_i32, %arg0, %c0_i32_0 : i32, i32, i32
  }
  func.func @transform_1(%arg0: i32) -> (i32, i32) {
    %c0_i32 = arith.constant 0 : i32
    %c0_i32_0 = arith.constant 0 : i32
    return %arg0, %c0_i32 : i32, i32
  }
  func.func @transform_2(%arg0: i32) -> (i32, i32) {
    %c0_i32 = arith.constant 0 : i32
    %c0_i32_0 = arith.constant 0 : i32
    return %arg0, %c0_i32 : i32, i32
  }
  func.func @transform_3(%arg0: i32) -> (i32, i32) {
    %c0_i32 = arith.constant 0 : i32
    %c0_i32_0 = arith.constant 0 : i32
    %c0_i32_1 = arith.constant 0 : i32
    return %c0_i32, %c0_i32_0 : i32, i32
  }
  func.func @transform_4(%arg0: i32) -> (i32, i32) {
    %c0_i32 = arith.constant 0 : i32
    %c0_i32_0 = arith.constant 0 : i32
    return %arg0, %c0_i32 : i32, i32
  }
}

module attributes {stable_mosaic.version = 14 : i64} {
  func.func @_tail_body(%arg0: i32, %arg1: memref<2x1000x128xf32, #tpu.memory_space<vmem>>, %arg2: memref<1000x32xf32, #tpu.memory_space<vmem>>, %arg3: memref<1000x128xf32, #tpu.memory_space<vmem>>, %arg4: memref<128x128xf32, #tpu.memory_space<vmem>>, %arg5: memref<1x1x1000xi32, #tpu.memory_space<vmem>>, %arg6: memref<64x128xf32, #tpu.memory_space<vmem>>, %arg7: memref<64x128xf32, #tpu.memory_space<vmem>>, %arg8: memref<64x128xf32, #tpu.memory_space<vmem>>, %arg9: memref<1x64xf32, #tpu.memory_space<vmem>>, %arg10: memref<64x64xf32, #tpu.memory_space<vmem>>, %arg11: memref<64x128xf32, #tpu.memory_space<vmem>>, %arg12: memref<64x1xf32, #tpu.memory_space<vmem>>) attributes {dimension_semantics = [#tpu.dimension_semantics<arbitrary>], iteration_bounds = array<i64: 10>, scalar_prefetch = 0 : i64, scratch_operands = 2 : i64, tpu.core_type = #tpu.core_type<tc>, window_params = [{transform_indices = @transform_0, window_bounds = array<i64: 2, 1000, 128>}, {transform_indices = @transform_1, window_bounds = array<i64: 1000, 32>}, {transform_indices = @transform_2, window_bounds = array<i64: 1000, 128>}, {pipeline_mode = #tpu.pipeline_mode<synchronous>, transform_indices = @transform_3, window_bounds = array<i64: 128, 128>}, {transform_indices = @transform_4, window_bounds = array<i64: 1, 1, 1000>}, {pipeline_mode = #tpu.pipeline_mode<synchronous>, transform_indices = @transform_5, window_bounds = array<i64: 64, 128>}, {pipeline_mode = #tpu.pipeline_mode<synchronous>, transform_indices = @transform_6, window_bounds = array<i64: 64, 128>}, {pipeline_mode = #tpu.pipeline_mode<synchronous>, transform_indices = @transform_7, window_bounds = array<i64: 64, 128>}, {pipeline_mode = #tpu.pipeline_mode<synchronous>, transform_indices = @transform_8, window_bounds = array<i64: 1, 64>}, {pipeline_mode = #tpu.pipeline_mode<synchronous>, transform_indices = @transform_9, window_bounds = array<i64: 64, 64>}]} {
    %get3A = arith.constant 0 : index
    %get3A_0 = arith.constant 0 : index
    %get3A_1 = vector.load %arg2[%get3A, %get3A_0] : memref<1000x32xf32, #tpu.memory_space<vmem>>, vector<1000x32xf32>
    %reduce_sum3A = arith.constant dense<0.000000e+00> : vector<1000xf32>
    %reduce_sum3A_2 = vector.multi_reduction <add>, %get3A_1, %reduce_sum3A [1] : vector<1000x32xf32> to vector<1000xf32>
    %max3A = arith.constant 1.000000e+00 : f32
    %max3A_3 = vector.broadcast %max3A : f32 to vector<1000xf32>
    %max3A_4 = arith.maximumf %reduce_sum3A_2, %max3A_3 : vector<1000xf32>
    %div3A = arith.constant 1.000000e+00 : f32
    %div3A_5 = vector.broadcast %div3A : f32 to vector<1000xf32>
    %div3A_6 = arith.divf %div3A_5, %max3A_4 : vector<1000xf32>
    %get3A_7 = arith.constant 0 : index
    %get3A_8 = arith.constant 0 : index
    %get3A_9 = arith.constant 0 : index
    %get3A_10 = vector.load %arg1[%get3A_7, %get3A_8, %get3A_9] : memref<2x1000x128xf32, #tpu.memory_space<vmem>>, vector<1x1000x128xf32>
    %get3A_11 = vector.shape_cast %get3A_10 : vector<1x1000x128xf32> to vector<1000x128xf32>
    %get3A_12 = arith.constant 1 : index
    %get3A_13 = arith.constant 0 : index
    %get3A_14 = arith.constant 0 : index
    %get3A_15 = vector.load %arg1[%get3A_12, %get3A_13, %get3A_14] : memref<2x1000x128xf32, #tpu.memory_space<vmem>>, vector<1x1000x128xf32>
    %get3A_16 = vector.shape_cast %get3A_15 : vector<1x1000x128xf32> to vector<1000x128xf32>
    %add3A = arith.addf %get3A_11, %get3A_16 : vector<1000x128xf32>
    %broadcast_in_dim3A = vector.shape_cast %div3A_6 : vector<1000xf32> to vector<1000x1xf32>
    %mul3A = vector.broadcast %broadcast_in_dim3A : vector<1000x1xf32> to vector<1000x128xf32>
    %mul3A_17 = arith.mulf %add3A, %mul3A : vector<1000x128xf32>
    %get3A_18 = arith.constant 0 : index
    %get3A_19 = arith.constant 0 : index
    %get3A_20 = vector.load %arg4[%get3A_18, %get3A_19] : memref<128x128xf32, #tpu.memory_space<vmem>>, vector<128x128xf32>
    %dot_general3A = arith.constant dense<0.000000e+00> : vector<1000x128xf32>
    %dot_general3A_21 = tpu.matmul %mul3A_17, %get3A_20, %dot_general3A {dimension_numbers = #tpu.dot_dimension_numbers<[1], [1], [0], [0], [0, 0, 1, 0], [], []>, precision = #tpu.contract_precision<fp32>, transpose_lhs_hint = false} : vector<1000x128xf32>, vector<128x128xf32>, vector<1000x128xf32> -> vector<1000x128xf32>
    %get3A_22 = arith.constant 0 : index
    %get3A_23 = arith.constant 0 : index
    %get3A_24 = vector.load %arg3[%get3A_22, %get3A_23] : memref<1000x128xf32, #tpu.memory_space<vmem>>, vector<1000x128xf32>
    %add3A_25 = arith.addf %dot_general3A_21, %get3A_24 : vector<1000x128xf32>
    %max3A_26 = arith.constant 0.000000e+00 : f32
    %max3A_27 = vector.broadcast %max3A_26 : f32 to vector<1000x128xf32>
    %max3A_28 = arith.maximumf %add3A_25, %max3A_27 : vector<1000x128xf32>
    %iota3A = tpu.iota {dimensions = array<i32: 0>} : vector<64x1000xi32>
    %get3A_29 = arith.constant 0 : index
    %get3A_30 = arith.constant 0 : index
    %get3A_31 = arith.constant 0 : index
    %get3A_32 = vector.load %arg5[%get3A_29, %get3A_30, %get3A_31] : memref<1x1x1000xi32, #tpu.memory_space<vmem>>, vector<1x1x1000xi32>
    %get3A_33 = vector.shape_cast %get3A_32 : vector<1x1x1000xi32> to vector<1x1000xi32>
    %eq3A = vector.broadcast %get3A_33 : vector<1x1000xi32> to vector<64x1000xi32>
    %eq3A_34 = arith.cmpi eq, %iota3A, %eq3A : vector<64x1000xi32>
    %convert_element_type3A = arith.extui %eq3A_34 : vector<64x1000xi1> to vector<64x1000xi32>
    %convert_element_type3A_35 = arith.sitofp %convert_element_type3A : vector<64x1000xi32> to vector<64x1000xf32>
    %dot_general3A_36 = arith.constant dense<0.000000e+00> : vector<64x128xf32>
    %dot_general3A_37 = tpu.matmul %convert_element_type3A_35, %max3A_28, %dot_general3A_36 {dimension_numbers = #tpu.dot_dimension_numbers<[1], [0], [0], [1], [0, 0, 1, 1], [], []>, precision = #tpu.contract_precision<fp32>, transpose_lhs_hint = false} : vector<64x1000xf32>, vector<1000x128xf32>, vector<64x128xf32> -> vector<64x128xf32>
    %reduce_sum3A_38 = arith.constant dense<0.000000e+00> : vector<64xf32>
    %reduce_sum3A_39 = vector.multi_reduction <add>, %convert_element_type3A_35, %reduce_sum3A_38 [1] : vector<64x1000xf32> to vector<64xf32>
    %broadcast_in_dim3A_40 = vector.shape_cast %reduce_sum3A_39 : vector<64xf32> to vector<64x1xf32>
    %eq3A_41 = arith.constant 0 : i32
    %eq3A_42 = arith.cmpi eq, %arg0, %eq3A_41 : i32
    %convert_element_type3A_43 = arith.extui %eq3A_42 : i1 to i32
    %cond3A = arith.constant 0 : i32
    %cond3A_44 = arith.cmpi ne, %convert_element_type3A_43, %cond3A : i32
    scf.if %cond3A_44 {
      %broadcast_in_dim3A_63 = arith.constant 0.000000e+00 : f32
      %broadcast_in_dim3A_64 = vector.broadcast %broadcast_in_dim3A_63 : f32 to vector<64x128xf32>
      %swap3A_65 = arith.constant 0 : index
      %swap3A_66 = arith.constant 0 : index
      %swap3A_67 = vector.load %arg11[%swap3A_65, %swap3A_66] : memref<64x128xf32, #tpu.memory_space<vmem>>, vector<64x128xf32>
      tpu.vector_store %arg11[%swap3A_65, %swap3A_66], %broadcast_in_dim3A_64 {strides = array<i32>} : memref<64x128xf32, #tpu.memory_space<vmem>>, vector<64x128xf32>,
      %broadcast_in_dim3A_68 = arith.constant 0.000000e+00 : f32
      %broadcast_in_dim3A_69 = vector.broadcast %broadcast_in_dim3A_68 : f32 to vector<64x1xf32>
      %swap3A_70 = arith.constant 0 : index
      %swap3A_71 = arith.constant 0 : index
      %swap3A_72 = vector.load %arg12[%swap3A_70, %swap3A_71] : memref<64x1xf32, #tpu.memory_space<vmem>>, vector<64x1xf32>
      tpu.vector_store %arg12[%swap3A_70, %swap3A_71], %broadcast_in_dim3A_69 {strides = array<i32>} : memref<64x1xf32, #tpu.memory_space<vmem>>, vector<64x1xf32>,
    } else {
    }
    %get3A_45 = arith.constant 0 : index
    %get3A_46 = arith.constant 0 : index
    %get3A_47 = vector.load %arg11[%get3A_45, %get3A_46] : memref<64x128xf32, #tpu.memory_space<vmem>>, vector<64x128xf32>
    %add3A_48 = arith.addf %get3A_47, %dot_general3A_37 : vector<64x128xf32>
    %swap3A = arith.constant 0 : index
    %swap3A_49 = arith.constant 0 : index
    %swap3A_50 = vector.load %arg11[%swap3A, %swap3A_49] : memref<64x128xf32, #tpu.memory_space<vmem>>, vector<64x128xf32>
    tpu.vector_store %arg11[%swap3A, %swap3A_49], %add3A_48 {strides = array<i32>} : memref<64x128xf32, #tpu.memory_space<vmem>>, vector<64x128xf32>,
    %get3A_51 = arith.constant 0 : index
    %get3A_52 = arith.constant 0 : index
    %get3A_53 = vector.load %arg12[%get3A_51, %get3A_52] : memref<64x1xf32, #tpu.memory_space<vmem>>, vector<64x1xf32>
    %add3A_54 = arith.addf %get3A_53, %broadcast_in_dim3A_40 : vector<64x1xf32>
    %swap3A_55 = arith.constant 0 : index
    %swap3A_56 = arith.constant 0 : index
    %swap3A_57 = vector.load %arg12[%swap3A_55, %swap3A_56] : memref<64x1xf32, #tpu.memory_space<vmem>>, vector<64x1xf32>
    tpu.vector_store %arg12[%swap3A_55, %swap3A_56], %add3A_54 {strides = array<i32>} : memref<64x1xf32, #tpu.memory_space<vmem>>, vector<64x1xf32>,
    %eq3A_58 = arith.constant 9 : i32
    %eq3A_59 = arith.cmpi eq, %arg0, %eq3A_58 : i32
    %convert_element_type3A_60 = arith.extui %eq3A_59 : i1 to i32
    %cond3A_61 = arith.constant 0 : i32
    %cond3A_62 = arith.cmpi ne, %convert_element_type3A_60, %cond3A_61 : i32
    scf.if %cond3A_62 {
      %get3A_63 = arith.constant 0 : index
      %get3A_64 = arith.constant 0 : index
      %get3A_65 = vector.load %arg11[%get3A_63, %get3A_64] : memref<64x128xf32, #tpu.memory_space<vmem>>, vector<64x128xf32>
      %get3A_66 = arith.constant 0 : index
      %get3A_67 = arith.constant 0 : index
      %get3A_68 = vector.load %arg12[%get3A_66, %get3A_67] : memref<64x1xf32, #tpu.memory_space<vmem>>, vector<64x1xf32>
      %max3A_69 = arith.constant 1.000000e+00 : f32
      %max3A_70 = vector.broadcast %max3A_69 : f32 to vector<64x1xf32>
      %max3A_71 = arith.maximumf %get3A_68, %max3A_70 : vector<64x1xf32>
      %div3A_72 = vector.broadcast %max3A_71 : vector<64x1xf32> to vector<64x128xf32>
      %div3A_73 = arith.divf %get3A_65, %div3A_72 : vector<64x128xf32>
      %get3A_74 = arith.constant 0 : index
      %get3A_75 = arith.constant 0 : index
      %get3A_76 = vector.load %arg7[%get3A_74, %get3A_75] : memref<64x128xf32, #tpu.memory_space<vmem>>, vector<64x128xf32>
      %dot_general3A_77 = arith.constant dense<0.000000e+00> : vector<64x64xf32>
      %dot_general3A_78 = tpu.matmul %div3A_73, %get3A_76, %dot_general3A_77 {dimension_numbers = #tpu.dot_dimension_numbers<[1], [1], [0], [0], [0, 0, 1, 0], [], []>, precision = #tpu.contract_precision<fp32>, transpose_lhs_hint = false} : vector<64x128xf32>, vector<64x128xf32>, vector<64x64xf32> -> vector<64x64xf32>
      %get3A_79 = arith.constant 0 : index
      %get3A_80 = arith.constant 0 : index
      %get3A_81 = vector.load %arg6[%get3A_79, %get3A_80] : memref<64x128xf32, #tpu.memory_space<vmem>>, vector<64x128xf32>
      %get3A_82 = arith.constant 0 : index
      %get3A_83 = arith.constant 0 : index
      %get3A_84 = vector.load %arg8[%get3A_82, %get3A_83] : memref<64x128xf32, #tpu.memory_space<vmem>>, vector<64x128xf32>
      %dot_general3A_85 = arith.constant dense<0.000000e+00> : vector<64x64xf32>
      %dot_general3A_86 = tpu.matmul %get3A_81, %get3A_84, %dot_general3A_85 {dimension_numbers = #tpu.dot_dimension_numbers<[1], [1], [0], [0], [0, 0, 1, 0], [], []>, precision = #tpu.contract_precision<fp32>, transpose_lhs_hint = false} : vector<64x128xf32>, vector<64x128xf32>, vector<64x64xf32> -> vector<64x64xf32>
      %add3A_87 = arith.addf %dot_general3A_78, %dot_general3A_86 : vector<64x64xf32>
      %get3A_88 = arith.constant 0 : index
      %get3A_89 = arith.constant 0 : index
      %get3A_90 = vector.load %arg9[%get3A_88, %get3A_89] : memref<1x64xf32, #tpu.memory_space<vmem>>, vector<1x64xf32>
      %add3A_91 = vector.broadcast %get3A_90 : vector<1x64xf32> to vector<64x64xf32>
      %add3A_92 = arith.addf %add3A_87, %add3A_91 : vector<64x64xf32>
      %swap3A_93 = arith.constant 0 : index
      %swap3A_94 = arith.constant 0 : index
      %swap3A_95 = vector.load %arg10[%swap3A_93, %swap3A_94] : memref<64x64xf32, #tpu.memory_space<vmem>>, vector<64x64xf32>
      tpu.vector_store %arg10[%swap3A_93, %swap3A_94], %add3A_92 {strides = array<i32>} : memref<64x64xf32, #tpu.memory_space<vmem>>, vector<64x64xf32>,
    } else {
    }
    return
  }
  func.func @transform_0(%arg0: i32) -> (i32, i32, i32) {
    %c0_i32 = arith.constant 0 : i32
    %c0_i32_0 = arith.constant 0 : i32
    %c0_i32_1 = arith.constant 0 : i32
    return %c0_i32, %arg0, %c0_i32_0 : i32, i32, i32
  }
  func.func @transform_1(%arg0: i32) -> (i32, i32) {
    %c0_i32 = arith.constant 0 : i32
    %c0_i32_0 = arith.constant 0 : i32
    return %arg0, %c0_i32 : i32, i32
  }
  func.func @transform_2(%arg0: i32) -> (i32, i32) {
    %c0_i32 = arith.constant 0 : i32
    %c0_i32_0 = arith.constant 0 : i32
    return %arg0, %c0_i32 : i32, i32
  }
  func.func @transform_3(%arg0: i32) -> (i32, i32) {
    %c0_i32 = arith.constant 0 : i32
    %c0_i32_0 = arith.constant 0 : i32
    %c0_i32_1 = arith.constant 0 : i32
    return %c0_i32, %c0_i32_0 : i32, i32
  }
  func.func @transform_4(%arg0: i32) -> (i32, i32, i32) {
    %c0_i32 = arith.constant 0 : i32
    %c0_i32_0 = arith.constant 0 : i32
    %c0_i32_1 = arith.constant 0 : i32
    return %arg0, %c0_i32, %c0_i32_0 : i32, i32, i32
  }
  func.func @transform_5(%arg0: i32) -> (i32, i32) {
    %c0_i32 = arith.constant 0 : i32
    %c0_i32_0 = arith.constant 0 : i32
    %c0_i32_1 = arith.constant 0 : i32
    return %c0_i32, %c0_i32_0 : i32, i32
  }
  func.func @transform_6(%arg0: i32) -> (i32, i32) {
    %c0_i32 = arith.constant 0 : i32
    %c0_i32_0 = arith.constant 0 : i32
    %c0_i32_1 = arith.constant 0 : i32
    return %c0_i32, %c0_i32_0 : i32, i32
  }
  func.func @transform_7(%arg0: i32) -> (i32, i32) {
    %c0_i32 = arith.constant 0 : i32
    %c0_i32_0 = arith.constant 0 : i32
    %c0_i32_1 = arith.constant 0 : i32
    return %c0_i32, %c0_i32_0 : i32, i32
  }
  func.func @transform_8(%arg0: i32) -> (i32, i32) {
    %c0_i32 = arith.constant 0 : i32
    %c0_i32_0 = arith.constant 0 : i32
    %c0_i32_1 = arith.constant 0 : i32
    return %c0_i32, %c0_i32_0 : i32, i32
  }
  func.func @transform_9(%arg0: i32) -> (i32, i32) {
    %c0_i32 = arith.constant 0 : i32
    %c0_i32_0 = arith.constant 0 : i32
    %c0_i32_1 = arith.constant 0 : i32
    return %c0_i32, %c0_i32_0 : i32, i32
  }
}

</mosaic_0001>

<sc_bundles>
// kernel: seg_cnt.3.cloned.1.call-start
scs
__scs_entry_jumppad:
0x0: {  	(pc) =	sbr.rel $0x88, $3  }
0x1: {  	(tag) =	ssettag $0x0;
	lr =	simm.s32 $0x1  }
0x2: {  	[smem:$0x3F95] =	sst lr;
	_ =	strace $0xD0000000  }
0x3: {  	_ = 	snop  }
0x4: {  	_ = 	snop  }
0x5: {  	_ = 	snop  }
0x6: {  	_ = 	snop  }
0x7: {  	_ = 	snop  }
__scs_overlays_trampoline_lowered:
0x8: {  	[smem:$0x3FA4] =	sst s0  }
0x9: {  	[smem:$0x3FA5] =	sst s1  }
0xa: {  	[smem:$0x3FA6] =	sst s2  }
0xb: {  	[smem:$0x3FA7] =	sst s3  }
0xc: {  	[smem:$0x3FA8] =	sst s4  }
0xd: {  	[smem:$0x3FA9] =	sst s5  }
0xe: {  	[smem:$0x3FAA] =	sst s6  }
0xf: {  	[smem:$0x3FAB] =	sst s7  }
0x10: {  	[smem:$0x3FAC] =	sst s8  }
0x11: {  	[smem:$0x3FAD] =	sst s9;
	s0 =	simm.s32 @!p0 $0x0  }
0x12: {  	s1 =	sld [smem:$0x3F93];
	s0 =	simm.s32 @p0 $0x1  }
0x13: {  	[smem:$0x3FAE] =	sst s0;
	s0 =	simm.s32 @!p1 $0x0  }
0x14: {  	s2 =	sld [smem:$0x3F92];
	s0 =	simm.s32 @p1 $0x1  }
0x15: {  	[smem:$0x3FAF] =	sst s0;
	s0 =	simm.s32 @!p2 $0x0  }
0x16: {  	s3 =	sld [smem:$0x3FDB];
	s0 =	simm.s32 @p2 $0x1  }
0x17: {  	s4 =	simm.s32 $0x1BF5;
	[smem:$0x3FB1] =	sst s0  }
0x18: {  	s0 =	sld [smem:$0x3F94];
	_ =	swait.ge [sflag:s4], $0x0  }
0x19: {  	s7 =	sld [smem:$0x3F95]  }
0x1a: {  	s8 =	sadd.s32 $0xFFFFE003, lr  }
0x1b: {  	s9 =	sadd.s32 $0xFFFFFEF7, lr;
	s5 =	simm.s32 $0xFFFFFFFF;
	p2 =	slt.u32 s8, $0xFFFFF086  }
0x1c: {  	p1 =	slt.u32 s9, $0xF7A;
	s5 =	simm.s32 @!p2 $0x0  }
0x1d: {  	s5 =	simm.s32 @p1 $0x1;
	p0 =	seq.s32 s7, s2  }
0x1e: {  	s7 =	smul.u32 @!p0 $0xF7A, s2;
	p2 =	seq.s32 @!p0 s5, $0x0  }
0x1f: {  	s9 =	smul.u32 $0xF7A, s1;
	s8 =	simm.s32 @!p0 $0x1BF5;
	p2 =	por !p2, p0  }
0x20: {  	[sflag:s8] =	ssyncset.s32 @!p0 $0xFFFFF086;
	s6 =	sadd.s32 @!p0 s3, s7;
	s7 =	simm.s32 @!p0 $0x108  }
0x21: {  	s3 =	sadd.s32 s3, s9;
	s6 =	sadd.s32 @!p0 $0x88, s6;
	s7 =	simm.s32 @p2 $0x1082  }
0x22: {  	[simem:s7], [sflag:s8] =	dma.local @!p0 [hbm:s6], $0xF7A  }
0x23: {  	s9 =	sor.u32 $0xD0000000, s2;
	s6 =	simm.s32 $0x108;
	_ =	swait.ge @!p0 [sflag:s8], $0x0  }
0x24: {  	s3 =	sadd.s32 $0x88, s3;
	s6 =	simm.s32 @!p1 $0x1082;
	[sflag:s4] =	ssyncset.s32 $0xFFFFF086  }
0x25: {  	[simem:s6], [sflag:s4] =	dma.local [hbm:s3], $0xF7A  }
0x26: {  	[smem:$0x3F95] =	sst s1;
	(tag) =	ssettag s2;
	_ =	strace s9  }
0x27: {  	s1 =	sld [smem:$0x3FA5]  }
0x28: {  	s2 =	sld [smem:$0x3FA6]  }
0x29: {  	s4 =	sld [smem:$0x3FA8]  }
0x2a: {  	p0 =	seq.s32 s5, $0x0;
	s5 =	sld [smem:$0x3FA9]  }
0x2b: {  	s6 =	sld [smem:$0x3FAA]  }
0x2c: {  	s7 =	sld [smem:$0x3FAB]  }
0x2d: {  	s3 =	simm.s32 $0x108;
	s8 =	sld [smem:$0x3FAC]  }
0x2e: {  	s3 =	simm.s32 @!p0 $0x1082;
	s9 =	sld [smem:$0x3FAD]  }
0x2f: {  	lr =	sadd.s32 s0, s3;
	s0 =	sld [smem:$0x3FA4]  }
0x30: {  	s3 =	sld [smem:$0x3FA7]  }
0x31: {  	[smem:$0x3FB0] =	sst s10  }
0x32: {  	s10 =	sld [smem:$0x3FAE];
	_ =	sdelay $0x3  }
0x33: {  	p0 =	seq.s32 s10, $0x1;
	s10 =	sld [smem:$0x3FB0];
	_ =	sdelay $0x3  }
0x34: {  	[smem:$0x3FB0] =	sst s10  }
0x35: {  	s10 =	sld [smem:$0x3FAF];
	_ =	sdelay $0x3  }
0x36: {  	p1 =	seq.s32 s10, $0x1;
	s10 =	sld [smem:$0x3FB0];
	_ =	sdelay $0x3  }
0x37: {  	[smem:$0x3FB0] =	sst s10  }
0x38: {  	s10 =	sld [smem:$0x3FB1]  }
0x39: {  	_ = 	snop;
	(pc) =	sbr.ind lr, $3  }
0x3a: {  	_ = 	snop  }
0x3b: {  	_ = 	snop  }
0x3c: {  	p2 =	seq.s32 s10, $0x1;
	s10 =	sld [smem:$0x3FB0]  }
0x3d: {  	_ =	shalt  }
0x3e: {  	_ =	shalt  }
0x3f: {  	_ =	shalt  }
0x40: {  	_ =	shalt  }
0x41: {  	_ =	shalt  }
0x42: {  	_ =	shalt  }
0x43: {  	_ =	shalt  }
0x44: {  	_ =	shalt  }
0x45: {  	_ =	shalt  }
0x46: {  	_ =	shalt  }
0x47: {  	_ =	shalt  }
0x48: {  	_ =	shalt  }
0x49: {  	_ =	shalt  }
0x4a: {  	_ =	shalt  }
0x4b: {  	_ =	shalt  }
0x4c: {  	_ =	shalt  }
0x4d: {  	_ =	shalt  }
0x4e: {  	_ =	shalt  }
0x4f: {  	_ =	shalt  }
0x50: {  	_ =	shalt  }
0x51: {  	_ =	shalt  }
0x52: {  	_ =	shalt  }
0x53: {  	_ =	shalt  }
0x54: {  	_ =	shalt  }
0x55: {  	_ =	shalt  }
0x56: {  	_ =	shalt  }
0x57: {  	_ =	shalt  }
0x58: {  	_ =	shalt  }
0x59: {  	_ =	shalt  }
0x5a: {  	_ =	shalt  }
0x5b: {  	_ =	shalt  }
0x5c: {  	_ =	shalt  }
0x5d: {  	_ =	shalt  }
0x5e: {  	_ =	shalt  }
0x5f: {  	_ =	shalt  }
0x60: {  	_ =	shalt  }
0x61: {  	_ =	shalt  }
0x62: {  	_ =	shalt  }
0x63: {  	_ =	shalt  }
0x64: {  	_ =	shalt  }
0x65: {  	_ =	shalt  }
0x66: {  	_ =	shalt  }
0x67: {  	_ =	shalt  }
0x68: {  	_ =	shalt  }
0x69: {  	_ =	shalt  }
0x6a: {  	_ =	shalt  }
0x6b: {  	_ =	shalt  }
0x6c: {  	_ =	shalt  }
0x6d: {  	_ =	shalt  }
0x6e: {  	_ =	shalt  }
0x6f: {  	_ =	shalt  }
0x70: {  	_ =	shalt  }
0x71: {  	_ =	shalt  }
0x72: {  	_ =	shalt  }
0x73: {  	_ =	shalt  }
0x74: {  	_ =	shalt  }
0x75: {  	_ =	shalt  }
0x76: {  	_ =	shalt  }
0x77: {  	_ =	shalt  }
0x78: {  	_ =	shalt  }
0x79: {  	_ =	shalt  }
0x7a: {  	_ =	shalt  }
0x7b: {  	_ =	shalt  }
0x7c: {  	_ =	shalt  }
0x7d: {  	_ =	shalt  }
0x7e: {  	_ =	shalt  }
0x7f: {  	_ =	shalt  }
0x80: {  	_ =	shalt  }
0x81: {  	_ =	shalt  }
0x82: {  	_ =	shalt  }
0x83: {  	_ =	shalt  }
0x84: {  	_ =	shalt  }
0x85: {  	_ =	shalt  }
0x86: {  	_ =	shalt  }
0x87: {  	_ =	shalt  }
.Lfunc_end0:
.L_simem_size_0:
called_computation_lowered:
.L_overlay_start_0:
0x88: {  	s2 =	sld [smem:$0x3FD9]  }
0x89: {  	s3 =	sld [smem:$0x3FFE];
	_ =	sdelay $0x1  }
0x8a: {  	s1 =	srdreg.scid  }
0x8b: {  	s0 =	sand.u32 $0x1, s1  }
0x8c: {  	s17 =	sshll.u32 s0, $0xA;
	s2 =	sadd.s32 s3, s2  }
0x8d: {  	s2 =	sadd.s32 s2, s17  }
0x8e: {  	[smem:$0x3FBC] =	sst s2  }
0x8f: {  	_ = 	snop  }
0x90: {  	s2 =	sld [smem:$0x3FC9];
	(tm) =	ssettm $0x1  }
0x91: {  	s18 =	sld [smem:$0x3FFB];
	_ =	sdelay $0x3  }
0x92: {  	_ =	strace s18  }
0x93: {  	s3 =	sld [smem:$0x3FFC];
	_ =	sdelay $0x3  }
0x94: {  	_ =	strace s3  }
0x95: {  	s3 =	sld [smem:$0x3FFD];
	_ =	sdelay $0x3  }
0x96: {  	_ =	strace s3  }
0x97: {  	_ =	strace $0x8FFFFFFF  }
0x98: {  	s19 =	sld [smem:$0x3FDB];
	_ =	sdelay $0x1  }
0x99: {  	s4 =	simm.s32 $_scs_section_size  }
0x9a: {  	s5 =	simm.s32 $_size__tile_overlayer_lowered;
	s6 =	simm.s32 $_tile_overlayer_lowered  }
0x9b: {  	s22 =	simm.s32 $0x1BFF;
	s21 =	sshll.u32 s6, $0x1;
	s3 =	sadd.s32 s4, s19  }
0x9c: {  	s7 =	simm.s32 $0x0;
	s20 =	sshll.u32 s5, $0x1;
	s5 =	sadd.s32 s21, s3  }
0x9d: {  	[timem:s7], [sflag:s22] =	dma.local [hbm:s5], s20  }
0x9e: {  	_ =	swait.ge [sflag:s22], s20  }
0x9f: {  	s4 =	ssub.s32 $0x0, s20;
	[sflag:s22] =	ssyncset.done $0x0  }
0xa0: {  	[sflag:s22] =	ssyncadd.s32 s4;
	_ =	sdelay $0x1  }
0xa1: {  	s23 =	simm.s32 $0x1B8B  }
0xa2: {  	_ =	swait.ge [sflag:s23], $0x1  }
0xa3: {  	[sflag:s23] =	ssyncset.done $0x0  }
0xa4: {  	s25 =	simm.s32 $0x1B8E;
	s24 =	sld [smem:$0x3FFE];
	[sflag:s23] =	ssyncadd.s32 $0xFFFFFFFF  }
0xa5: {  	s26 =	simm.s32 $execute0_lowered;
	[smem:$0x3FD2] =	sst s25  }
0xa6: {  	s5 =	sshll.u32 s26, $0x1;
	_ =	strace $0x80000046;
	[dreg:$0x1] =	wrdreg $0xFFFFFFFF  }
0xa7: {  	s28 =	simm.s32 $_size_execute0_lowered;
	s3 =	sadd.s32 s3, s5;
	[dreg:$0x0] =	wrdreg $0x0  }
0xa8: {  	s5 =	sshll.u32 s28, $0x1;
	[dreg:$0x2] =	wrdreg s3  }
0xa9: {  	[dreg:$0x3] =	wrdreg s5  }
0xaa: {  	[dreg:$0x4] =	wrdreg $0xC0  }
0xab: {  	_ =	task [dreg:s7], $0x5FFFF  }
0xac: {  	[dreg:$0x1] =	wrdreg $0xFFFFFFFF  }
0xad: {  	[dreg:$0x0] =	wrdreg $0x60  }
0xae: {  	[dreg:$0x2] =	wrdreg s2  }
0xaf: {  	[dreg:$0x3] =	wrdreg s24  }
0xb0: {  	[dreg:$0x4] =	wrdreg $0xB7800  }
0xb1: {  	[dreg:$0x5] =	wrdreg $0x9  }
0xb2: {  	_ =	task.clear_ibuf [dreg:s7], $0x6FFFF;
	_ =	strace $0x90000046  }
0xb3: {  	s29 =	simm.s32 $0x9;
	_ =	strace $0x80000048  }
0xb4: {  	_ =	swait.ge [sflag:s29], $0x1  }
0xb5: {  	[sflag:s29] =	ssyncadd.s32 $0xFFFFFFFF  }
0xb6: {  	_ =	strace $0x90000048  }
0xb7: {  	_ =	sfence  }
0xb8: {  	s30 =	sld [smem:$0x0];
	_ =	sdelay $0x2  }
0xb9: {  	s31 =	sshll.u32 s1, $0xD;
	s1 =	sshrl.u32 s1, $0x2  }
0xba: {  	s3 =	sand.u32 $0x4000, s31;
	s1 =	sadd.s32 s1, s30  }
0xbb: {  	s0 =	sor.u32 s3, s0;
	s1 =	sshll.u32 s1, $0x11  }
0xbc: {  	s0 =	sor.u32 s1, s0  }
0xbd: {  	s0 =	sadd.s32 $0x8F2B, s0  }
0xbe: {  	[sflag:s0] =	ssyncadd.remote.s32 $0x1  }
0xbf: {  	_ =	sfence.sel $0xFFFF  }
0xc0: {  	[dreg:$0x0] =	wrdreg $0xFFFFFFFF;
	(pc) =	sbr.abs _section_cstart, $3  }
0xc1: {  	[dreg:$0x1] =	wrdreg $0xFFFFFFFF  }
0xc2: {  	_ =	task.clear_ibuf [dreg:s7], $0x2FFFF;
	_ =	strace $0x9FFFFFFF  }
0xc3: {  	(tm) =	ssettm $0x7FFFFFFF  }
tec
execute0_lowered:
.L_overlay_start_1:
0x0: {  	(tag) =	ssettag $0x1  }
0x1: {  	s1 =	rddreg [dreg:$0x0]  }
0x2: {  	s0 =	rddreg [dreg:$0x1]  }
0x3: {  	s3 =	rddreg [dreg:$0x2]  }
0x4: {  	s4 =	simm.s32 $0x0;
	s22 =	stileid.u32;
	s2 =	srdreg.scid  }
0x5: {  	s28 =	simm.s32 $0x5000;
	s29 =	simm.s32 $0x7000;
	s30 =	simm.s32 $0x1  }
0x6: {  	s31 =	simm.s32 $0x2;
	[smem:$0x7FF] =	sst s4;
	s5 =	smul.u32 $0x13800, s22  }
0x7: {  	s2 =	sand.u32 $0x1, s2;
	s6 =	sshll.u32 s22, $0x1;
	s7 =	sadd.s32 $0x2B200, s0  }
0x8: {  	s9 =	sadd.s32 $0xD200, s0;
	s12 =	smul.u32 $0x4E000, s22;
	s13 =	sadd.s32 $0x66400, s0  }
0x9: {  	s18 =	sadd.s32 $0x70800, s0;
	s14 =	sshll.u32 s22, $0x6;
	s16 =	sadd.s32 $0x138000, s3  }
0xa: {  	p1 =	sne.s32 s22, $0xF;
	_ =	strace $0x80000047;
	s6 =	sor.u32 s2, s6  }
0xb: {  	s11 =	ssub.s32 $0x2, s2;
	[dreg:$0x4] =	wrdreg s13;
	s2 =	smul.u32 $0x138800, s2  }
0xc: {  	[dreg:$0x7] =	wrdreg s16;
	s8 =	sshrl.u32 s5, $0x3;
	s10 =	smul.u32 $0x4F0, s6  }
0xd: {  	s26 =	sshrl.u32 s11, $0x1;
	s12 =	sshrl.u32 s12, $0x2;
	s15 =	smul.u32 $0x5000, s6  }
0xe: {  	p0 =	seq.s32 s6, $0x1F;
	s6 =	simm.s32 $0x28;
	s8 =	sadd.s32 s8, s0  }
0xf: {  	s11 =	ssub.s32 s11, s26;
	s12 =	sadd.s32 s12, s3;
	s6 =	simm.s32 @!p0 $0xA0  }
0x10: {  	s5 =	sadd.s32 s5, s2;
	s2 =	sshrl.u32 s2, $0x3;
	s10 =	sadd.s32 s10, s0  }
0x11: {  	[dreg:$0x5] =	wrdreg s12;
	s8 =	sadd.s32 $0x3F200, s8;
	s13 =	sshrl.u32 s15, $0x3  }
0x12: {  	s0 =	sadd.s32 $0x66200, s0;
	s12 =	smin.u32 s6, $0x50;
	s21 =	smax.u32 s6, $0x50  }
0x13: {  	s23 =	sshrl.u32 s5, $0x3;
	s25 =	sadd.s32 s18, s2;
	[dreg:$0x6] =	wrdreg s8  }
0x14: {  	s8 =	sor.u32 $0x1C03, s14;
	[dreg:$0x8] =	wrdreg s0;
	s17 =	sadd.s32 s7, s13  }
0x15: {  	s19 =	sadd.s32 $0x500, s13;
	s13 =	sadd.s32 s9, s13;
	s20 =	sshrl.u32 s12, $0x1  }
0x16: {  	s16 =	sadd.s32 $0xFFFFFFB0, s21;
	s21 =	smax.u32 s11, $0x1;
	s0 =	simm.s32 $0x0  }
.Ltmp0:
0x17: {  	[dreg:$0x9] =	wrdreg s17;
	s14 =	sadd.s32 s7, s19;
	(pc) =	sbr.rel .LBB2_1-.Ltmp0, $4  }
0x18: {  	s15 =	sadd.s32 s9, s19;
	s24 =	sshrl.u32 s16, $0x1;
	s17 =	sadd.s32 s18, s23  }
0x19: {  	s18 =	sadd.s32 $0x66A00, s10;
	s19 =	sadd.s32 $0x27000, s25;
	s7 =	sadd.s32 $0xFFFFFFFF, s20  }
0x1a: {  	s23 =	simm.s32 $0x3;
	s25 =	simm.s32 $0x2800;
	s26 =	smax.u32 s24, $0x1  }
0x1b: {  	v0 =	vimm.f32 $1.000000000e+00;
	s24 =	simm.s32 $0x9000;
	[dreg:$0xa] =	wrdreg s26;
	s26 =	simm.s32 $0x40  }
.LBB2_6:
0x1c: {  	[bflag:$0x0] =	sbarrier.arrive $0xFFFF  }
0x1d: {  	[hbm:s17], [sflag:s8] =	dma.local [spmem:s2], $0x2700  }
0x1e: {  	_ =	swait.ge [sflag:s23], $0x2700  }
0x1f: {  	[sflag:s23] =	ssyncset.done $0x0  }
0x20: {  	[sflag:s23] =	ssyncadd.s32 $0xFFFFD900  }
0x21: {  	[hbm4b:s18+s4] =	stream.linear.scatter [tilespmem:s24], [sflag:$0x3], $0x2780, $0x38;
	[tilespmem:$0x1F000] =	vst v63  }
0x22: {  	s0 =	sadd.s32 $0x1, s0;
	_ =	swait.ge [sflag:s23], $0x2780  }
0x23: {  	p2 =	sne.s32 s0, s21;
	[sflag:s23] =	ssyncset.done $0x0  }
.Ltmp1:
0x24: {  	s2 =	simm.s32 @!p1 $0x3;
	[sflag:s23] =	ssyncadd.s32 $0xFFFFD880;
	(pc) =	sbr.rel @!p2 .LBB2_7-.Ltmp1, $4  }
0x25: {  	[hbm:s19], [sflag:s8] =	dma.local @!p1 [spmem:s20], $0x100  }
0x26: {  	_ =	swait.ge @!p1 [sflag:s2], $0x100  }
0x27: {  	[sflag:s2] =	ssyncset.done @!p1 $0x0  }
0x28: {  	[sflag:s2] =	ssyncadd.s32 @!p1 $0xFFFFFF00  }
.LBB2_1:
0x29: {  	s2 =	rddreg [dreg:$0x5]  }
0x2a: {  	s5 =	rddreg [dreg:$0x6];
	s2 =	sshrl.u32 s2, $0x3  }
0x2b: {  	[spmem:s2], [sflag:s8] =	dma.local [hbm:s5], $0x2700  }
0x2c: {  	_ =	swait.ge [sflag:s23], $0x2700  }
0x2d: {  	[sflag:s23] =	ssyncset.done $0x0  }
0x2e: {  	s20 =	rddreg [dreg:$0x4];
	[sflag:s23] =	ssyncadd.s32 $0xFFFFD900  }
0x2f: {  	[tilespmem:s24], [sflag:$0x3] =	stream.linear.gather [hbm4b:s20+s4], $0x2780, $0x38;
	[tilespmem:$0x1F000] =	vst v63  }
0x30: {  	_ =	swait.ge [sflag:s23], $0x2780  }
0x31: {  	[sflag:s23] =	ssyncset.done $0x0;
	s5 =	rddreg [dreg:$0x7]  }
0x32: {  	[sflag:s23] =	ssyncadd.s32 $0xFFFFD880;
	s20 =	sshrl.u32 @!p1 s5, $0x3;
	s5 =	rddreg [dreg:$0x8]  }
0x33: {  	[spmem:s20], [sflag:s8] =	dma.local @!p1 [hbm:s5], $0x100  }
0x34: {  	s5 =	simm.s32 @!p1 $0x3  }
0x35: {  	_ =	swait.ge @!p1 [sflag:s5], $0x100  }
0x36: {  	[sflag:s5] =	ssyncset.done @!p1 $0x0  }
0x37: {  	[sflag:s5] =	ssyncadd.s32 @!p1 $0xFFFFFF00  }
0x38: {  	[bflag:$0x0] =	sbarrier.arrive $0xFFFF  }
0x39: {  	s22 =	rddreg [dreg:$0x9]  }
0x3a: {  	[tilespmem:s4], [sflag:$0x3] =	stream.linear.gather [hbm4b:s22+s4], $0x2800, $0x38;
	[tilespmem:$0x1F000] =	vst v63  }
0x3b: {  	_ =	swait.ge [sflag:s23], $0x2800  }
0x3c: {  	[sflag:s23] =	ssyncset.done $0x0  }
0x3d: {  	[sflag:s23] =	ssyncadd.s32 $0xFFFFD800  }
0x3e: {  	[tilespmem:s25], [sflag:$0x3] =	stream.linear.gather [hbm4b:s13+s4], $0x2800, $0x38;
	[tilespmem:$0x1F000] =	vst v63  }
0x3f: {  	_ =	swait.ge [sflag:s23], $0x2800  }
0x40: {  	s11 =	simm.s32 $0x100;
	s10 =	simm.s32 $0x2880;
	[sflag:s23] =	ssyncset.done $0x0  }
0x41: {  	s6 =	simm.s32 $0x2;
	s22 =	smov.u32 s7;
	[sflag:s23] =	ssyncadd.s32 $0xFFFFD800  }
0x42: {  	[tilespmem:s28], [sflag:$0x1] =	stream.indirect.gather [hbm4b:s1+s26], $0x80, s4, s26, $0xb8;
	[tilespmem:$0x1F000] =	vst v63  }
.LBB2_2:
0x43: {  	s5 =	sadd.s32 $0xFFFFFF80, s11  }
0x44: {  	[tilespmem:s29], [sflag:$0x2] =	stream.indirect.gather [hbm4b:s1+s26], $0x80, s5, s26, $0xb8;
	[tilespmem:$0x1F000] =	vst v63  }
0x45: {  	_ =	swait.ge [sflag:s30], $0x2000  }
0x46: {  	[sflag:s30] =	ssyncset.done $0x0  }
0x47: {  	s9 =	smov.u32 s11;
	s11 =	sadd.s32 $0xFFFFFF80, s10;
	[sflag:s30] =	ssyncadd.s32 $0xFFFFE000  }
0x48: {  	[spmem:s3] =	stream.indirect.scatter.add.f32 [tilespmem:s28], [sflag:$0x3], $0x80, s11, s26, $0xb8;
	[tilespmem:$0x1F000] =	vst v63  }
0x49: {  	_ =	swait.ge [sflag:s23], $0x2000  }
0x4a: {  	p2 =	sge.u32 s6, s12;
	s5 =	smov.u32 s10;
	[sflag:s23] =	ssyncset.done $0x0  }
0x4b: {  	s10 =	simm.s32 @!p2 $0x40;
	s11 =	simm.s32 @!p2 $0x5000;
	[sflag:s23] =	ssyncadd.s32 $0xFFFFE000  }
0x4c: {  	[tilespmem:s11], [sflag:$0x1] =	stream.indirect.gather @!p2 [hbm4b:s1+s10], $0x80, s9, s10, $0xb8;
	[tilespmem:$0x1F000] =	vst v63  }
0x4d: {  	v1 =	vld [tilespmem:s5+$0xFFFFFF80];
	_ =	sdelay $0x7  }
0x4e: {  	[tilespmem:v1+s24+$0x0] =	vst.idx.add.f32.msk $0xffff, v0  }
0x4f: {  	v1 =	vld [tilespmem:s5+$0xFFFFFF90];
	_ =	sdelay $0x7  }
0x50: {  	[tilespmem:v1+s24+$0x0] =	vst.idx.add.f32.msk $0xffff, v0  }
0x51: {  	v1 =	vld [tilespmem:s5+$0xFFFFFFA0];
	_ =	sdelay $0x7  }
0x52: {  	[tilespmem:v1+s24+$0x0] =	vst.idx.add.f32.msk $0xffff, v0  }
0x53: {  	v1 =	vld [tilespmem:s5+$0xFFFFFFB0];
	_ =	sdelay $0x7  }
0x54: {  	[tilespmem:v1+s24+$0x0] =	vst.idx.add.f32.msk $0xffff, v0  }
0x55: {  	_ =	swait.ge [sflag:s31], $0x2000  }
0x56: {  	[sflag:s31] =	ssyncset.done $0x0  }
0x57: {  	[sflag:s31] =	ssyncadd.s32 $0xFFFFE000  }
0x58: {  	[spmem:s3] =	stream.indirect.scatter.add.f32 [tilespmem:s29], [sflag:$0x3], $0x80, s5, s26, $0xb8;
	[tilespmem:$0x1F000] =	vst v63  }
0x59: {  	_ =	swait.ge [sflag:s23], $0x2000  }
0x5a: {  	[sflag:s23] =	ssyncset.done $0x0  }
0x5b: {  	[sflag:s23] =	ssyncadd.s32 $0xFFFFE000  }
0x5c: {  	v1 =	vld [tilespmem:s5+$0x0];
	_ =	sdelay $0x7  }
0x5d: {  	[tilespmem:v1+s24+$0x0] =	vst.idx.add.f32.msk $0xffff, v0  }
0x5e: {  	v1 =	vld [tilespmem:s5+$0x10];
	_ =	sdelay $0x7  }
0x5f: {  	[tilespmem:v1+s24+$0x0] =	vst.idx.add.f32.msk $0xffff, v0  }
0x60: {  	v1 =	vld [tilespmem:s5+$0x20];
	_ =	sdelay $0x7  }
0x61: {  	[tilespmem:v1+s24+$0x0] =	vst.idx.add.f32.msk $0xffff, v0  }
0x62: {  	v1 =	vld [tilespmem:s5+$0x30];
	_ =	sdelay $0x1  }
0x63: {  	s22 =	sadd.s32 $0xFFFFFFFF, s22  }
0x64: {  	p2 =	sne.s32 s22, $0x0  }
.Ltmp2:
0x65: {  	_ = 	snop;
	(pc) =	sbr.rel @p2 .LBB2_2-.Ltmp2, $2  }
0x66: {  	_ =	sdelay $0x2  }
0x67: {  	s6 =	sadd.s32 $0x2, s6;
	s11 =	sadd.s32 $0x100, s9;
	s10 =	sadd.s32 $0x100, s5;
	[tilespmem:v1+s24+$0x0] =	vst.idx.add.f32.msk $0xffff, v0  }
0x68: {  	s9 =	sadd.s32 $0x80, s9  }
0x69: {  	[tilespmem:s29], [sflag:$0x2] =	stream.indirect.gather [hbm4b:s1+s26], $0x80, s9, s26, $0xb8;
	[tilespmem:$0x1F000] =	vst v63  }
0x6a: {  	_ =	swait.ge [sflag:s30], $0x2000  }
0x6b: {  	[sflag:s30] =	ssyncset.done $0x0  }
0x6c: {  	s22 =	sadd.s32 $0x80, s5;
	[sflag:s30] =	ssyncadd.s32 $0xFFFFE000  }
0x6d: {  	[spmem:s3] =	stream.indirect.scatter.add.f32 [tilespmem:s28], [sflag:$0x3], $0x80, s22, s26, $0xb8;
	[tilespmem:$0x1F000] =	vst v63  }
0x6e: {  	_ =	swait.ge [sflag:s23], $0x2000  }
0x6f: {  	p2 =	sge.u32 s6, s12;
	[sflag:s23] =	ssyncset.done $0x0  }
0x70: {  	s6 =	simm.s32 @!p2 $0x40;
	s9 =	simm.s32 @!p2 $0x5000;
	[sflag:s23] =	ssyncadd.s32 $0xFFFFE000  }
0x71: {  	[tilespmem:s9], [sflag:$0x1] =	stream.indirect.gather @!p2 [hbm4b:s1+s6], $0x80, s11, s6, $0xb8;
	[tilespmem:$0x1F000] =	vst v63  }
0x72: {  	v1 =	vld [tilespmem:s5+$0x80];
	_ =	sdelay $0x7  }
0x73: {  	[tilespmem:v1+s24+$0x0] =	vst.idx.add.f32.msk $0xffff, v0  }
0x74: {  	v1 =	vld [tilespmem:s5+$0x90];
	_ =	sdelay $0x7  }
0x75: {  	[tilespmem:v1+s24+$0x0] =	vst.idx.add.f32.msk $0xffff, v0  }
0x76: {  	v1 =	vld [tilespmem:s5+$0xA0];
	_ =	sdelay $0x7  }
0x77: {  	[tilespmem:v1+s24+$0x0] =	vst.idx.add.f32.msk $0xffff, v0  }
0x78: {  	v1 =	vld [tilespmem:s5+$0xB0];
	_ =	sdelay $0x7  }
0x79: {  	[tilespmem:v1+s24+$0x0] =	vst.idx.add.f32.msk $0xffff, v0  }
0x7a: {  	_ =	swait.ge [sflag:s31], $0x2000  }
0x7b: {  	[sflag:s31] =	ssyncset.done $0x0  }
0x7c: {  	[sflag:s31] =	ssyncadd.s32 $0xFFFFE000  }
0x7d: {  	[spmem:s3] =	stream.indirect.scatter.add.f32 [tilespmem:s29], [sflag:$0x3], $0x80, s10, s26, $0xb8;
	[tilespmem:$0x1F000] =	vst v63  }
0x7e: {  	_ =	swait.ge [sflag:s23], $0x2000  }
0x7f: {  	[sflag:s23] =	ssyncset.done $0x0  }
0x80: {  	[sflag:s23] =	ssyncadd.s32 $0xFFFFE000  }
0x81: {  	v1 =	vld [tilespmem:s5+$0x100];
	_ =	sdelay $0x7  }
0x82: {  	[tilespmem:v1+s24+$0x0] =	vst.idx.add.f32.msk $0xffff, v0  }
0x83: {  	v1 =	vld [tilespmem:s5+$0x110];
	_ =	sdelay $0x7  }
0x84: {  	[tilespmem:v1+s24+$0x0] =	vst.idx.add.f32.msk $0xffff, v0  }
0x85: {  	v1 =	vld [tilespmem:s5+$0x120];
	_ =	sdelay $0x7  }
0x86: {  	[tilespmem:v1+s24+$0x0] =	vst.idx.add.f32.msk $0xffff, v0  }
0x87: {  	v1 =	vld [tilespmem:s5+$0x130];
	_ =	sdelay $0x7  }
0x88: {  	[tilespmem:v1+s24+$0x0] =	vst.idx.add.f32.msk $0xffff, v0  }
0x89: {  	[tilespmem:s4], [sflag:$0x3] =	stream.linear.gather [hbm4b:s14+s4], $0x2800, $0x38;
	[tilespmem:$0x1F000] =	vst v63  }
0x8a: {  	_ =	swait.ge [sflag:s23], $0x2800  }
0x8b: {  	[sflag:s23] =	ssyncset.done $0x0  }
.Ltmp3:
0x8c: {  	[sflag:s23] =	ssyncadd.s32 $0xFFFFD800;
	(pc) =	sbr.rel @p0 .LBB2_6-.Ltmp3, $4  }
0x8d: {  	[tilespmem:s25], [sflag:$0x3] =	stream.linear.gather [hbm4b:s15+s4], $0x2800, $0x38;
	[tilespmem:$0x1F000] =	vst v63  }
0x8e: {  	_ =	swait.ge [sflag:s23], $0x2800  }
0x8f: {  	[sflag:s23] =	ssyncset.done $0x0  }
0x90: {  	[sflag:s23] =	ssyncadd.s32 $0xFFFFD800  }
0x91: {  	[tilespmem:s28], [sflag:$0x1] =	stream.indirect.gather [hbm4b:s1+s26], $0x80, s4, s26, $0xb8;
	[tilespmem:$0x1F000] =	vst v63  }
0x92: {  	s5 =	simm.s32 $0x2  }
0x93: {  	s6 =	simm.s32 $0x100;
	s9 =	simm.s32 $0x2880;
	s22 =	rddreg [dreg:$0xa]  }
.LBB2_5:
0x94: {  	s10 =	sadd.s32 $0xFFFFFF80, s6  }
0x95: {  	[tilespmem:s29], [sflag:$0x2] =	stream.indirect.gather [hbm4b:s1+s26], $0x80, s10, s26, $0xb8;
	[tilespmem:$0x1F000] =	vst v63  }
0x96: {  	_ =	swait.ge [sflag:s30], $0x2000  }
0x97: {  	[sflag:s30] =	ssyncset.done $0x0  }
0x98: {  	s11 =	sadd.s32 $0xFFFFFF80, s9;
	[sflag:s30] =	ssyncadd.s32 $0xFFFFE000  }
0x99: {  	[spmem:s3] =	stream.indirect.scatter.add.f32 [tilespmem:s28], [sflag:$0x3], $0x80, s11, s26, $0xb8;
	[tilespmem:$0x1F000] =	vst v63  }
0x9a: {  	_ =	swait.ge [sflag:s23], $0x2000  }
0x9b: {  	p2 =	sge.u32 s5, s16;
	[sflag:s23] =	ssyncset.done $0x0  }
0x9c: {  	s10 =	simm.s32 @!p2 $0x40;
	s11 =	simm.s32 @!p2 $0x5000;
	[sflag:s23] =	ssyncadd.s32 $0xFFFFE000  }
0x9d: {  	[tilespmem:s11], [sflag:$0x1] =	stream.indirect.gather @!p2 [hbm4b:s1+s10], $0x80, s6, s10, $0xb8;
	[tilespmem:$0x1F000] =	vst v63  }
0x9e: {  	v1 =	vld [tilespmem:s9+$0xFFFFFF80];
	_ =	sdelay $0x7  }
0x9f: {  	[tilespmem:v1+s24+$0x0] =	vst.idx.add.f32.msk $0xffff, v0  }
0xa0: {  	v1 =	vld [tilespmem:s9+$0xFFFFFF90];
	_ =	sdelay $0x7  }
0xa1: {  	[tilespmem:v1+s24+$0x0] =	vst.idx.add.f32.msk $0xffff, v0  }
0xa2: {  	v1 =	vld [tilespmem:s9+$0xFFFFFFA0];
	_ =	sdelay $0x7  }
0xa3: {  	[tilespmem:v1+s24+$0x0] =	vst.idx.add.f32.msk $0xffff, v0  }
0xa4: {  	v1 =	vld [tilespmem:s9+$0xFFFFFFB0];
	_ =	sdelay $0x7  }
0xa5: {  	[tilespmem:v1+s24+$0x0] =	vst.idx.add.f32.msk $0xffff, v0  }
0xa6: {  	_ =	swait.ge [sflag:s31], $0x2000  }
0xa7: {  	[sflag:s31] =	ssyncset.done $0x0  }
0xa8: {  	[sflag:s31] =	ssyncadd.s32 $0xFFFFE000  }
0xa9: {  	[spmem:s3] =	stream.indirect.scatter.add.f32 [tilespmem:s29], [sflag:$0x3], $0x80, s9, s26, $0xb8;
	[tilespmem:$0x1F000] =	vst v63  }
0xaa: {  	_ =	swait.ge [sflag:s23], $0x2000  }
0xab: {  	[sflag:s23] =	ssyncset.done $0x0  }
0xac: {  	[sflag:s23] =	ssyncadd.s32 $0xFFFFE000  }
0xad: {  	v1 =	vld [tilespmem:s9+$0x0];
	_ =	sdelay $0x7  }
0xae: {  	[tilespmem:v1+s24+$0x0] =	vst.idx.add.f32.msk $0xffff, v0  }
0xaf: {  	v1 =	vld [tilespmem:s9+$0x10];
	_ =	sdelay $0x7  }
0xb0: {  	[tilespmem:v1+s24+$0x0] =	vst.idx.add.f32.msk $0xffff, v0  }
0xb1: {  	v1 =	vld [tilespmem:s9+$0x20];
	_ =	sdelay $0x7  }
0xb2: {  	[tilespmem:v1+s24+$0x0] =	vst.idx.add.f32.msk $0xffff, v0  }
0xb3: {  	v1 =	vld [tilespmem:s9+$0x30];
	_ =	sdelay $0x1  }
0xb4: {  	s22 =	sadd.s32 $0xFFFFFFFF, s22  }
0xb5: {  	p2 =	sne.s32 s22, $0x0  }
.Ltmp4:
0xb6: {  	_ = 	snop;
	(pc) =	sbr.rel @p2 .LBB2_5-.Ltmp4, $2  }
0xb7: {  	_ =	sdelay $0x2  }
0xb8: {  	s5 =	sadd.s32 $0x2, s5;
	s6 =	sadd.s32 $0x100, s6;
	s9 =	sadd.s32 $0x100, s9;
	[tilespmem:v1+s24+$0x0] =	vst.idx.add.f32.msk $0xffff, v0  }
.Ltmp5:
0xb9: {  	_ = 	snop;
	(pc) =	sbr.rel .LBB2_6-.Ltmp5, $1  }
0xba: {  	_ =	sdelay $0x3  }
.LBB2_7:
0xbb: {  	_ =	sfence.sel $0x180000  }
0xbc: {  	[bflag:$0x0] =	sbarrier.arrive $0xFFFF  }
0xbd: {  	_ =	strace $0x90000047  }
0xbe: {  	s0 =	stileid.u32;
	[bflag:$0x2] =	sbarrier.arrive $0xFFFF  }
0xbf: {  	p0 =	sne.s32 s0, $0x0;
	s0 =	rddreg [dreg:$0x3]  }
0xc0: {  	s0 =	sadd.s32 @!p0 $0x100000, s0  }
0xc1: {  	[sflag:s0] =	ssyncadd.tile.s32 @!p0 $0x1;
	_ =	shalt  }
.Lfunc_end2:
_tile_overlayer_lowered:
.L_overlay_start_2:
0xc2: {  	(tag) =	ssettag $0x2  }
0xc3: {  	s0 =	rddreg [dreg:$0x0];
	s2 =	stileid.u32  }
0xc4: {  	s1 =	rddreg [dreg:$0x1];
	p0 =	sne.s32 s2, $0x0  }
0xc5: {  	s3 =	rddreg [dreg:$0x2];
	[bflag:$0x3] =	sbarrier.arrive $0xFFFF;
	s2 =	simm.s32 @!p0 $0x1C03  }
0xc6: {  	[timem:s3], [sflag:s2] =	dma.local @!p0 [hbm:s0], s1  }
0xc7: {  	s0 =	simm.s32 @!p0 $0x3  }
0xc8: {  	_ =	swait.ge @!p0 [sflag:s0], s1  }
0xc9: {  	s1 =	ssub.s32 @!p0 $0x0, s1;
	[sflag:s0] =	ssyncset.done @!p0 $0x0  }
0xca: {  	[sflag:s0] =	ssyncadd.s32 @!p0 s1  }
0xcb: {  	[bflag:$0x3] =	sbarrier.arrive $0xFFFF  }
0xcc: {  	_ =	shalt  }

// kernel: seg_sum.3.cloned.1.call-start
scs
__scs_entry_jumppad:
0x0: {  	(pc) =	sbr.rel $0x88, $3  }
0x1: {  	(tag) =	ssettag $0x0;
	lr =	simm.s32 $0x1  }
0x2: {  	[smem:$0x3F95] =	sst lr;
	_ =	strace $0xD0000000  }
0x3: {  	_ = 	snop  }
0x4: {  	_ = 	snop  }
0x5: {  	_ = 	snop  }
0x6: {  	_ = 	snop  }
0x7: {  	_ = 	snop  }
__scs_overlays_trampoline_lowered:
0x8: {  	[smem:$0x3FA4] =	sst s0  }
0x9: {  	[smem:$0x3FA5] =	sst s1  }
0xa: {  	[smem:$0x3FA6] =	sst s2  }
0xb: {  	[smem:$0x3FA7] =	sst s3  }
0xc: {  	[smem:$0x3FA8] =	sst s4  }
0xd: {  	[smem:$0x3FA9] =	sst s5  }
0xe: {  	[smem:$0x3FAA] =	sst s6  }
0xf: {  	[smem:$0x3FAB] =	sst s7  }
0x10: {  	[smem:$0x3FAC] =	sst s8  }
0x11: {  	[smem:$0x3FAD] =	sst s9;
	s0 =	simm.s32 @!p0 $0x0  }
0x12: {  	s1 =	sld [smem:$0x3F93];
	s0 =	simm.s32 @p0 $0x1  }
0x13: {  	[smem:$0x3FAE] =	sst s0;
	s0 =	simm.s32 @!p1 $0x0  }
0x14: {  	s2 =	sld [smem:$0x3F92];
	s0 =	simm.s32 @p1 $0x1  }
0x15: {  	[smem:$0x3FAF] =	sst s0;
	s0 =	simm.s32 @!p2 $0x0  }
0x16: {  	s3 =	sld [smem:$0x3FDB];
	s0 =	simm.s32 @p2 $0x1  }
0x17: {  	s4 =	simm.s32 $0x1BF5;
	[smem:$0x3FB1] =	sst s0  }
0x18: {  	s0 =	sld [smem:$0x3F94];
	_ =	swait.ge [sflag:s4], $0x0  }
0x19: {  	s7 =	sld [smem:$0x3F95]  }
0x1a: {  	s8 =	sadd.s32 $0xFFFFE003, lr  }
0x1b: {  	s9 =	sadd.s32 $0xFFFFFEF7, lr;
	s5 =	simm.s32 $0xFFFFFFFF;
	p2 =	slt.u32 s8, $0xFFFFF086  }
0x1c: {  	p1 =	slt.u32 s9, $0xF7A;
	s5 =	simm.s32 @!p2 $0x0  }
0x1d: {  	s5 =	simm.s32 @p1 $0x1;
	p0 =	seq.s32 s7, s2  }
0x1e: {  	s7 =	smul.u32 @!p0 $0xF7A, s2;
	p2 =	seq.s32 @!p0 s5, $0x0  }
0x1f: {  	s9 =	smul.u32 $0xF7A, s1;
	s8 =	simm.s32 @!p0 $0x1BF5;
	p2 =	por !p2, p0  }
0x20: {  	[sflag:s8] =	ssyncset.s32 @!p0 $0xFFFFF086;
	s6 =	sadd.s32 @!p0 s3, s7;
	s7 =	simm.s32 @!p0 $0x108  }
0x21: {  	s3 =	sadd.s32 s3, s9;
	s6 =	sadd.s32 @!p0 $0x88, s6;
	s7 =	simm.s32 @p2 $0x1082  }
0x22: {  	[simem:s7], [sflag:s8] =	dma.local @!p0 [hbm:s6], $0xF7A  }
0x23: {  	s9 =	sor.u32 $0xD0000000, s2;
	s6 =	simm.s32 $0x108;
	_ =	swait.ge @!p0 [sflag:s8], $0x0  }
0x24: {  	s3 =	sadd.s32 $0x88, s3;
	s6 =	simm.s32 @!p1 $0x1082;
	[sflag:s4] =	ssyncset.s32 $0xFFFFF086  }
0x25: {  	[simem:s6], [sflag:s4] =	dma.local [hbm:s3], $0xF7A  }
0x26: {  	[smem:$0x3F95] =	sst s1;
	(tag) =	ssettag s2;
	_ =	strace s9  }
0x27: {  	s1 =	sld [smem:$0x3FA5]  }
0x28: {  	s2 =	sld [smem:$0x3FA6]  }
0x29: {  	s4 =	sld [smem:$0x3FA8]  }
0x2a: {  	p0 =	seq.s32 s5, $0x0;
	s5 =	sld [smem:$0x3FA9]  }
0x2b: {  	s6 =	sld [smem:$0x3FAA]  }
0x2c: {  	s7 =	sld [smem:$0x3FAB]  }
0x2d: {  	s3 =	simm.s32 $0x108;
	s8 =	sld [smem:$0x3FAC]  }
0x2e: {  	s3 =	simm.s32 @!p0 $0x1082;
	s9 =	sld [smem:$0x3FAD]  }
0x2f: {  	lr =	sadd.s32 s0, s3;
	s0 =	sld [smem:$0x3FA4]  }
0x30: {  	s3 =	sld [smem:$0x3FA7]  }
0x31: {  	[smem:$0x3FB0] =	sst s10  }
0x32: {  	s10 =	sld [smem:$0x3FAE];
	_ =	sdelay $0x3  }
0x33: {  	p0 =	seq.s32 s10, $0x1;
	s10 =	sld [smem:$0x3FB0];
	_ =	sdelay $0x3  }
0x34: {  	[smem:$0x3FB0] =	sst s10  }
0x35: {  	s10 =	sld [smem:$0x3FAF];
	_ =	sdelay $0x3  }
0x36: {  	p1 =	seq.s32 s10, $0x1;
	s10 =	sld [smem:$0x3FB0];
	_ =	sdelay $0x3  }
0x37: {  	[smem:$0x3FB0] =	sst s10  }
0x38: {  	s10 =	sld [smem:$0x3FB1]  }
0x39: {  	_ = 	snop;
	(pc) =	sbr.ind lr, $3  }
0x3a: {  	_ = 	snop  }
0x3b: {  	_ = 	snop  }
0x3c: {  	p2 =	seq.s32 s10, $0x1;
	s10 =	sld [smem:$0x3FB0]  }
0x3d: {  	_ =	shalt  }
0x3e: {  	_ =	shalt  }
0x3f: {  	_ =	shalt  }
0x40: {  	_ =	shalt  }
0x41: {  	_ =	shalt  }
0x42: {  	_ =	shalt  }
0x43: {  	_ =	shalt  }
0x44: {  	_ =	shalt  }
0x45: {  	_ =	shalt  }
0x46: {  	_ =	shalt  }
0x47: {  	_ =	shalt  }
0x48: {  	_ =	shalt  }
0x49: {  	_ =	shalt  }
0x4a: {  	_ =	shalt  }
0x4b: {  	_ =	shalt  }
0x4c: {  	_ =	shalt  }
0x4d: {  	_ =	shalt  }
0x4e: {  	_ =	shalt  }
0x4f: {  	_ =	shalt  }
0x50: {  	_ =	shalt  }
0x51: {  	_ =	shalt  }
0x52: {  	_ =	shalt  }
0x53: {  	_ =	shalt  }
0x54: {  	_ =	shalt  }
0x55: {  	_ =	shalt  }
0x56: {  	_ =	shalt  }
0x57: {  	_ =	shalt  }
0x58: {  	_ =	shalt  }
0x59: {  	_ =	shalt  }
0x5a: {  	_ =	shalt  }
0x5b: {  	_ =	shalt  }
0x5c: {  	_ =	shalt  }
0x5d: {  	_ =	shalt  }
0x5e: {  	_ =	shalt  }
0x5f: {  	_ =	shalt  }
0x60: {  	_ =	shalt  }
0x61: {  	_ =	shalt  }
0x62: {  	_ =	shalt  }
0x63: {  	_ =	shalt  }
0x64: {  	_ =	shalt  }
0x65: {  	_ =	shalt  }
0x66: {  	_ =	shalt  }
0x67: {  	_ =	shalt  }
0x68: {  	_ =	shalt  }
0x69: {  	_ =	shalt  }
0x6a: {  	_ =	shalt  }
0x6b: {  	_ =	shalt  }
0x6c: {  	_ =	shalt  }
0x6d: {  	_ =	shalt  }
0x6e: {  	_ =	shalt  }
0x6f: {  	_ =	shalt  }
0x70: {  	_ =	shalt  }
0x71: {  	_ =	shalt  }
0x72: {  	_ =	shalt  }
0x73: {  	_ =	shalt  }
0x74: {  	_ =	shalt  }
0x75: {  	_ =	shalt  }
0x76: {  	_ =	shalt  }
0x77: {  	_ =	shalt  }
0x78: {  	_ =	shalt  }
0x79: {  	_ =	shalt  }
0x7a: {  	_ =	shalt  }
0x7b: {  	_ =	shalt  }
0x7c: {  	_ =	shalt  }
0x7d: {  	_ =	shalt  }
0x7e: {  	_ =	shalt  }
0x7f: {  	_ =	shalt  }
0x80: {  	_ =	shalt  }
0x81: {  	_ =	shalt  }
0x82: {  	_ =	shalt  }
0x83: {  	_ =	shalt  }
0x84: {  	_ =	shalt  }
0x85: {  	_ =	shalt  }
0x86: {  	_ =	shalt  }
0x87: {  	_ =	shalt  }
.Lfunc_end0:
.L_simem_size_0:
called_computation.1_lowered:
.L_overlay_start_0:
0x88: {  	s2 =	sld [smem:$0x3FD9]  }
0x89: {  	s3 =	sld [smem:$0x3FFE];
	_ =	sdelay $0x1  }
0x8a: {  	s1 =	srdreg.scid  }
0x8b: {  	s0 =	sand.u32 $0x1, s1  }
0x8c: {  	s16 =	sshll.u32 s0, $0xA;
	s2 =	sadd.s32 s3, s2  }
0x8d: {  	s2 =	sadd.s32 s2, s16  }
0x8e: {  	[smem:$0x3FBC] =	sst s2  }
0x8f: {  	_ = 	snop  }
0x90: {  	(tm) =	ssettm $0x1  }
0x91: {  	s17 =	sld [smem:$0x3FFB];
	_ =	sdelay $0x3  }
0x92: {  	_ =	strace s17  }
0x93: {  	s2 =	sld [smem:$0x3FFC];
	_ =	sdelay $0x3  }
0x94: {  	_ =	strace s2  }
0x95: {  	s2 =	sld [smem:$0x3FFD];
	_ =	sdelay $0x3  }
0x96: {  	_ =	strace s2  }
0x97: {  	_ =	strace $0x8FFFFFFF  }
0x98: {  	s18 =	sld [smem:$0x3FDB];
	_ =	sdelay $0x1  }
0x99: {  	s19 =	simm.s32 $_scs_section_size  }
0x9a: {  	s4 =	simm.s32 $_size__tile_overlayer_lowered;
	s5 =	simm.s32 $_tile_overlayer_lowered  }
0x9b: {  	s22 =	simm.s32 $0x1BFF;
	s21 =	sshll.u32 s5, $0x1;
	s2 =	sadd.s32 s19, s18  }
0x9c: {  	s6 =	simm.s32 $0x0;
	s20 =	sshll.u32 s4, $0x1;
	s4 =	sadd.s32 s21, s2  }
0x9d: {  	[timem:s6], [sflag:s22] =	dma.local [hbm:s4], s20  }
0x9e: {  	_ =	swait.ge [sflag:s22], s20  }
0x9f: {  	s3 =	ssub.s32 $0x0, s20;
	[sflag:s22] =	ssyncset.done $0x0  }
0xa0: {  	[sflag:s22] =	ssyncadd.s32 s3;
	_ =	sdelay $0x1  }
0xa1: {  	s23 =	simm.s32 $0x1B8B  }
0xa2: {  	_ =	swait.ge [sflag:s23], $0x1  }
0xa3: {  	[sflag:s23] =	ssyncset.done $0x0  }
0xa4: {  	s25 =	simm.s32 $0x1B8E;
	s24 =	sld [smem:$0x3FFE];
	[sflag:s23] =	ssyncadd.s32 $0xFFFFFFFF  }
0xa5: {  	s26 =	simm.s32 $execute0_lowered;
	[smem:$0x3FD2] =	sst s25  }
0xa6: {  	s4 =	sshll.u32 s26, $0x1;
	_ =	strace $0x80000049;
	[dreg:$0x1] =	wrdreg $0xFFFFFFFF  }
0xa7: {  	s28 =	simm.s32 $_size_execute0_lowered;
	s2 =	sadd.s32 s2, s4;
	[dreg:$0x0] =	wrdreg $0x0  }
0xa8: {  	s4 =	sshll.u32 s28, $0x1;
	[dreg:$0x2] =	wrdreg s2  }
0xa9: {  	[dreg:$0x3] =	wrdreg s4  }
0xaa: {  	[dreg:$0x4] =	wrdreg $0xC0  }
0xab: {  	_ =	task [dreg:s6], $0x5FFFF  }
0xac: {  	[dreg:$0x1] =	wrdreg $0xFFFFFFFF  }
0xad: {  	[dreg:$0x0] =	wrdreg $0x60  }
0xae: {  	[dreg:$0x2] =	wrdreg s24  }
0xaf: {  	[dreg:$0x3] =	wrdreg $0xA8000  }
0xb0: {  	[dreg:$0x4] =	wrdreg $0x9  }
0xb1: {  	_ =	task.clear_ibuf [dreg:s6], $0x5FFFF;
	_ =	strace $0x90000049  }
0xb2: {  	s29 =	simm.s32 $0x9;
	_ =	strace $0x8000004B  }
0xb3: {  	_ =	swait.ge [sflag:s29], $0x1  }
0xb4: {  	[sflag:s29] =	ssyncadd.s32 $0xFFFFFFFF  }
0xb5: {  	_ =	strace $0x9000004B  }
0xb6: {  	_ =	sfence  }
0xb7: {  	s30 =	sld [smem:$0x0];
	_ =	sdelay $0x2  }
0xb8: {  	s31 =	sshll.u32 s1, $0xD;
	s1 =	sshrl.u32 s1, $0x2  }
0xb9: {  	s3 =	sand.u32 $0x4000, s31;
	s1 =	sadd.s32 s1, s30  }
0xba: {  	s0 =	sor.u32 s3, s0;
	s1 =	sshll.u32 s1, $0x11  }
0xbb: {  	s0 =	sor.u32 s1, s0  }
0xbc: {  	s0 =	sadd.s32 $0x8F2B, s0  }
0xbd: {  	[sflag:s0] =	ssyncadd.remote.s32 $0x1  }
0xbe: {  	_ =	sfence.sel $0xFFFF  }
0xbf: {  	[dreg:$0x0] =	wrdreg $0xFFFFFFFF;
	(pc) =	sbr.abs _section_cstart, $3  }
0xc0: {  	[dreg:$0x1] =	wrdreg $0xFFFFFFFF  }
0xc1: {  	_ =	task.clear_ibuf [dreg:s6], $0x2FFFF;
	_ =	strace $0x9FFFFFFF  }
0xc2: {  	(tm) =	ssettm $0x7FFFFFFF  }
0xc3: {  	_ =	shalt  }
tec
execute0_lowered:
.L_overlay_start_1:
0x0: {  	(tag) =	ssettag $0x1  }
0x1: {  	s0 =	rddreg [dreg:$0x0]  }
0x2: {  	s2 =	rddreg [dreg:$0x1]  }
0x3: {  	s3 =	simm.s32 $0x0;
	s23 =	stileid.u32;
	s7 =	srdreg.scid  }
0x4: {  	s28 =	simm.s32 $0x6800;
	s29 =	simm.s32 $0x1;
	s30 =	simm.s32 $0x2  }
0x5: {  	s31 =	simm.s32 $0x0;
	[smem:$0x7FF] =	sst s3;
	s4 =	sadd.s32 $0x66400, s0  }
0x6: {  	s1 =	smul.u32 $0x13800, s23;
	s6 =	sadd.s32 $0x21200, s0;
	s8 =	sadd.s32 $0x3200, s0  }
0x7: {  	s13 =	sand.u32 $0x1, s7;
	s26 =	smul.u32 $0x4E000, s23;
	s15 =	sadd.s32 $0x8D600, s0  }
0x8: {  	s12 =	sshll.u32 s23, $0x1;
	s14 =	sshll.u32 s23, $0x6;
	s17 =	sadd.s32 $0x138000, s2  }
0x9: {  	p1 =	sne.s32 s23, $0xF;
	s23 =	simm.s32 $0x3;
	_ =	strace $0x8000004A  }
0xa: {  	s10 =	ssub.s32 $0x2, s13;
	[dreg:$0x5] =	wrdreg s17;
	s9 =	sshrl.u32 s1, $0x3  }
0xb: {  	s11 =	sshrl.u32 s10, $0x1;
	s7 =	sshrl.u32 s26, $0x2;
	s9 =	sadd.s32 s9, s0  }
0xc: {  	s21 =	ssub.s32 s10, s11;
	s11 =	sor.u32 s13, s12;
	s7 =	sadd.s32 s7, s2  }
0xd: {  	s0 =	sadd.s32 $0x66200, s0;
	s13 =	smul.u32 $0x138800, s13;
	[dreg:$0x3] =	wrdreg s7  }
0xe: {  	s12 =	sadd.s32 $0x3F200, s9;
	s16 =	smul.u32 $0x2800, s11;
	s7 =	sor.u32 $0x1C03, s14  }
0xf: {  	[dreg:$0x6] =	wrdreg s0;
	p0 =	seq.s32 s11, $0x1F;
	s0 =	simm.s32 $0x14  }
0x10: {  	s21 =	smax.u32 s21, $0x1;
	[dreg:$0x4] =	wrdreg s12;
	s0 =	simm.s32 @!p0 $0x50  }
0x11: {  	s1 =	sadd.s32 s1, s13;
	s18 =	sshrl.u32 s13, $0x3;
	s14 =	sshrl.u32 s16, $0x3  }
0x12: {  	s12 =	smin.u32 s0, $0x28;
	s0 =	smax.u32 s0, $0x28;
	s19 =	sshrl.u32 s1, $0x3  }
0x13: {  	s24 =	sadd.s32 s15, s18;
	s10 =	sadd.s32 s6, s14;
	s11 =	sadd.s32 s8, s14  }
.Ltmp0:
0x14: {  	s16 =	sadd.s32 $0x280, s14;
	s22 =	sshrl.u32 s12, $0x1;
	(pc) =	sbr.rel .LBB2_1-.Ltmp0, $4  }
0x15: {  	s17 =	sadd.s32 $0xFFFFFFD8, s0;
	s18 =	sadd.s32 s15, s19;
	s19 =	sadd.s32 $0x27000, s24  }
0x16: {  	s24 =	simm.s32 $0x1400;
	s14 =	sadd.s32 s6, s16;
	s25 =	sshrl.u32 s17, $0x1  }
0x17: {  	s16 =	sadd.s32 s8, s16;
	s22 =	sadd.s32 $0xFFFFFFFF, s22;
	s26 =	smax.u32 s25, $0x1  }
0x18: {  	s25 =	simm.s32 $0x80;
	[dreg:$0x7] =	wrdreg s26;
	s26 =	simm.s32 $0x2800  }
.LBB2_9:
0x19: {  	[sflag:s23] =	ssyncset.done $0x0;
	s10 =	smov.u32 s14;
	s11 =	smov.u32 s16  }
0x1a: {  	s14 =	smov.u32 s18;
	s16 =	smov.u32 s19;
	s18 =	smov.u32 s24  }
0x1b: {  	s19 =	smov.u32 s21;
	s21 =	smov.u32 s22;
	s22 =	smov.u32 s3  }
0x1c: {  	s3 =	simm.s32 $0x0;
	s24 =	simm.s32 $0x1400;
	[sflag:s23] =	ssyncadd.s32 $0xFFFFC000  }
.LBB2_10:
0x1d: {  	[bflag:$0x0] =	sbarrier.arrive $0xFFFF  }
0x1e: {  	[hbm:s18], [sflag:s7] =	dma.local [spmem:s0], $0x2700  }
0x1f: {  	s31 =	sadd.s32 $0x1, s31;
	_ =	swait.ge [sflag:s23], $0x2700  }
0x20: {  	p2 =	sne.s32 s31, s21;
	[sflag:s23] =	ssyncset.done $0x0  }
.Ltmp1:
0x21: {  	s0 =	simm.s32 @!p1 $0x3;
	[sflag:s23] =	ssyncadd.s32 $0xFFFFD900;
	(pc) =	sbr.rel @!p2 .LBB2_11-.Ltmp1, $4  }
0x22: {  	[hbm:s19], [sflag:s7] =	dma.local @!p1 [spmem:s1], $0x100  }
0x23: {  	_ =	swait.ge @!p1 [sflag:s0], $0x100  }
0x24: {  	[sflag:s0] =	ssyncset.done @!p1 $0x0  }
0x25: {  	[sflag:s0] =	ssyncadd.s32 @!p1 $0xFFFFFF00  }
.LBB2_1:
0x26: {  	s0 =	rddreg [dreg:$0x3]  }
0x27: {  	s1 =	rddreg [dreg:$0x4];
	s0 =	sshrl.u32 s0, $0x3  }
0x28: {  	[spmem:s0], [sflag:s7] =	dma.local [hbm:s1], $0x2700  }
0x29: {  	_ =	swait.ge [sflag:s23], $0x2700  }
0x2a: {  	[sflag:s23] =	ssyncset.done $0x0;
	s1 =	rddreg [dreg:$0x5]  }
0x2b: {  	s6 =	rddreg [dreg:$0x6];
	[sflag:s23] =	ssyncadd.s32 $0xFFFFD900;
	s1 =	sshrl.u32 @!p1 s1, $0x3  }
0x2c: {  	[spmem:s1], [sflag:s7] =	dma.local @!p1 [hbm:s6], $0x100  }
0x2d: {  	s6 =	simm.s32 @!p1 $0x3  }
0x2e: {  	_ =	swait.ge @!p1 [sflag:s6], $0x100  }
0x2f: {  	[sflag:s6] =	ssyncset.done @!p1 $0x0  }
0x30: {  	[sflag:s6] =	ssyncadd.s32 @!p1 $0xFFFFFF00  }
0x31: {  	[bflag:$0x0] =	sbarrier.arrive $0xFFFF  }
0x32: {  	[tilespmem:s3], [sflag:$0x3] =	stream.linear.gather [hbm4b:s10+s3], $0x1400, $0x38;
	[tilespmem:$0x1E080] =	vst v63  }
0x33: {  	_ =	swait.ge [sflag:s23], $0x1400  }
0x34: {  	s6 =	sadd.s32 $0xFFFFFFFF, s22;
	[sflag:s23] =	ssyncset.done $0x0  }
0x35: {  	p3 =	sne.s32 s6, $0x0;
	[sflag:s23] =	ssyncadd.s32 $0xFFFFEC00  }
0x36: {  	[tilespmem:s24], [sflag:$0x3] =	stream.linear.gather [hbm4b:s11+s3], $0x1400, $0x38;
	[tilespmem:$0x1E080] =	vst v63  }
.Ltmp2:
0x37: {  	_ = 	snop;
	(pc) =	sbr.rel @!p3 .LBB2_2-.Ltmp2, $4  }
0x38: {  	_ =	swait.ge [sflag:s23], $0x1400  }
0x39: {  	s15 =	simm.s32 $0x100;
	[sflag:s23] =	ssyncset.done $0x0  }
0x3a: {  	s13 =	simm.s32 $0x1480;
	p2 =	por $0x0, $0x0;
	[sflag:s23] =	ssyncadd.s32 $0xFFFFEC00  }
0x3b: {  	[tilespmem:s26], [sflag:$0x1] =	stream.indirect.gather [hbm4b:s4+s25], $0x80, s3, s25, $0xb8;
	[tilespmem:$0x1E080] =	vst v63  }
0x3c: {  	s8 =	simm.s32 $0x80  }
0x3d: {  	[tilespmem:s28], [sflag:$0x2] =	stream.indirect.gather [hbm4b:s4+s25], $0x80, s8, s25, $0xb8;
	[tilespmem:$0x1E080] =	vst v63  }
0x3e: {  	_ =	swait.ge [sflag:s29], $0x4000  }
0x3f: {  	[sflag:s29] =	ssyncset.done $0x0  }
0x40: {  	s9 =	simm.s32 $0x1400;
	[sflag:s29] =	ssyncadd.s32 $0xFFFFC000  }
0x41: {  	[spmem:s2] =	stream.indirect.scatter.add.f32 [tilespmem:s26], [sflag:$0x3], $0x80, s9, s25, $0xb8;
	[tilespmem:$0x1E080] =	vst v63  }
0x42: {  	_ =	swait.ge [sflag:s23], $0x4000  }
0x43: {  	p2 =	sle.u32 s12, $0x2;
	[sflag:s23] =	ssyncset.done $0x0  }
0x44: {  	s8 =	simm.s32 @!p2 $0x80;
	s9 =	simm.s32 @!p2 $0x2800;
	[sflag:s23] =	ssyncadd.s32 $0xFFFFC000  }
0x45: {  	[tilespmem:s9], [sflag:$0x1] =	stream.indirect.gather @!p2 [hbm4b:s4+s8], $0x80, s15, s8, $0xb8;
	[tilespmem:$0x1E080] =	vst v63  }
0x46: {  	s8 =	sadd.s32 $0xFFFFFFFF, s6  }
0x47: {  	_ =	swait.ge [sflag:s30], $0x4000;
	p3 =	sne.s32 s8, $0x0  }
.Ltmp3:
0x48: {  	[sflag:s30] =	ssyncset.done $0x0;
	(pc) =	sbr.rel @!p3 .LBB2_6-.Ltmp3, $4  }
0x49: {  	[sflag:s30] =	ssyncadd.s32 $0xFFFFC000  }
0x4a: {  	[spmem:s2] =	stream.indirect.scatter.add.f32 [tilespmem:s28], [sflag:$0x3], $0x80, s13, s25, $0xb8;
	[tilespmem:$0x1E080] =	vst v63  }
0x4b: {  	s15 =	simm.s32 $0x200;
	s6 =	simm.s32 $0x4;
	_ =	swait.ge [sflag:s23], $0x4000  }
0x4c: {  	p2 =	por $0x1, $0x1;
	s13 =	simm.s32 $0x1580;
	[sflag:s23] =	ssyncset.done $0x0  }
.LBB2_4:
0x4d: {  	s8 =	sadd.s32 $0xFFFFFFFF, s8;
	s5 =	sadd.s32 $0xFFFFFF80, s15;
	[sflag:s23] =	ssyncadd.s32 $0xFFFFC000  }
0x4e: {  	[tilespmem:s28], [sflag:$0x2] =	stream.indirect.gather [hbm4b:s4+s25], $0x80, s5, s25, $0xb8;
	[tilespmem:$0x1E080] =	vst v63  }
0x4f: {  	p3 =	sne.s32 s8, $0x0;
	_ =	swait.ge [sflag:s29], $0x4000  }
0x50: {  	[sflag:s29] =	ssyncset.done $0x0  }
0x51: {  	s5 =	sadd.s32 $0xFFFFFF80, s13;
	[sflag:s29] =	ssyncadd.s32 $0xFFFFC000  }
0x52: {  	[spmem:s2] =	stream.indirect.scatter.add.f32 [tilespmem:s26], [sflag:$0x3], $0x80, s5, s25, $0xb8;
	[tilespmem:$0x1E080] =	vst v63  }
0x53: {  	_ =	swait.ge [sflag:s23], $0x4000  }
0x54: {  	p4 =	sge.u32 s6, s12;
	[sflag:s23] =	ssyncset.done $0x0  }
0x55: {  	s9 =	simm.s32 @!p4 $0x2800;
	s5 =	simm.s32 @!p4 $0x80;
	[sflag:s23] =	ssyncadd.s32 $0xFFFFC000  }
0x56: {  	[tilespmem:s9], [sflag:$0x1] =	stream.indirect.gather @!p4 [hbm4b:s4+s5], $0x80, s15, s5, $0xb8;
	[tilespmem:$0x1E080] =	vst v63  }
0x57: {  	_ =	swait.ge [sflag:s30], $0x4000  }
.Ltmp4:
0x58: {  	[sflag:s30] =	ssyncset.done $0x0;
	(pc) =	sbr.rel @p3 .LBB2_4-.Ltmp4, $4  }
0x59: {  	s20 =	sadd.s32 $0x100, s13;
	[sflag:s30] =	ssyncadd.s32 $0xFFFFC000  }
0x5a: {  	[spmem:s2] =	stream.indirect.scatter.add.f32 [tilespmem:s28], [sflag:$0x3], $0x80, s13, s25, $0xb8;
	[tilespmem:$0x1E080] =	vst v63  }
0x5b: {  	s6 =	sadd.s32 $0x2, s6;
	s5 =	sadd.s32 $0x100, s15;
	_ =	swait.ge [sflag:s23], $0x4000  }
0x5c: {  	s15 =	smov.u32 s5;
	s13 =	smov.u32 s20;
	[sflag:s23] =	ssyncset.done $0x0  }
0x5d: {  	s15 =	smov.u32 s5;
	s13 =	smov.u32 s20  }
.LBB2_6:
0x5e: {  	s8 =	sadd.s32 $0xFFFFFF80, s15;
	[sflag:s23] =	ssyncadd.s32 @p2 $0xFFFFC000  }
0x5f: {  	[tilespmem:s28], [sflag:$0x2] =	stream.indirect.gather [hbm4b:s4+s25], $0x80, s8, s25, $0xb8;
	[tilespmem:$0x1E080] =	vst v63  }
0x60: {  	_ =	swait.ge [sflag:s29], $0x4000  }
0x61: {  	[sflag:s29] =	ssyncset.done $0x0  }
0x62: {  	s9 =	sadd.s32 $0xFFFFFF80, s13;
	[sflag:s29] =	ssyncadd.s32 $0xFFFFC000  }
0x63: {  	[spmem:s2] =	stream.indirect.scatter.add.f32 [tilespmem:s26], [sflag:$0x3], $0x80, s9, s25, $0xb8;
	[tilespmem:$0x1E080] =	vst v63  }
0x64: {  	_ =	swait.ge [sflag:s23], $0x4000  }
0x65: {  	p2 =	sge.u32 s6, s12;
	[sflag:s23] =	ssyncset.done $0x0  }
0x66: {  	s8 =	simm.s32 @!p2 $0x80;
	s9 =	simm.s32 @!p2 $0x2800;
	[sflag:s23] =	ssyncadd.s32 $0xFFFFC000  }
0x67: {  	[tilespmem:s9], [sflag:$0x1] =	stream.indirect.gather @!p2 [hbm4b:s4+s8], $0x80, s15, s8, $0xb8;
	[tilespmem:$0x1E080] =	vst v63  }
0x68: {  	_ =	swait.ge [sflag:s30], $0x4000  }
0x69: {  	[sflag:s30] =	ssyncset.done $0x0  }
0x6a: {  	[sflag:s30] =	ssyncadd.s32 $0xFFFFC000  }
0x6b: {  	[spmem:s2] =	stream.indirect.scatter.add.f32 [tilespmem:s28], [sflag:$0x3], $0x80, s13, s25, $0xb8;
	[tilespmem:$0x1E080] =	vst v63  }
0x6c: {  	_ =	swait.ge [sflag:s23], $0x4000  }
0x6d: {  	[sflag:s23] =	ssyncset.done $0x0  }
0x6e: {  	s9 =	sadd.s32 $0x80, s5;
	[sflag:s23] =	ssyncadd.s32 $0xFFFFC000  }
0x6f: {  	[tilespmem:s28], [sflag:$0x2] =	stream.indirect.gather [hbm4b:s4+s25], $0x80, s9, s25, $0xb8;
	[tilespmem:$0x1E080] =	vst v63  }
0x70: {  	_ =	swait.ge [sflag:s29], $0x4000  }
0x71: {  	[sflag:s29] =	ssyncset.done $0x0  }
0x72: {  	s9 =	sadd.s32 $0x80, s20;
	[sflag:s29] =	ssyncadd.s32 $0xFFFFC000  }
0x73: {  	[spmem:s2] =	stream.indirect.scatter.add.f32 [tilespmem:s26], [sflag:$0x3], $0x80, s9, s25, $0xb8;
	[tilespmem:$0x1E080] =	vst v63  }
0x74: {  	s9 =	sadd.s32 $0x2, s6;
	_ =	swait.ge [sflag:s23], $0x4000  }
0x75: {  	s8 =	sadd.s32 $0x100, s15;
	p2 =	sge.u32 s9, s12;
	[sflag:s23] =	ssyncset.done $0x0  }
0x76: {  	s6 =	simm.s32 @!p2 $0x80;
	s9 =	simm.s32 @!p2 $0x2800;
	[sflag:s23] =	ssyncadd.s32 $0xFFFFC000  }
0x77: {  	[tilespmem:s9], [sflag:$0x1] =	stream.indirect.gather @!p2 [hbm4b:s4+s6], $0x80, s8, s6, $0xb8;
	[tilespmem:$0x1E080] =	vst v63  }
0x78: {  	_ =	swait.ge [sflag:s30], $0x4000  }
0x79: {  	[sflag:s30] =	ssyncset.done $0x0  }
0x7a: {  	s15 =	sadd.s32 $0x100, s13;
	[sflag:s30] =	ssyncadd.s32 $0xFFFFC000  }
0x7b: {  	[spmem:s2] =	stream.indirect.scatter.add.f32 [tilespmem:s28], [sflag:$0x3], $0x80, s15, s25, $0xb8;
	[tilespmem:$0x1E080] =	vst v63  }
0x7c: {  	_ =	swait.ge [sflag:s23], $0x4000  }
0x7d: {  	[sflag:s23] =	ssyncset.done $0x0  }
0x7e: {  	[sflag:s23] =	ssyncadd.s32 $0xFFFFC000  }
0x7f: {  	[tilespmem:s3], [sflag:$0x3] =	stream.linear.gather [hbm4b:s14+s3], $0x1400, $0x38;
	[tilespmem:$0x1E080] =	vst v63  }
0x80: {  	_ =	swait.ge [sflag:s23], $0x1400  }
0x81: {  	[sflag:s23] =	ssyncset.done $0x0  }
.Ltmp5:
0x82: {  	[sflag:s23] =	ssyncadd.s32 $0xFFFFEC00;
	(pc) =	sbr.rel @p0 .LBB2_10-.Ltmp5, $4  }
0x83: {  	[tilespmem:s24], [sflag:$0x3] =	stream.linear.gather [hbm4b:s16+s3], $0x1400, $0x38;
	[tilespmem:$0x1E080] =	vst v63  }
0x84: {  	_ =	swait.ge [sflag:s23], $0x1400  }
0x85: {  	[sflag:s23] =	ssyncset.done $0x0  }
0x86: {  	[sflag:s23] =	ssyncadd.s32 $0xFFFFEC00  }
0x87: {  	s8 =	simm.s32 $0x0;
	s6 =	simm.s32 $0x80  }
0x88: {  	[tilespmem:s26], [sflag:$0x1] =	stream.indirect.gather [hbm4b:s4+s6], $0x80, s8, s6, $0xb8;
	[tilespmem:$0x1E080] =	vst v63  }
0x89: {  	_ = 	snop  }
0x8a: {  	[tilespmem:s28], [sflag:$0x2] =	stream.indirect.gather [hbm4b:s4+s25], $0x80, s6, s25, $0xb8;
	[tilespmem:$0x1E080] =	vst v63  }
0x8b: {  	_ =	swait.ge [sflag:s29], $0x4000  }
0x8c: {  	[sflag:s29] =	ssyncset.done $0x0  }
0x8d: {  	s6 =	simm.s32 $0x1400;
	[sflag:s29] =	ssyncadd.s32 $0xFFFFC000  }
0x8e: {  	[spmem:s2] =	stream.indirect.scatter.add.f32 [tilespmem:s26], [sflag:$0x3], $0x80, s6, s25, $0xb8;
	[tilespmem:$0x1E080] =	vst v63  }
0x8f: {  	p2 =	sle.u32 s17, $0x2;
	_ =	swait.ge [sflag:s23], $0x4000  }
0x90: {  	s8 =	simm.s32 @!p2 $0x100;
	[sflag:s23] =	ssyncset.done $0x0  }
0x91: {  	s9 =	simm.s32 @!p2 $0x80;
	s13 =	simm.s32 @!p2 $0x2800;
	[sflag:s23] =	ssyncadd.s32 $0xFFFFC000  }
0x92: {  	[tilespmem:s13], [sflag:$0x1] =	stream.indirect.gather @!p2 [hbm4b:s4+s9], $0x80, s8, s9, $0xb8;
	[tilespmem:$0x1E080] =	vst v63  }
0x93: {  	_ =	swait.ge [sflag:s30], $0x4000  }
0x94: {  	s13 =	rddreg [dreg:$0x7]  }
0x95: {  	s3 =	smov.u32 s22;
	s8 =	sadd.s32 $0xFFFFFFFF, s13  }
0x96: {  	s22 =	smov.u32 s21;
	s21 =	smov.u32 s19;
	p2 =	sne.s32 s8, $0x0  }
.Ltmp6:
0x97: {  	s24 =	smov.u32 s18;
	s19 =	smov.u32 s16;
	(pc) =	sbr.rel @!p2 .LBB2_9-.Ltmp6, $4  }
0x98: {  	s18 =	smov.u32 s14;
	s16 =	smov.u32 s11;
	[sflag:s30] =	ssyncset.done $0x0  }
0x99: {  	s14 =	smov.u32 s10;
	s15 =	simm.s32 $0x1480;
	[sflag:s30] =	ssyncadd.s32 $0xFFFFC000  }
0x9a: {  	[spmem:s2] =	stream.indirect.scatter.add.f32 [tilespmem:s28], [sflag:$0x3], $0x80, s15, s25, $0xb8;
	[tilespmem:$0x1E080] =	vst v63  }
0x9b: {  	s13 =	simm.s32 $0x180;
	s15 =	simm.s32 $0x4;
	_ =	swait.ge [sflag:s23], $0x4000  }
.LBB2_8:
0x9c: {  	s8 =	sadd.s32 $0xFFFFFFFF, s8;
	[sflag:s23] =	ssyncset.done $0x0;
	s6 =	sadd.s32 $0x100, s6  }
0x9d: {  	p2 =	sne.s32 s8, $0x0;
	[sflag:s23] =	ssyncadd.s32 $0xFFFFC000  }
0x9e: {  	[tilespmem:s28], [sflag:$0x2] =	stream.indirect.gather [hbm4b:s4+s25], $0x80, s13, s25, $0xb8;
	[tilespmem:$0x1E080] =	vst v63  }
0x9f: {  	_ =	swait.ge [sflag:s29], $0x4000  }
0xa0: {  	[sflag:s29] =	ssyncset.done $0x0  }
0xa1: {  	[sflag:s29] =	ssyncadd.s32 $0xFFFFC000  }
0xa2: {  	[spmem:s2] =	stream.indirect.scatter.add.f32 [tilespmem:s26], [sflag:$0x3], $0x80, s6, s25, $0xb8;
	[tilespmem:$0x1E080] =	vst v63  }
0xa3: {  	p3 =	sge.u32 s15, s17;
	_ =	swait.ge [sflag:s23], $0x4000  }
0xa4: {  	s9 =	sadd.s32 @!p3 $0x80, s13;
	s10 =	simm.s32 @!p3 $0x80;
	[sflag:s23] =	ssyncset.done $0x0  }
0xa5: {  	s11 =	simm.s32 @!p3 $0x2800;
	[sflag:s23] =	ssyncadd.s32 $0xFFFFC000  }
0xa6: {  	[tilespmem:s11], [sflag:$0x1] =	stream.indirect.gather @!p3 [hbm4b:s4+s10], $0x80, s9, s10, $0xb8;
	[tilespmem:$0x1E080] =	vst v63  }
.Ltmp7:
0xa7: {  	_ =	swait.ge [sflag:s30], $0x4000;
	(pc) =	sbr.rel @p2 .LBB2_8-.Ltmp7, $4  }
0xa8: {  	s9 =	sadd.s32 $0x80, s6;
	[sflag:s30] =	ssyncset.done $0x0  }
0xa9: {  	[sflag:s30] =	ssyncadd.s32 $0xFFFFC000  }
0xaa: {  	[spmem:s2] =	stream.indirect.scatter.add.f32 [tilespmem:s28], [sflag:$0x3], $0x80, s9, s25, $0xb8;
	[tilespmem:$0x1E080] =	vst v63  }
0xab: {  	s15 =	sadd.s32 $0x2, s15;
	s13 =	sadd.s32 $0x100, s13;
	_ =	swait.ge [sflag:s23], $0x4000  }
.Ltmp8:
0xac: {  	_ = 	snop;
	(pc) =	sbr.rel .LBB2_9-.Ltmp8, $1  }
0xad: {  	_ =	sdelay $0x3  }
.LBB2_2:
.Ltmp9:
0xae: {  	(pc) =	sbr.rel .LBB2_6-.Ltmp9, $2  }
0xaf: {  	_ =	sdelay $0x2  }
0xb0: {  	s6 =	simm.s32 $0x2  }
.LBB2_11:
0xb1: {  	_ =	sfence.sel $0x180000  }
0xb2: {  	[bflag:$0x0] =	sbarrier.arrive $0xFFFF  }
0xb3: {  	_ =	strace $0x9000004A  }
0xb4: {  	s0 =	stileid.u32;
	[bflag:$0x2] =	sbarrier.arrive $0xFFFF  }
0xb5: {  	p0 =	sne.s32 s0, $0x0;
	s0 =	rddreg [dreg:$0x2]  }
0xb6: {  	s0 =	sadd.s32 @!p0 $0x100000, s0  }
0xb7: {  	[sflag:s0] =	ssyncadd.tile.s32 @!p0 $0x1;
	_ =	shalt  }
.Lfunc_end2:
_tile_overlayer_lowered:
.L_overlay_start_2:
0xb8: {  	(tag) =	ssettag $0x2  }
0xb9: {  	s0 =	rddreg [dreg:$0x0];
	s2 =	stileid.u32  }
0xba: {  	s1 =	rddreg [dreg:$0x1];
	p0 =	sne.s32 s2, $0x0  }
0xbb: {  	s3 =	rddreg [dreg:$0x2];
	[bflag:$0x3] =	sbarrier.arrive $0xFFFF;
	s2 =	simm.s32 @!p0 $0x1C03  }
0xbc: {  	[timem:s3], [sflag:s2] =	dma.local @!p0 [hbm:s0], s1  }
0xbd: {  	s0 =	simm.s32 @!p0 $0x3  }
0xbe: {  	_ =	swait.ge @!p0 [sflag:s0], s1  }
0xbf: {  	s1 =	ssub.s32 @!p0 $0x0, s1;
	[sflag:s0] =	ssyncset.done @!p0 $0x0  }
0xc0: {  	[sflag:s0] =	ssyncadd.s32 @!p0 s1  }
0xc1: {  	[bflag:$0x3] =	sbarrier.arrive $0xFFFF  }
0xc2: {  	_ =	shalt  }

</sc_bundles>
